<compile_context>
chip_gen: v7x
topology: tpu7x:2x2x1
jax: 0.10.2.dev20260603
libtpu: 0.0.44.dev20260713+nightly
codegen_flags: <defaults>
</compile_context>

<pallas_src>
import functools

import jax
import jax.numpy as jnp
from jax import lax
from jax.experimental import pallas as pl
from jax.experimental.pallas import tpu as pltpu
from jax.experimental.pallas import tpu_sc as plsc

N_NODES = 100000
HID = 128
NUM_CLASS = 32
NUM_SEG = 256

_R = 2920
_K = 16
_M = _R * _K
_C = 128
_NCH = (N_NODES - 32 - _M) // _C
_TAIL = N_NODES - _M - _NCH * _C
_NC = 2
_NS = 16
_NW = _NC * _NS
_MAXCH = _NCH // _NW


def _sc_body(x_hbm, ids2_hbm, ones_hbm, zc_hbm, sums_hbm, cnt_hbm,
             xbuf0, xbuf1, xbuf2, xbuf3, idbuf, ones_v, zer_v, zc_v,
             acc_sh, cnt_sh,
             sem_x, sem_i, sem_s, sem_c):
    cid = lax.axis_index("c")
    sid = lax.axis_index("s")
    wid = sid * _NC + cid

    c0 = wid * _MAXCH

    cp_ids = pltpu.async_copy(ids2_hbm.at[pl.ds(c0, _MAXCH)], idbuf, sem_i)
    pltpu.sync_copy(ones_hbm, ones_v)

    z16 = jnp.zeros((16,), jnp.float32)
    for r in range(16):
        for j in range(HID // 16):
            zer_v[r, pl.ds(j * 16, 16)] = z16
    pltpu.sync_copy(zer_v, acc_sh.at[pl.ds(sid * 16, 16)])

    @pl.when(sid == 0)
    def _zero_counts():
        pltpu.sync_copy(zc_hbm, zc_v)
        pltpu.sync_copy(zc_v, cnt_sh)

    cp_ids.wait()
    plsc.subcore_barrier()

    bufs = (xbuf0, xbuf1, xbuf2, xbuf3)

    def x_chunk(i):
        return x_hbm.at[pl.ds(_M + (c0 + i) * _C, _C), :]

    def issue_load(i, buf):
        pltpu.async_copy(x_chunk(i), buf, sem_x)

    def wait_load(i, buf):
        pltpu.make_async_copy(x_chunk(i), buf, sem_x).wait()

    def issue_scatter(i, buf):
        pltpu.async_copy(buf, acc_sh.at[idbuf.at[i, 0]], sem_s, add=True)
        pltpu.async_copy(ones_v, cnt_sh.at[idbuf.at[i, 0]], sem_c, add=True)

    def drain_scatter():
        pltpu.make_async_copy(xbuf0, acc_sh.at[idbuf.at[0, 0]], sem_s).wait()
        pltpu.make_async_copy(ones_v, cnt_sh.at[idbuf.at[0, 0]], sem_c).wait()

    issue_load(0, xbuf0)
    issue_load(1, xbuf1)
    for i in range(_MAXCH):
        wait_load(i, bufs[i % 4])
        issue_scatter(i, bufs[i % 4])
        if i >= 2:
            drain_scatter()
        if i + 2 < _MAXCH:
            issue_load(i + 2, bufs[(i + 2) % 4])
    drain_scatter()
    drain_scatter()

    plsc.subcore_barrier()
    pltpu.sync_copy(acc_sh.at[pl.ds(sid * 16, 16)],
                    sums_hbm.at[cid, pl.ds(sid * 16, 16)])

    @pl.when(sid == 0)
    def _pub_counts():
        pltpu.sync_copy(cnt_sh, cnt_hbm.at[cid])


_sc_segsum = functools.partial(
    pl.kernel,
    out_type=(jax.ShapeDtypeStruct((_NC, NUM_SEG, HID), jnp.float32),
              jax.ShapeDtypeStruct((_NC, NUM_SEG), jnp.float32)),
    mesh=plsc.VectorSubcoreMesh(core_axis_name="c", subcore_axis_name="s",
                                num_cores=_NC, num_subcores=_NS),
    scratch_types=[
        pltpu.VMEM((_C, HID), jnp.float32),
        pltpu.VMEM((_C, HID), jnp.float32),
        pltpu.VMEM((_C, HID), jnp.float32),
        pltpu.VMEM((_C, HID), jnp.float32),
        pltpu.VMEM((_MAXCH, 1, _C), jnp.int32),
        pltpu.VMEM((_C,), jnp.float32),
        pltpu.VMEM((16, HID), jnp.float32),
        pltpu.VMEM((NUM_SEG,), jnp.float32),
        pltpu.VMEM_SHARED((NUM_SEG, HID), jnp.float32),
        pltpu.VMEM_SHARED((NUM_SEG,), jnp.float32),
        pltpu.SemaphoreType.DMA,
        pltpu.SemaphoreType.DMA,
        pltpu.SemaphoreType.DMA,
        pltpu.SemaphoreType.DMA,
    ],
)(_sc_body)


def _tc1_body(ids_ref, x_ref, sums_ref, cnt_ref):
    k = pl.program_id(0)

    @pl.when(k == 0)
    def _init():
        sums_ref[...] = jnp.zeros_like(sums_ref)
        cnt_ref[...] = jnp.zeros_like(cnt_ref)

    ids = ids_ref[0, 0, :]
    seg_iota = jax.lax.broadcasted_iota(jnp.int32, (NUM_SEG, _R), 0)
    onehot = (ids[None, :] == seg_iota).astype(jnp.bfloat16)
    sums_ref[...] += jax.lax.dot(onehot, x_ref[...].astype(jnp.bfloat16),
                                 preferred_element_type=jnp.float32)
    cnt_ref[0, :] += jnp.sum(onehot.astype(jnp.float32), axis=1)


def _tc1(ids3, x_front):
    return pl.pallas_call(
        _tc1_body,
        grid=(_K,),
        in_specs=[
            pl.BlockSpec((1, 1, _R), lambda k: (k, 0, 0)),
            pl.BlockSpec((_R, HID), lambda k: (k, 0)),
        ],
        out_specs=[
            pl.BlockSpec((NUM_SEG, HID), lambda k: (0, 0)),
            pl.BlockSpec((1, NUM_SEG), lambda k: (0, 0)),
        ],
        out_shape=[
            jax.ShapeDtypeStruct((NUM_SEG, HID), jnp.float32),
            jax.ShapeDtypeStruct((1, NUM_SEG), jnp.float32),
        ],
    )(ids3, x_front)


def _tc2_body(sums_tc_ref, cnt_tc_ref, sums_sc_ref, cnt_sc_ref,
              xt_ref, idt_ref, emb_ref, W_ref, b_ref, out_ref):
    sums = sums_tc_ref[...] + sums_sc_ref[0] + sums_sc_ref[1]
    seg_iota = jax.lax.broadcasted_iota(jnp.int32, (NUM_SEG, _TAIL), 0)
    onehot_t = (idt_ref[...] == seg_iota.astype(jnp.float32)).astype(jnp.float32)
    sums = sums + jax.lax.dot(onehot_t, xt_ref[...],
                              preferred_element_type=jnp.float32)
    counts = (cnt_tc_ref[0, :] + cnt_sc_ref[0] + cnt_sc_ref[1]
              + jnp.sum(onehot_t, axis=1))
    mean = sums / jnp.maximum(counts, 1.0)[:, None]
    cat = jnp.concatenate([mean, emb_ref[...]], axis=1)
    out_ref[...] = jax.lax.dot_general(
        cat, W_ref[...], (((1,), (1,)), ((), ())),
        preferred_element_type=jnp.float32) + b_ref[...]


def kernel(x, segment_ids, emb, W, b):
    ids = segment_ids.astype(jnp.int32)
    ids2 = ids[_M:_M + _NCH * _C].reshape(_NCH, 1, _C)
    ones_c = jnp.ones((_C,), jnp.float32)
    zc_c = jnp.zeros((NUM_SEG,), jnp.float32)
    sums_sc, cnt_sc = _sc_segsum(x, ids2, ones_c, zc_c)

    ids3 = ids[:_M].reshape(_K, 1, _R)
    sums_tc, cnt_tc = _tc1(ids3, x)

    ids_tail = ids[_M + _NCH * _C:].astype(jnp.float32).reshape(_TAIL, 1)
    nblk = N_NODES // _TAIL - 1
    out = pl.pallas_call(
        _tc2_body,
        grid=(1,),
        in_specs=[
            pl.BlockSpec((NUM_SEG, HID), lambda k: (0, 0)),
            pl.BlockSpec((1, NUM_SEG), lambda k: (0, 0)),
            pl.BlockSpec((_NC, NUM_SEG, HID), lambda k: (0, 0, 0)),
            pl.BlockSpec((_NC, NUM_SEG), lambda k: (0, 0)),
            pl.BlockSpec((_TAIL, HID), lambda k: (nblk, 0)),
            pl.BlockSpec((1, _TAIL), lambda k: (0, 0)),
            pl.BlockSpec((NUM_SEG, HID), lambda k: (0, 0)),
            pl.BlockSpec((NUM_CLASS, 2 * HID), lambda k: (0, 0)),
            pl.BlockSpec((1, NUM_CLASS), lambda k: (0, 0)),
        ],
        out_specs=pl.BlockSpec((NUM_SEG, NUM_CLASS), lambda k: (0, 0)),
        out_shape=jax.ShapeDtypeStruct((NUM_SEG, NUM_CLASS), jnp.float32),
    )(sums_tc, cnt_tc, sums_sc, cnt_sc, x, jnp.transpose(ids_tail),
      emb, W, b.reshape(1, NUM_CLASS))
    return out

# --- scband reference (transcript-rebuilt; emitter-appended) ---
"""Pipeline reference for scband-mean-anwser-28028956573994 (READ-ONLY COPY).

The authoritative reference and input builder live on the scoring server;
editing this copy changes nothing except your own understanding.
"""

import jax, jax.numpy as jnp
import numpy as np

N_NODES = 100000
HID = 128
NUM_CLASS = 32
NUM_GRAPHS = 256

def setup_inputs(seed: int = 0) -> dict:
    key = jax.random.key(seed)
    k1, k2, k3, k4 = jax.random.split(key, 4)
    x = jax.random.normal(k1, (N_NODES, HID), dtype=jnp.float32)
    segment_ids = jnp.sort(jax.random.randint(k2, (N_NODES,), 0, NUM_GRAPHS))
    emb = jax.random.normal(k3, (NUM_GRAPHS, HID), dtype=jnp.float32)
    # Linear(hid_dim*2 -> num_class) params, since cat_emb=True
    W = jax.random.normal(k4, (NUM_CLASS, 2 * HID), dtype=jnp.float32) * 0.02
    b = jnp.zeros((NUM_CLASS,), dtype=jnp.float32)
    return {"x": x, "segment_ids": segment_ids, "emb": emb, "W": W, "b": b}

def reference(x, segment_ids, emb, W, b):
    # dgl.mean_nodes: per-graph mean of node features 'h'
    sums = jax.ops.segment_sum(x, segment_ids, num_segments=NUM_GRAPHS)
    counts = jax.ops.segment_sum(jnp.ones((x.shape[0],), dtype=x.dtype), segment_ids, num_segments=NUM_GRAPHS)
    mean_tensor = sums / jnp.maximum(counts, 1.0)[:, None]
    # cat_emb=True: concat graph-level embedding
    mean_tensor = jnp.concatenate([mean_tensor, emb], axis=1)
    # Linear layer
    return mean_tensor @ W.T + b

if __name__ == "__main__":
    import jax
    _d = setup_inputs()
    print(jax.jit(kernel)(*tuple(_d.values())))

</pallas_src>

<mosaic_0001>
#map = affine_map<(d0, d1) -> (0, 0)>
#map1 = affine_map<(d0, d1) -> (0, 0, 0)>
#map2 = affine_map<(d0, d1) -> (0)>
module attributes {stable_mosaic.version = 14 : i64} {
  func.func @_sc_body(%arg0: i32, %arg1: i32, %arg2: memref<100000x128xf32, #tpu.memory_space<hbm>>, %arg3: memref<416x1x128xi32, #tpu.memory_space<hbm>>, %arg4: memref<128xf32, #tpu.memory_space<hbm>>, %arg5: memref<256xf32, #tpu.memory_space<hbm>>, %arg6: memref<2x256x128xf32, #tpu.memory_space<hbm>>, %arg7: memref<2x256xf32, #tpu.memory_space<hbm>>, %arg8: memref<128x128xf32, #tpu.memory_space<vmem>>, %arg9: memref<128x128xf32, #tpu.memory_space<vmem>>, %arg10: memref<128x128xf32, #tpu.memory_space<vmem>>, %arg11: memref<128x128xf32, #tpu.memory_space<vmem>>, %arg12: memref<13x1x128xi32, #tpu.memory_space<vmem>>, %arg13: memref<128xf32, #tpu.memory_space<vmem>>, %arg14: memref<16x128xf32, #tpu.memory_space<vmem>>, %arg15: memref<256xf32, #tpu.memory_space<vmem>>, %arg16: memref<256x128xf32, #tpu.memory_space<vmem_shared>>, %arg17: memref<256xf32, #tpu.memory_space<vmem_shared>>, %arg18: memref<!tpu.dma_semaphore, #tpu.memory_space<semaphore_mem>>, %arg19: memref<!tpu.dma_semaphore, #tpu.memory_space<semaphore_mem>>, %arg20: memref<!tpu.dma_semaphore, #tpu.memory_space<semaphore_mem>>, %arg21: memref<!tpu.dma_semaphore, #tpu.memory_space<semaphore_mem>>) attributes {dimension_semantics = [#tpu.dimension_semantics<core_parallel>, #tpu.dimension_semantics<subcore_parallel>], iteration_bounds = array<i64: 2, 16>, scalar_prefetch = 0 : i64, scratch_operands = 14 : i64, tpu.core_type = #tpu.core_type<sc_vector_subcore>, window_params = [{transform_indices = #map}, {transform_indices = #map1}, {transform_indices = #map2}, {transform_indices = #map2}, {transform_indices = #map1}, {transform_indices = #map}]} {
    %mul3A = arith.constant 2 : i32
    %mul3A_0 = arith.muli %arg1, %mul3A : i32
    %add3A = arith.addi %mul3A_0, %arg0 : i32
    %mul3A_1 = arith.constant 13 : i32
    %mul3A_2 = arith.muli %add3A, %mul3A_1 : i32
    %dma_start3A = arith.constant 0 : i32
    %dma_start3A_3 = arith.constant 0 : i32
    %dma_start3A_4 = tpu.memref_slice %arg3[%mul3A_2, %dma_start3A, %dma_start3A_3] : memref<416x1x128xi32, #tpu.memory_space<hbm>> -> memref<13x1x128xi32, #tpu.memory_space<hbm>>
    %dma_start3A_5 = arith.constant 0 : i32
    %dma_start3A_6 = arith.constant 0 : i32
    %dma_start3A_7 = tpu.memref_slice %arg3[%mul3A_2, %dma_start3A_5, %dma_start3A_6] : memref<416x1x128xi32, #tpu.memory_space<hbm>> -> memref<13x1x128xi32, #tpu.memory_space<hbm>>
    tpu.enqueue_dma source(%dma_start3A_7 : memref<13x1x128xi32, #tpu.memory_space<hbm>>) target(%arg12 : memref<13x1x128xi32, #tpu.memory_space<vmem>>) target_semaphore(%arg19 : memref<!tpu.dma_semaphore, #tpu.memory_space<semaphore_mem>>)
    "tpu.region"() ({
      %run_scoped3A = tpu.sem_alloc : memref<!tpu.dma_semaphore, #tpu.memory_space<semaphore_mem>>
      tpu.enqueue_dma source(%arg4 : memref<128xf32, #tpu.memory_space<hbm>>) target(%arg13 : memref<128xf32, #tpu.memory_space<vmem>>) target_semaphore(%run_scoped3A : memref<!tpu.dma_semaphore, #tpu.memory_space<semaphore_mem>>)
      tpu.wait_dma2 semaphore(%run_scoped3A : memref<!tpu.dma_semaphore, #tpu.memory_space<semaphore_mem>>) src(%arg4 : memref<128xf32, #tpu.memory_space<hbm>>) dst(%arg13 : memref<128xf32, #tpu.memory_space<vmem>>)
      tpu.yield
    }) : () -> ()
    %broadcast_in_dim3A = arith.constant 0.000000e+00 : f32
    %broadcast_in_dim3A_8 = vector.broadcast %broadcast_in_dim3A : f32 to vector<16xf32>
    %swap3A = arith.constant 0 : i32
    %swap3A_9 = arith.index_cast %swap3A : i32 to index
    %swap3A_10 = arith.constant 0 : index
    %swap3A_11 = tpu.vector_load %arg14[%swap3A_9, %swap3A_10] {strides = array<i32>} : memref<16x128xf32, #tpu.memory_space<vmem>>, vector<1x16xf32>,
    %swap3A_12 = vector.shape_cast %swap3A_11 : vector<1x16xf32> to vector<16xf32>
    %swap3A_13 = vector.shape_cast %broadcast_in_dim3A_8 : vector<16xf32> to vector<1x16xf32>
    tpu.vector_store %arg14[%swap3A_9, %swap3A_10], %swap3A_13 {strides = array<i32>} : memref<16x128xf32, #tpu.memory_space<vmem>>, vector<1x16xf32>,
    %swap3A_14 = arith.constant 0 : i32
    %swap3A_15 = arith.index_cast %swap3A_14 : i32 to index
    %swap3A_16 = arith.constant 16 : index
    %swap3A_17 = tpu.vector_load %arg14[%swap3A_15, %swap3A_16] {strides = array<i32>} : memref<16x128xf32, #tpu.memory_space<vmem>>, vector<1x16xf32>,
    %swap3A_18 = vector.shape_cast %swap3A_17 : vector<1x16xf32> to vector<16xf32>
    %swap3A_19 = vector.shape_cast %broadcast_in_dim3A_8 : vector<16xf32> to vector<1x16xf32>
    tpu.vector_store %arg14[%swap3A_15, %swap3A_16], %swap3A_19 {strides = array<i32>} : memref<16x128xf32, #tpu.memory_space<vmem>>, vector<1x16xf32>,
    %swap3A_20 = arith.constant 0 : i32
    %swap3A_21 = arith.index_cast %swap3A_20 : i32 to index
    %swap3A_22 = arith.constant 32 : index
    %swap3A_23 = tpu.vector_load %arg14[%swap3A_21, %swap3A_22] {strides = array<i32>} : memref<16x128xf32, #tpu.memory_space<vmem>>, vector<1x16xf32>,
    %swap3A_24 = vector.shape_cast %swap3A_23 : vector<1x16xf32> to vector<16xf32>
    %swap3A_25 = vector.shape_cast %broadcast_in_dim3A_8 : vector<16xf32> to vector<1x16xf32>
    tpu.vector_store %arg14[%swap3A_21, %swap3A_22], %swap3A_25 {strides = array<i32>} : memref<16x128xf32, #tpu.memory_space<vmem>>, vector<1x16xf32>,
    %swap3A_26 = arith.constant 0 : i32
    %swap3A_27 = arith.index_cast %swap3A_26 : i32 to index
    %swap3A_28 = arith.constant 48 : index
    %swap3A_29 = tpu.vector_load %arg14[%swap3A_27, %swap3A_28] {strides = array<i32>} : memref<16x128xf32, #tpu.memory_space<vmem>>, vector<1x16xf32>,
    %swap3A_30 = vector.shape_cast %swap3A_29 : vector<1x16xf32> to vector<16xf32>
    %swap3A_31 = vector.shape_cast %broadcast_in_dim3A_8 : vector<16xf32> to vector<1x16xf32>
    tpu.vector_store %arg14[%swap3A_27, %swap3A_28], %swap3A_31 {strides = array<i32>} : memref<16x128xf32, #tpu.memory_space<vmem>>, vector<1x16xf32>,
    %swap3A_32 = arith.constant 0 : i32
    %swap3A_33 = arith.index_cast %swap3A_32 : i32 to index
    %swap3A_34 = arith.constant 64 : index
    %swap3A_35 = tpu.vector_load %arg14[%swap3A_33, %swap3A_34] {strides = array<i32>} : memref<16x128xf32, #tpu.memory_space<vmem>>, vector<1x16xf32>,
    %swap3A_36 = vector.shape_cast %swap3A_35 : vector<1x16xf32> to vector<16xf32>
    %swap3A_37 = vector.shape_cast %broadcast_in_dim3A_8 : vector<16xf32> to vector<1x16xf32>
    tpu.vector_store %arg14[%swap3A_33, %swap3A_34], %swap3A_37 {strides = array<i32>} : memref<16x128xf32, #tpu.memory_space<vmem>>, vector<1x16xf32>,
    %swap3A_38 = arith.constant 0 : i32
    %swap3A_39 = arith.index_cast %swap3A_38 : i32 to index
    %swap3A_40 = arith.constant 80 : index
    %swap3A_41 = tpu.vector_load %arg14[%swap3A_39, %swap3A_40] {strides = array<i32>} : memref<16x128xf32, #tpu.memory_space<vmem>>, vector<1x16xf32>,
    %swap3A_42 = vector.shape_cast %swap3A_41 : vector<1x16xf32> to vector<16xf32>
    %swap3A_43 = vector.shape_cast %broadcast_in_dim3A_8 : vector<16xf32> to vector<1x16xf32>
    tpu.vector_store %arg14[%swap3A_39, %swap3A_40], %swap3A_43 {strides = array<i32>} : memref<16x128xf32, #tpu.memory_space<vmem>>, vector<1x16xf32>,
    %swap3A_44 = arith.constant 0 : i32
    %swap3A_45 = arith.index_cast %swap3A_44 : i32 to index
    %swap3A_46 = arith.constant 96 : index
    %swap3A_47 = tpu.vector_load %arg14[%swap3A_45, %swap3A_46] {strides = array<i32>} : memref<16x128xf32, #tpu.memory_space<vmem>>, vector<1x16xf32>,
    %swap3A_48 = vector.shape_cast %swap3A_47 : vector<1x16xf32> to vector<16xf32>
    %swap3A_49 = vector.shape_cast %broadcast_in_dim3A_8 : vector<16xf32> to vector<1x16xf32>
    tpu.vector_store %arg14[%swap3A_45, %swap3A_46], %swap3A_49 {strides = array<i32>} : memref<16x128xf32, #tpu.memory_space<vmem>>, vector<1x16xf32>,
    %swap3A_50 = arith.constant 0 : i32
    %swap3A_51 = arith.index_cast %swap3A_50 : i32 to index
    %swap3A_52 = arith.constant 112 : index
    %swap3A_53 = tpu.vector_load %arg14[%swap3A_51, %swap3A_52] {strides = array<i32>} : memref<16x128xf32, #tpu.memory_space<vmem>>, vector<1x16xf32>,
    %swap3A_54 = vector.shape_cast %swap3A_53 : vector<1x16xf32> to vector<16xf32>
    %swap3A_55 = vector.shape_cast %broadcast_in_dim3A_8 : vector<16xf32> to vector<1x16xf32>
    tpu.vector_store %arg14[%swap3A_51, %swap3A_52], %swap3A_55 {strides = array<i32>} : memref<16x128xf32, #tpu.memory_space<vmem>>, vector<1x16xf32>,
    %swap3A_56 = arith.constant 1 : i32
    %swap3A_57 = arith.index_cast %swap3A_56 : i32 to index
    %swap3A_58 = arith.constant 0 : index
    %swap3A_59 = tpu.vector_load %arg14[%swap3A_57, %swap3A_58] {strides = array<i32>} : memref<16x128xf32, #tpu.memory_space<vmem>>, vector<1x16xf32>,
    %swap3A_60 = vector.shape_cast %swap3A_59 : vector<1x16xf32> to vector<16xf32>
    %swap3A_61 = vector.shape_cast %broadcast_in_dim3A_8 : vector<16xf32> to vector<1x16xf32>
    tpu.vector_store %arg14[%swap3A_57, %swap3A_58], %swap3A_61 {strides = array<i32>} : memref<16x128xf32, #tpu.memory_space<vmem>>, vector<1x16xf32>,
    %swap3A_62 = arith.constant 1 : i32
    %swap3A_63 = arith.index_cast %swap3A_62 : i32 to index
    %swap3A_64 = arith.constant 16 : index
    %swap3A_65 = tpu.vector_load %arg14[%swap3A_63, %swap3A_64] {strides = array<i32>} : memref<16x128xf32, #tpu.memory_space<vmem>>, vector<1x16xf32>,
    %swap3A_66 = vector.shape_cast %swap3A_65 : vector<1x16xf32> to vector<16xf32>
    %swap3A_67 = vector.shape_cast %broadcast_in_dim3A_8 : vector<16xf32> to vector<1x16xf32>
    tpu.vector_store %arg14[%swap3A_63, %swap3A_64], %swap3A_67 {strides = array<i32>} : memref<16x128xf32, #tpu.memory_space<vmem>>, vector<1x16xf32>,
    %swap3A_68 = arith.constant 1 : i32
    %swap3A_69 = arith.index_cast %swap3A_68 : i32 to index
    %swap3A_70 = arith.constant 32 : index
    %swap3A_71 = tpu.vector_load %arg14[%swap3A_69, %swap3A_70] {strides = array<i32>} : memref<16x128xf32, #tpu.memory_space<vmem>>, vector<1x16xf32>,
    %swap3A_72 = vector.shape_cast %swap3A_71 : vector<1x16xf32> to vector<16xf32>
    %swap3A_73 = vector.shape_cast %broadcast_in_dim3A_8 : vector<16xf32> to vector<1x16xf32>
    tpu.vector_store %arg14[%swap3A_69, %swap3A_70], %swap3A_73 {strides = array<i32>} : memref<16x128xf32, #tpu.memory_space<vmem>>, vector<1x16xf32>,
    %swap3A_74 = arith.constant 1 : i32
    %swap3A_75 = arith.index_cast %swap3A_74 : i32 to index
    %swap3A_76 = arith.constant 48 : index
    %swap3A_77 = tpu.vector_load %arg14[%swap3A_75, %swap3A_76] {strides = array<i32>} : memref<16x128xf32, #tpu.memory_space<vmem>>, vector<1x16xf32>,
    %swap3A_78 = vector.shape_cast %swap3A_77 : vector<1x16xf32> to vector<16xf32>
    %swap3A_79 = vector.shape_cast %broadcast_in_dim3A_8 : vector<16xf32> to vector<1x16xf32>
    tpu.vector_store %arg14[%swap3A_75, %swap3A_76], %swap3A_79 {strides = array<i32>} : memref<16x128xf32, #tpu.memory_space<vmem>>, vector<1x16xf32>,
    %swap3A_80 = arith.constant 1 : i32
    %swap3A_81 = arith.index_cast %swap3A_80 : i32 to index
    %swap3A_82 = arith.constant 64 : index
    %swap3A_83 = tpu.vector_load %arg14[%swap3A_81, %swap3A_82] {strides = array<i32>} : memref<16x128xf32, #tpu.memory_space<vmem>>, vector<1x16xf32>,
    %swap3A_84 = vector.shape_cast %swap3A_83 : vector<1x16xf32> to vector<16xf32>
    %swap3A_85 = vector.shape_cast %broadcast_in_dim3A_8 : vector<16xf32> to vector<1x16xf32>
    tpu.vector_store %arg14[%swap3A_81, %swap3A_82], %swap3A_85 {strides = array<i32>} : memref<16x128xf32, #tpu.memory_space<vmem>>, vector<1x16xf32>,
    %swap3A_86 = arith.constant 1 : i32
    %swap3A_87 = arith.index_cast %swap3A_86 : i32 to index
    %swap3A_88 = arith.constant 80 : index
    %swap3A_89 = tpu.vector_load %arg14[%swap3A_87, %swap3A_88] {strides = array<i32>} : memref<16x128xf32, #tpu.memory_space<vmem>>, vector<1x16xf32>,
    %swap3A_90 = vector.shape_cast %swap3A_89 : vector<1x16xf32> to vector<16xf32>
    %swap3A_91 = vector.shape_cast %broadcast_in_dim3A_8 : vector<16xf32> to vector<1x16xf32>
    tpu.vector_store %arg14[%swap3A_87, %swap3A_88], %swap3A_91 {strides = array<i32>} : memref<16x128xf32, #tpu.memory_space<vmem>>, vector<1x16xf32>,
    %swap3A_92 = arith.constant 1 : i32
    %swap3A_93 = arith.index_cast %swap3A_92 : i32 to index
    %swap3A_94 = arith.constant 96 : index
    %swap3A_95 = tpu.vector_load %arg14[%swap3A_93, %swap3A_94] {strides = array<i32>} : memref<16x128xf32, #tpu.memory_space<vmem>>, vector<1x16xf32>,
    %swap3A_96 = vector.shape_cast %swap3A_95 : vector<1x16xf32> to vector<16xf32>
    %swap3A_97 = vector.shape_cast %broadcast_in_dim3A_8 : vector<16xf32> to vector<1x16xf32>
    tpu.vector_store %arg14[%swap3A_93, %swap3A_94], %swap3A_97 {strides = array<i32>} : memref<16x128xf32, #tpu.memory_space<vmem>>, vector<1x16xf32>,
    %swap3A_98 = arith.constant 1 : i32
    %swap3A_99 = arith.index_cast %swap3A_98 : i32 to index
    %swap3A_100 = arith.constant 112 : index
    %swap3A_101 = tpu.vector_load %arg14[%swap3A_99, %swap3A_100] {strides = array<i32>} : memref<16x128xf32, #tpu.memory_space<vmem>>, vector<1x16xf32>,
    %swap3A_102 = vector.shape_cast %swap3A_101 : vector<1x16xf32> to vector<16xf32>
    %swap3A_103 = vector.shape_cast %broadcast_in_dim3A_8 : vector<16xf32> to vector<1x16xf32>
    tpu.vector_store %arg14[%swap3A_99, %swap3A_100], %swap3A_103 {strides = array<i32>} : memref<16x128xf32, #tpu.memory_space<vmem>>, vector<1x16xf32>,
    %swap3A_104 = arith.constant 2 : i32
    %swap3A_105 = arith.index_cast %swap3A_104 : i32 to index
    %swap3A_106 = arith.constant 0 : index
    %swap3A_107 = tpu.vector_load %arg14[%swap3A_105, %swap3A_106] {strides = array<i32>} : memref<16x128xf32, #tpu.memory_space<vmem>>, vector<1x16xf32>,
    %swap3A_108 = vector.shape_cast %swap3A_107 : vector<1x16xf32> to vector<16xf32>
    %swap3A_109 = vector.shape_cast %broadcast_in_dim3A_8 : vector<16xf32> to vector<1x16xf32>
    tpu.vector_store %arg14[%swap3A_105, %swap3A_106], %swap3A_109 {strides = array<i32>} : memref<16x128xf32, #tpu.memory_space<vmem>>, vector<1x16xf32>,
    %swap3A_110 = arith.constant 2 : i32
    %swap3A_111 = arith.index_cast %swap3A_110 : i32 to index
    %swap3A_112 = arith.constant 16 : index
    %swap3A_113 = tpu.vector_load %arg14[%swap3A_111, %swap3A_112] {strides = array<i32>} : memref<16x128xf32, #tpu.memory_space<vmem>>, vector<1x16xf32>,
    %swap3A_114 = vector.shape_cast %swap3A_113 : vector<1x16xf32> to vector<16xf32>
    %swap3A_115 = vector.shape_cast %broadcast_in_dim3A_8 : vector<16xf32> to vector<1x16xf32>
    tpu.vector_store %arg14[%swap3A_111, %swap3A_112], %swap3A_115 {strides = array<i32>} : memref<16x128xf32, #tpu.memory_space<vmem>>, vector<1x16xf32>,
    %swap3A_116 = arith.constant 2 : i32
    %swap3A_117 = arith.index_cast %swap3A_116 : i32 to index
    %swap3A_118 = arith.constant 32 : index
    %swap3A_119 = tpu.vector_load %arg14[%swap3A_117, %swap3A_118] {strides = array<i32>} : memref<16x128xf32, #tpu.memory_space<vmem>>, vector<1x16xf32>,
    %swap3A_120 = vector.shape_cast %swap3A_119 : vector<1x16xf32> to vector<16xf32>
    %swap3A_121 = vector.shape_cast %broadcast_in_dim3A_8 : vector<16xf32> to vector<1x16xf32>
    tpu.vector_store %arg14[%swap3A_117, %swap3A_118], %swap3A_121 {strides = array<i32>} : memref<16x128xf32, #tpu.memory_space<vmem>>, vector<1x16xf32>,
    %swap3A_122 = arith.constant 2 : i32
    %swap3A_123 = arith.index_cast %swap3A_122 : i32 to index
    %swap3A_124 = arith.constant 48 : index
    %swap3A_125 = tpu.vector_load %arg14[%swap3A_123, %swap3A_124] {strides = array<i32>} : memref<16x128xf32, #tpu.memory_space<vmem>>, vector<1x16xf32>,
    %swap3A_126 = vector.shape_cast %swap3A_125 : vector<1x16xf32> to vector<16xf32>
    %swap3A_127 = vector.shape_cast %broadcast_in_dim3A_8 : vector<16xf32> to vector<1x16xf32>
    tpu.vector_store %arg14[%swap3A_123, %swap3A_124], %swap3A_127 {strides = array<i32>} : memref<16x128xf32, #tpu.memory_space<vmem>>, vector<1x16xf32>,
    %swap3A_128 = arith.constant 2 : i32
    %swap3A_129 = arith.index_cast %swap3A_128 : i32 to index
    %swap3A_130 = arith.constant 64 : index
    %swap3A_131 = tpu.vector_load %arg14[%swap3A_129, %swap3A_130] {strides = array<i32>} : memref<16x128xf32, #tpu.memory_space<vmem>>, vector<1x16xf32>,
    %swap3A_132 = vector.shape_cast %swap3A_131 : vector<1x16xf32> to vector<16xf32>
    %swap3A_133 = vector.shape_cast %broadcast_in_dim3A_8 : vector<16xf32> to vector<1x16xf32>
    tpu.vector_store %arg14[%swap3A_129, %swap3A_130], %swap3A_133 {strides = array<i32>} : memref<16x128xf32, #tpu.memory_space<vmem>>, vector<1x16xf32>,
    %swap3A_134 = arith.constant 2 : i32
    %swap3A_135 = arith.index_cast %swap3A_134 : i32 to index
    %swap3A_136 = arith.constant 80 : index
    %swap3A_137 = tpu.vector_load %arg14[%swap3A_135, %swap3A_136] {strides = array<i32>} : memref<16x128xf32, #tpu.memory_space<vmem>>, vector<1x16xf32>,
    %swap3A_138 = vector.shape_cast %swap3A_137 : vector<1x16xf32> to vector<16xf32>
    %swap3A_139 = vector.shape_cast %broadcast_in_dim3A_8 : vector<16xf32> to vector<1x16xf32>
    tpu.vector_store %arg14[%swap3A_135, %swap3A_136], %swap3A_139 {strides = array<i32>} : memref<16x128xf32, #tpu.memory_space<vmem>>, vector<1x16xf32>,
    %swap3A_140 = arith.constant 2 : i32
    %swap3A_141 = arith.index_cast %swap3A_140 : i32 to index
    %swap3A_142 = arith.constant 96 : index
    %swap3A_143 = tpu.vector_load %arg14[%swap3A_141, %swap3A_142] {strides = array<i32>} : memref<16x128xf32, #tpu.memory_space<vmem>>, vector<1x16xf32>,
    %swap3A_144 = vector.shape_cast %swap3A_143 : vector<1x16xf32> to vector<16xf32>
    %swap3A_145 = vector.shape_cast %broadcast_in_dim3A_8 : vector<16xf32> to vector<1x16xf32>
    tpu.vector_store %arg14[%swap3A_141, %swap3A_142], %swap3A_145 {strides = array<i32>} : memref<16x128xf32, #tpu.memory_space<vmem>>, vector<1x16xf32>,
    %swap3A_146 = arith.constant 2 : i32
    %swap3A_147 = arith.index_cast %swap3A_146 : i32 to index
    %swap3A_148 = arith.constant 112 : index
    %swap3A_149 = tpu.vector_load %arg14[%swap3A_147, %swap3A_148] {strides = array<i32>} : memref<16x128xf32, #tpu.memory_space<vmem>>, vector<1x16xf32>,
    %swap3A_150 = vector.shape_cast %swap3A_149 : vector<1x16xf32> to vector<16xf32>
    %swap3A_151 = vector.shape_cast %broadcast_in_dim3A_8 : vector<16xf32> to vector<1x16xf32>
    tpu.vector_store %arg14[%swap3A_147, %swap3A_148], %swap3A_151 {strides = array<i32>} : memref<16x128xf32, #tpu.memory_space<vmem>>, vector<1x16xf32>,
    %swap3A_152 = arith.constant 3 : i32
    %swap3A_153 = arith.index_cast %swap3A_152 : i32 to index
    %swap3A_154 = arith.constant 0 : index
    %swap3A_155 = tpu.vector_load %arg14[%swap3A_153, %swap3A_154] {strides = array<i32>} : memref<16x128xf32, #tpu.memory_space<vmem>>, vector<1x16xf32>,
    %swap3A_156 = vector.shape_cast %swap3A_155 : vector<1x16xf32> to vector<16xf32>
    %swap3A_157 = vector.shape_cast %broadcast_in_dim3A_8 : vector<16xf32> to vector<1x16xf32>
    tpu.vector_store %arg14[%swap3A_153, %swap3A_154], %swap3A_157 {strides = array<i32>} : memref<16x128xf32, #tpu.memory_space<vmem>>, vector<1x16xf32>,
    %swap3A_158 = arith.constant 3 : i32
    %swap3A_159 = arith.index_cast %swap3A_158 : i32 to index
    %swap3A_160 = arith.constant 16 : index
    %swap3A_161 = tpu.vector_load %arg14[%swap3A_159, %swap3A_160] {strides = array<i32>} : memref<16x128xf32, #tpu.memory_space<vmem>>, vector<1x16xf32>,
    %swap3A_162 = vector.shape_cast %swap3A_161 : vector<1x16xf32> to vector<16xf32>
    %swap3A_163 = vector.shape_cast %broadcast_in_dim3A_8 : vector<16xf32> to vector<1x16xf32>
    tpu.vector_store %arg14[%swap3A_159, %swap3A_160], %swap3A_163 {strides = array<i32>} : memref<16x128xf32, #tpu.memory_space<vmem>>, vector<1x16xf32>,
    %swap3A_164 = arith.constant 3 : i32
    %swap3A_165 = arith.index_cast %swap3A_164 : i32 to index
    %swap3A_166 = arith.constant 32 : index
    %swap3A_167 = tpu.vector_load %arg14[%swap3A_165, %swap3A_166] {strides = array<i32>} : memref<16x128xf32, #tpu.memory_space<vmem>>, vector<1x16xf32>,
    %swap3A_168 = vector.shape_cast %swap3A_167 : vector<1x16xf32> to vector<16xf32>
    %swap3A_169 = vector.shape_cast %broadcast_in_dim3A_8 : vector<16xf32> to vector<1x16xf32>
    tpu.vector_store %arg14[%swap3A_165, %swap3A_166], %swap3A_169 {strides = array<i32>} : memref<16x128xf32, #tpu.memory_space<vmem>>, vector<1x16xf32>,
    %swap3A_170 = arith.constant 3 : i32
    %swap3A_171 = arith.index_cast %swap3A_170 : i32 to index
    %swap3A_172 = arith.constant 48 : index
    %swap3A_173 = tpu.vector_load %arg14[%swap3A_171, %swap3A_172] {strides = array<i32>} : memref<16x128xf32, #tpu.memory_space<vmem>>, vector<1x16xf32>,
    %swap3A_174 = vector.shape_cast %swap3A_173 : vector<1x16xf32> to vector<16xf32>
    %swap3A_175 = vector.shape_cast %broadcast_in_dim3A_8 : vector<16xf32> to vector<1x16xf32>
    tpu.vector_store %arg14[%swap3A_171, %swap3A_172], %swap3A_175 {strides = array<i32>} : memref<16x128xf32, #tpu.memory_space<vmem>>, vector<1x16xf32>,
    %swap3A_176 = arith.constant 3 : i32
    %swap3A_177 = arith.index_cast %swap3A_176 : i32 to index
    %swap3A_178 = arith.constant 64 : index
    %swap3A_179 = tpu.vector_load %arg14[%swap3A_177, %swap3A_178] {strides = array<i32>} : memref<16x128xf32, #tpu.memory_space<vmem>>, vector<1x16xf32>,
    %swap3A_180 = vector.shape_cast %swap3A_179 : vector<1x16xf32> to vector<16xf32>
    %swap3A_181 = vector.shape_cast %broadcast_in_dim3A_8 : vector<16xf32> to vector<1x16xf32>
    tpu.vector_store %arg14[%swap3A_177, %swap3A_178], %swap3A_181 {strides = array<i32>} : memref<16x128xf32, #tpu.memory_space<vmem>>, vector<1x16xf32>,
    %swap3A_182 = arith.constant 3 : i32
    %swap3A_183 = arith.index_cast %swap3A_182 : i32 to index
    %swap3A_184 = arith.constant 80 : index
    %swap3A_185 = tpu.vector_load %arg14[%swap3A_183, %swap3A_184] {strides = array<i32>} : memref<16x128xf32, #tpu.memory_space<vmem>>, vector<1x16xf32>,
    %swap3A_186 = vector.shape_cast %swap3A_185 : vector<1x16xf32> to vector<16xf32>
    %swap3A_187 = vector.shape_cast %broadcast_in_dim3A_8 : vector<16xf32> to vector<1x16xf32>
    tpu.vector_store %arg14[%swap3A_183, %swap3A_184], %swap3A_187 {strides = array<i32>} : memref<16x128xf32, #tpu.memory_space<vmem>>, vector<1x16xf32>,
    %swap3A_188 = arith.constant 3 : i32
    %swap3A_189 = arith.index_cast %swap3A_188 : i32 to index
    %swap3A_190 = arith.constant 96 : index
    %swap3A_191 = tpu.vector_load %arg14[%swap3A_189, %swap3A_190] {strides = array<i32>} : memref<16x128xf32, #tpu.memory_space<vmem>>, vector<1x16xf32>,
    %swap3A_192 = vector.shape_cast %swap3A_191 : vector<1x16xf32> to vector<16xf32>
    %swap3A_193 = vector.shape_cast %broadcast_in_dim3A_8 : vector<16xf32> to vector<1x16xf32>
    tpu.vector_store %arg14[%swap3A_189, %swap3A_190], %swap3A_193 {strides = array<i32>} : memref<16x128xf32, #tpu.memory_space<vmem>>, vector<1x16xf32>,
    %swap3A_194 = arith.constant 3 : i32
    %swap3A_195 = arith.index_cast %swap3A_194 : i32 to index
    %swap3A_196 = arith.constant 112 : index
    %swap3A_197 = tpu.vector_load %arg14[%swap3A_195, %swap3A_196] {strides = array<i32>} : memref<16x128xf32, #tpu.memory_space<vmem>>, vector<1x16xf32>,
    %swap3A_198 = vector.shape_cast %swap3A_197 : vector<1x16xf32> to vector<16xf32>
    %swap3A_199 = vector.shape_cast %broadcast_in_dim3A_8 : vector<16xf32> to vector<1x16xf32>
    tpu.vector_store %arg14[%swap3A_195, %swap3A_196], %swap3A_199 {strides = array<i32>} : memref<16x128xf32, #tpu.memory_space<vmem>>, vector<1x16xf32>,
    %swap3A_200 = arith.constant 4 : i32
    %swap3A_201 = arith.index_cast %swap3A_200 : i32 to index
    %swap3A_202 = arith.constant 0 : index
    %swap3A_203 = tpu.vector_load %arg14[%swap3A_201, %swap3A_202] {strides = array<i32>} : memref<16x128xf32, #tpu.memory_space<vmem>>, vector<1x16xf32>,
    %swap3A_204 = vector.shape_cast %swap3A_203 : vector<1x16xf32> to vector<16xf32>
    %swap3A_205 = vector.shape_cast %broadcast_in_dim3A_8 : vector<16xf32> to vector<1x16xf32>
    tpu.vector_store %arg14[%swap3A_201, %swap3A_202], %swap3A_205 {strides = array<i32>} : memref<16x128xf32, #tpu.memory_space<vmem>>, vector<1x16xf32>,
    %swap3A_206 = arith.constant 4 : i32
    %swap3A_207 = arith.index_cast %swap3A_206 : i32 to index
    %swap3A_208 = arith.constant 16 : index
    %swap3A_209 = tpu.vector_load %arg14[%swap3A_207, %swap3A_208] {strides = array<i32>} : memref<16x128xf32, #tpu.memory_space<vmem>>, vector<1x16xf32>,
    %swap3A_210 = vector.shape_cast %swap3A_209 : vector<1x16xf32> to vector<16xf32>
    %swap3A_211 = vector.shape_cast %broadcast_in_dim3A_8 : vector<16xf32> to vector<1x16xf32>
    tpu.vector_store %arg14[%swap3A_207, %swap3A_208], %swap3A_211 {strides = array<i32>} : memref<16x128xf32, #tpu.memory_space<vmem>>, vector<1x16xf32>,
    %swap3A_212 = arith.constant 4 : i32
    %swap3A_213 = arith.index_cast %swap3A_212 : i32 to index
    %swap3A_214 = arith.constant 32 : index
    %swap3A_215 = tpu.vector_load %arg14[%swap3A_213, %swap3A_214] {strides = array<i32>} : memref<16x128xf32, #tpu.memory_space<vmem>>, vector<1x16xf32>,
    %swap3A_216 = vector.shape_cast %swap3A_215 : vector<1x16xf32> to vector<16xf32>
    %swap3A_217 = vector.shape_cast %broadcast_in_dim3A_8 : vector<16xf32> to vector<1x16xf32>
    tpu.vector_store %arg14[%swap3A_213, %swap3A_214], %swap3A_217 {strides = array<i32>} : memref<16x128xf32, #tpu.memory_space<vmem>>, vector<1x16xf32>,
    %swap3A_218 = arith.constant 4 : i32
    %swap3A_219 = arith.index_cast %swap3A_218 : i32 to index
    %swap3A_220 = arith.constant 48 : index
    %swap3A_221 = tpu.vector_load %arg14[%swap3A_219, %swap3A_220] {strides = array<i32>} : memref<16x128xf32, #tpu.memory_space<vmem>>, vector<1x16xf32>,
    %swap3A_222 = vector.shape_cast %swap3A_221 : vector<1x16xf32> to vector<16xf32>
    %swap3A_223 = vector.shape_cast %broadcast_in_dim3A_8 : vector<16xf32> to vector<1x16xf32>
    tpu.vector_store %arg14[%swap3A_219, %swap3A_220], %swap3A_223 {strides = array<i32>} : memref<16x128xf32, #tpu.memory_space<vmem>>, vector<1x16xf32>,
    %swap3A_224 = arith.constant 4 : i32
    %swap3A_225 = arith.index_cast %swap3A_224 : i32 to index
    %swap3A_226 = arith.constant 64 : index
    %swap3A_227 = tpu.vector_load %arg14[%swap3A_225, %swap3A_226] {strides = array<i32>} : memref<16x128xf32, #tpu.memory_space<vmem>>, vector<1x16xf32>,
    %swap3A_228 = vector.shape_cast %swap3A_227 : vector<1x16xf32> to vector<16xf32>
    %swap3A_229 = vector.shape_cast %broadcast_in_dim3A_8 : vector<16xf32> to vector<1x16xf32>
    tpu.vector_store %arg14[%swap3A_225, %swap3A_226], %swap3A_229 {strides = array<i32>} : memref<16x128xf32, #tpu.memory_space<vmem>>, vector<1x16xf32>,
    %swap3A_230 = arith.constant 4 : i32
    %swap3A_231 = arith.index_cast %swap3A_230 : i32 to index
    %swap3A_232 = arith.constant 80 : index
    %swap3A_233 = tpu.vector_load %arg14[%swap3A_231, %swap3A_232] {strides = array<i32>} : memref<16x128xf32, #tpu.memory_space<vmem>>, vector<1x16xf32>,
    %swap3A_234 = vector.shape_cast %swap3A_233 : vector<1x16xf32> to vector<16xf32>
    %swap3A_235 = vector.shape_cast %broadcast_in_dim3A_8 : vector<16xf32> to vector<1x16xf32>
    tpu.vector_store %arg14[%swap3A_231, %swap3A_232], %swap3A_235 {strides = array<i32>} : memref<16x128xf32, #tpu.memory_space<vmem>>, vector<1x16xf32>,
    %swap3A_236 = arith.constant 4 : i32
    %swap3A_237 = arith.index_cast %swap3A_236 : i32 to index
    %swap3A_238 = arith.constant 96 : index
    %swap3A_239 = tpu.vector_load %arg14[%swap3A_237, %swap3A_238] {strides = array<i32>} : memref<16x128xf32, #tpu.memory_space<vmem>>, vector<1x16xf32>,
    %swap3A_240 = vector.shape_cast %swap3A_239 : vector<1x16xf32> to vector<16xf32>
    %swap3A_241 = vector.shape_cast %broadcast_in_dim3A_8 : vector<16xf32> to vector<1x16xf32>
    tpu.vector_store %arg14[%swap3A_237, %swap3A_238], %swap3A_241 {strides = array<i32>} : memref<16x128xf32, #tpu.memory_space<vmem>>, vector<1x16xf32>,
    %swap3A_242 = arith.constant 4 : i32
    %swap3A_243 = arith.index_cast %swap3A_242 : i32 to index
    %swap3A_244 = arith.constant 112 : index
    %swap3A_245 = tpu.vector_load %arg14[%swap3A_243, %swap3A_244] {strides = array<i32>} : memref<16x128xf32, #tpu.memory_space<vmem>>, vector<1x16xf32>,
    %swap3A_246 = vector.shape_cast %swap3A_245 : vector<1x16xf32> to vector<16xf32>
    %swap3A_247 = vector.shape_cast %broadcast_in_dim3A_8 : vector<16xf32> to vector<1x16xf32>
    tpu.vector_store %arg14[%swap3A_243, %swap3A_244], %swap3A_247 {strides = array<i32>} : memref<16x128xf32, #tpu.memory_space<vmem>>, vector<1x16xf32>,
    %swap3A_248 = arith.constant 5 : i32
    %swap3A_249 = arith.index_cast %swap3A_248 : i32 to index
    %swap3A_250 = arith.constant 0 : index
    %swap3A_251 = tpu.vector_load %arg14[%swap3A_249, %swap3A_250] {strides = array<i32>} : memref<16x128xf32, #tpu.memory_space<vmem>>, vector<1x16xf32>,
    %swap3A_252 = vector.shape_cast %swap3A_251 : vector<1x16xf32> to vector<16xf32>
    %swap3A_253 = vector.shape_cast %broadcast_in_dim3A_8 : vector<16xf32> to vector<1x16xf32>
    tpu.vector_store %arg14[%swap3A_249, %swap3A_250], %swap3A_253 {strides = array<i32>} : memref<16x128xf32, #tpu.memory_space<vmem>>, vector<1x16xf32>,
    %swap3A_254 = arith.constant 5 : i32
    %swap3A_255 = arith.index_cast %swap3A_254 : i32 to index
    %swap3A_256 = arith.constant 16 : index
    %swap3A_257 = tpu.vector_load %arg14[%swap3A_255, %swap3A_256] {strides = array<i32>} : memref<16x128xf32, #tpu.memory_space<vmem>>, vector<1x16xf32>,
    %swap3A_258 = vector.shape_cast %swap3A_257 : vector<1x16xf32> to vector<16xf32>
    %swap3A_259 = vector.shape_cast %broadcast_in_dim3A_8 : vector<16xf32> to vector<1x16xf32>
    tpu.vector_store %arg14[%swap3A_255, %swap3A_256], %swap3A_259 {strides = array<i32>} : memref<16x128xf32, #tpu.memory_space<vmem>>, vector<1x16xf32>,
    %swap3A_260 = arith.constant 5 : i32
    %swap3A_261 = arith.index_cast %swap3A_260 : i32 to index
    %swap3A_262 = arith.constant 32 : index
    %swap3A_263 = tpu.vector_load %arg14[%swap3A_261, %swap3A_262] {strides = array<i32>} : memref<16x128xf32, #tpu.memory_space<vmem>>, vector<1x16xf32>,
    %swap3A_264 = vector.shape_cast %swap3A_263 : vector<1x16xf32> to vector<16xf32>
    %swap3A_265 = vector.shape_cast %broadcast_in_dim3A_8 : vector<16xf32> to vector<1x16xf32>
    tpu.vector_store %arg14[%swap3A_261, %swap3A_262], %swap3A_265 {strides = array<i32>} : memref<16x128xf32, #tpu.memory_space<vmem>>, vector<1x16xf32>,
    %swap3A_266 = arith.constant 5 : i32
    %swap3A_267 = arith.index_cast %swap3A_266 : i32 to index
    %swap3A_268 = arith.constant 48 : index
    %swap3A_269 = tpu.vector_load %arg14[%swap3A_267, %swap3A_268] {strides = array<i32>} : memref<16x128xf32, #tpu.memory_space<vmem>>, vector<1x16xf32>,
    %swap3A_270 = vector.shape_cast %swap3A_269 : vector<1x16xf32> to vector<16xf32>
    %swap3A_271 = vector.shape_cast %broadcast_in_dim3A_8 : vector<16xf32> to vector<1x16xf32>
    tpu.vector_store %arg14[%swap3A_267, %swap3A_268], %swap3A_271 {strides = array<i32>} : memref<16x128xf32, #tpu.memory_space<vmem>>, vector<1x16xf32>,
    %swap3A_272 = arith.constant 5 : i32
    %swap3A_273 = arith.index_cast %swap3A_272 : i32 to index
    %swap3A_274 = arith.constant 64 : index
    %swap3A_275 = tpu.vector_load %arg14[%swap3A_273, %swap3A_274] {strides = array<i32>} : memref<16x128xf32, #tpu.memory_space<vmem>>, vector<1x16xf32>,
    %swap3A_276 = vector.shape_cast %swap3A_275 : vector<1x16xf32> to vector<16xf32>
    %swap3A_277 = vector.shape_cast %broadcast_in_dim3A_8 : vector<16xf32> to vector<1x16xf32>
    tpu.vector_store %arg14[%swap3A_273, %swap3A_274], %swap3A_277 {strides = array<i32>} : memref<16x128xf32, #tpu.memory_space<vmem>>, vector<1x16xf32>,
    %swap3A_278 = arith.constant 5 : i32
    %swap3A_279 = arith.index_cast %swap3A_278 : i32 to index
    %swap3A_280 = arith.constant 80 : index
    %swap3A_281 = tpu.vector_load %arg14[%swap3A_279, %swap3A_280] {strides = array<i32>} : memref<16x128xf32, #tpu.memory_space<vmem>>, vector<1x16xf32>,
    %swap3A_282 = vector.shape_cast %swap3A_281 : vector<1x16xf32> to vector<16xf32>
    %swap3A_283 = vector.shape_cast %broadcast_in_dim3A_8 : vector<16xf32> to vector<1x16xf32>
    tpu.vector_store %arg14[%swap3A_279, %swap3A_280], %swap3A_283 {strides = array<i32>} : memref<16x128xf32, #tpu.memory_space<vmem>>, vector<1x16xf32>,
    %swap3A_284 = arith.constant 5 : i32
    %swap3A_285 = arith.index_cast %swap3A_284 : i32 to index
    %swap3A_286 = arith.constant 96 : index
    %swap3A_287 = tpu.vector_load %arg14[%swap3A_285, %swap3A_286] {strides = array<i32>} : memref<16x128xf32, #tpu.memory_space<vmem>>, vector<1x16xf32>,
    %swap3A_288 = vector.shape_cast %swap3A_287 : vector<1x16xf32> to vector<16xf32>
    %swap3A_289 = vector.shape_cast %broadcast_in_dim3A_8 : vector<16xf32> to vector<1x16xf32>
    tpu.vector_store %arg14[%swap3A_285, %swap3A_286], %swap3A_289 {strides = array<i32>} : memref<16x128xf32, #tpu.memory_space<vmem>>, vector<1x16xf32>,
    %swap3A_290 = arith.constant 5 : i32
    %swap3A_291 = arith.index_cast %swap3A_290 : i32 to index
    %swap3A_292 = arith.constant 112 : index
    %swap3A_293 = tpu.vector_load %arg14[%swap3A_291, %swap3A_292] {strides = array<i32>} : memref<16x128xf32, #tpu.memory_space<vmem>>, vector<1x16xf32>,
    %swap3A_294 = vector.shape_cast %swap3A_293 : vector<1x16xf32> to vector<16xf32>
    %swap3A_295 = vector.shape_cast %broadcast_in_dim3A_8 : vector<16xf32> to vector<1x16xf32>
    tpu.vector_store %arg14[%swap3A_291, %swap3A_292], %swap3A_295 {strides = array<i32>} : memref<16x128xf32, #tpu.memory_space<vmem>>, vector<1x16xf32>,
    %swap3A_296 = arith.constant 6 : i32
    %swap3A_297 = arith.index_cast %swap3A_296 : i32 to index
    %swap3A_298 = arith.constant 0 : index
    %swap3A_299 = tpu.vector_load %arg14[%swap3A_297, %swap3A_298] {strides = array<i32>} : memref<16x128xf32, #tpu.memory_space<vmem>>, vector<1x16xf32>,
    %swap3A_300 = vector.shape_cast %swap3A_299 : vector<1x16xf32> to vector<16xf32>
    %swap3A_301 = vector.shape_cast %broadcast_in_dim3A_8 : vector<16xf32> to vector<1x16xf32>
    tpu.vector_store %arg14[%swap3A_297, %swap3A_298], %swap3A_301 {strides = array<i32>} : memref<16x128xf32, #tpu.memory_space<vmem>>, vector<1x16xf32>,
    %swap3A_302 = arith.constant 6 : i32
    %swap3A_303 = arith.index_cast %swap3A_302 : i32 to index
    %swap3A_304 = arith.constant 16 : index
    %swap3A_305 = tpu.vector_load %arg14[%swap3A_303, %swap3A_304] {strides = array<i32>} : memref<16x128xf32, #tpu.memory_space<vmem>>, vector<1x16xf32>,
    %swap3A_306 = vector.shape_cast %swap3A_305 : vector<1x16xf32> to vector<16xf32>
    %swap3A_307 = vector.shape_cast %broadcast_in_dim3A_8 : vector<16xf32> to vector<1x16xf32>
    tpu.vector_store %arg14[%swap3A_303, %swap3A_304], %swap3A_307 {strides = array<i32>} : memref<16x128xf32, #tpu.memory_space<vmem>>, vector<1x16xf32>,
    %swap3A_308 = arith.constant 6 : i32
    %swap3A_309 = arith.index_cast %swap3A_308 : i32 to index
    %swap3A_310 = arith.constant 32 : index
    %swap3A_311 = tpu.vector_load %arg14[%swap3A_309, %swap3A_310] {strides = array<i32>} : memref<16x128xf32, #tpu.memory_space<vmem>>, vector<1x16xf32>,
    %swap3A_312 = vector.shape_cast %swap3A_311 : vector<1x16xf32> to vector<16xf32>
    %swap3A_313 = vector.shape_cast %broadcast_in_dim3A_8 : vector<16xf32> to vector<1x16xf32>
    tpu.vector_store %arg14[%swap3A_309, %swap3A_310], %swap3A_313 {strides = array<i32>} : memref<16x128xf32, #tpu.memory_space<vmem>>, vector<1x16xf32>,
    %swap3A_314 = arith.constant 6 : i32
    %swap3A_315 = arith.index_cast %swap3A_314 : i32 to index
    %swap3A_316 = arith.constant 48 : index
    %swap3A_317 = tpu.vector_load %arg14[%swap3A_315, %swap3A_316] {strides = array<i32>} : memref<16x128xf32, #tpu.memory_space<vmem>>, vector<1x16xf32>,
    %swap3A_318 = vector.shape_cast %swap3A_317 : vector<1x16xf32> to vector<16xf32>
    %swap3A_319 = vector.shape_cast %broadcast_in_dim3A_8 : vector<16xf32> to vector<1x16xf32>
    tpu.vector_store %arg14[%swap3A_315, %swap3A_316], %swap3A_319 {strides = array<i32>} : memref<16x128xf32, #tpu.memory_space<vmem>>, vector<1x16xf32>,
    %swap3A_320 = arith.constant 6 : i32
    %swap3A_321 = arith.index_cast %swap3A_320 : i32 to index
    %swap3A_322 = arith.constant 64 : index
    %swap3A_323 = tpu.vector_load %arg14[%swap3A_321, %swap3A_322] {strides = array<i32>} : memref<16x128xf32, #tpu.memory_space<vmem>>, vector<1x16xf32>,
    %swap3A_324 = vector.shape_cast %swap3A_323 : vector<1x16xf32> to vector<16xf32>
    %swap3A_325 = vector.shape_cast %broadcast_in_dim3A_8 : vector<16xf32> to vector<1x16xf32>
    tpu.vector_store %arg14[%swap3A_321, %swap3A_322], %swap3A_325 {strides = array<i32>} : memref<16x128xf32, #tpu.memory_space<vmem>>, vector<1x16xf32>,
    %swap3A_326 = arith.constant 6 : i32
    %swap3A_327 = arith.index_cast %swap3A_326 : i32 to index
    %swap3A_328 = arith.constant 80 : index
    %swap3A_329 = tpu.vector_load %arg14[%swap3A_327, %swap3A_328] {strides = array<i32>} : memref<16x128xf32, #tpu.memory_space<vmem>>, vector<1x16xf32>,
    %swap3A_330 = vector.shape_cast %swap3A_329 : vector<1x16xf32> to vector<16xf32>
    %swap3A_331 = vector.shape_cast %broadcast_in_dim3A_8 : vector<16xf32> to vector<1x16xf32>
    tpu.vector_store %arg14[%swap3A_327, %swap3A_328], %swap3A_331 {strides = array<i32>} : memref<16x128xf32, #tpu.memory_space<vmem>>, vector<1x16xf32>,
    %swap3A_332 = arith.constant 6 : i32
    %swap3A_333 = arith.index_cast %swap3A_332 : i32 to index
    %swap3A_334 = arith.constant 96 : index
    %swap3A_335 = tpu.vector_load %arg14[%swap3A_333, %swap3A_334] {strides = array<i32>} : memref<16x128xf32, #tpu.memory_space<vmem>>, vector<1x16xf32>,
    %swap3A_336 = vector.shape_cast %swap3A_335 : vector<1x16xf32> to vector<16xf32>
    %swap3A_337 = vector.shape_cast %broadcast_in_dim3A_8 : vector<16xf32> to vector<1x16xf32>
    tpu.vector_store %arg14[%swap3A_333, %swap3A_334], %swap3A_337 {strides = array<i32>} : memref<16x128xf32, #tpu.memory_space<vmem>>, vector<1x16xf32>,
    %swap3A_338 = arith.constant 6 : i32
    %swap3A_339 = arith.index_cast %swap3A_338 : i32 to index
    %swap3A_340 = arith.constant 112 : index
    %swap3A_341 = tpu.vector_load %arg14[%swap3A_339, %swap3A_340] {strides = array<i32>} : memref<16x128xf32, #tpu.memory_space<vmem>>, vector<1x16xf32>,
    %swap3A_342 = vector.shape_cast %swap3A_341 : vector<1x16xf32> to vector<16xf32>
    %swap3A_343 = vector.shape_cast %broadcast_in_dim3A_8 : vector<16xf32> to vector<1x16xf32>
    tpu.vector_store %arg14[%swap3A_339, %swap3A_340], %swap3A_343 {strides = array<i32>} : memref<16x128xf32, #tpu.memory_space<vmem>>, vector<1x16xf32>,
    %swap3A_344 = arith.constant 7 : i32
    %swap3A_345 = arith.index_cast %swap3A_344 : i32 to index
    %swap3A_346 = arith.constant 0 : index
    %swap3A_347 = tpu.vector_load %arg14[%swap3A_345, %swap3A_346] {strides = array<i32>} : memref<16x128xf32, #tpu.memory_space<vmem>>, vector<1x16xf32>,
    %swap3A_348 = vector.shape_cast %swap3A_347 : vector<1x16xf32> to vector<16xf32>
    %swap3A_349 = vector.shape_cast %broadcast_in_dim3A_8 : vector<16xf32> to vector<1x16xf32>
    tpu.vector_store %arg14[%swap3A_345, %swap3A_346], %swap3A_349 {strides = array<i32>} : memref<16x128xf32, #tpu.memory_space<vmem>>, vector<1x16xf32>,
    %swap3A_350 = arith.constant 7 : i32
    %swap3A_351 = arith.index_cast %swap3A_350 : i32 to index
    %swap3A_352 = arith.constant 16 : index
    %swap3A_353 = tpu.vector_load %arg14[%swap3A_351, %swap3A_352] {strides = array<i32>} : memref<16x128xf32, #tpu.memory_space<vmem>>, vector<1x16xf32>,
    %swap3A_354 = vector.shape_cast %swap3A_353 : vector<1x16xf32> to vector<16xf32>
    %swap3A_355 = vector.shape_cast %broadcast_in_dim3A_8 : vector<16xf32> to vector<1x16xf32>
    tpu.vector_store %arg14[%swap3A_351, %swap3A_352], %swap3A_355 {strides = array<i32>} : memref<16x128xf32, #tpu.memory_space<vmem>>, vector<1x16xf32>,
    %swap3A_356 = arith.constant 7 : i32
    %swap3A_357 = arith.index_cast %swap3A_356 : i32 to index
    %swap3A_358 = arith.constant 32 : index
    %swap3A_359 = tpu.vector_load %arg14[%swap3A_357, %swap3A_358] {strides = array<i32>} : memref<16x128xf32, #tpu.memory_space<vmem>>, vector<1x16xf32>,
    %swap3A_360 = vector.shape_cast %swap3A_359 : vector<1x16xf32> to vector<16xf32>
    %swap3A_361 = vector.shape_cast %broadcast_in_dim3A_8 : vector<16xf32> to vector<1x16xf32>
    tpu.vector_store %arg14[%swap3A_357, %swap3A_358], %swap3A_361 {strides = array<i32>} : memref<16x128xf32, #tpu.memory_space<vmem>>, vector<1x16xf32>,
    %swap3A_362 = arith.constant 7 : i32
    %swap3A_363 = arith.index_cast %swap3A_362 : i32 to index
    %swap3A_364 = arith.constant 48 : index
    %swap3A_365 = tpu.vector_load %arg14[%swap3A_363, %swap3A_364] {strides = array<i32>} : memref<16x128xf32, #tpu.memory_space<vmem>>, vector<1x16xf32>,
    %swap3A_366 = vector.shape_cast %swap3A_365 : vector<1x16xf32> to vector<16xf32>
    %swap3A_367 = vector.shape_cast %broadcast_in_dim3A_8 : vector<16xf32> to vector<1x16xf32>
    tpu.vector_store %arg14[%swap3A_363, %swap3A_364], %swap3A_367 {strides = array<i32>} : memref<16x128xf32, #tpu.memory_space<vmem>>, vector<1x16xf32>,
    %swap3A_368 = arith.constant 7 : i32
    %swap3A_369 = arith.index_cast %swap3A_368 : i32 to index
    %swap3A_370 = arith.constant 64 : index
    %swap3A_371 = tpu.vector_load %arg14[%swap3A_369, %swap3A_370] {strides = array<i32>} : memref<16x128xf32, #tpu.memory_space<vmem>>, vector<1x16xf32>,
    %swap3A_372 = vector.shape_cast %swap3A_371 : vector<1x16xf32> to vector<16xf32>
    %swap3A_373 = vector.shape_cast %broadcast_in_dim3A_8 : vector<16xf32> to vector<1x16xf32>
    tpu.vector_store %arg14[%swap3A_369, %swap3A_370], %swap3A_373 {strides = array<i32>} : memref<16x128xf32, #tpu.memory_space<vmem>>, vector<1x16xf32>,
    %swap3A_374 = arith.constant 7 : i32
    %swap3A_375 = arith.index_cast %swap3A_374 : i32 to index
    %swap3A_376 = arith.constant 80 : index
    %swap3A_377 = tpu.vector_load %arg14[%swap3A_375, %swap3A_376] {strides = array<i32>} : memref<16x128xf32, #tpu.memory_space<vmem>>, vector<1x16xf32>,
    %swap3A_378 = vector.shape_cast %swap3A_377 : vector<1x16xf32> to vector<16xf32>
    %swap3A_379 = vector.shape_cast %broadcast_in_dim3A_8 : vector<16xf32> to vector<1x16xf32>
    tpu.vector_store %arg14[%swap3A_375, %swap3A_376], %swap3A_379 {strides = array<i32>} : memref<16x128xf32, #tpu.memory_space<vmem>>, vector<1x16xf32>,
    %swap3A_380 = arith.constant 7 : i32
    %swap3A_381 = arith.index_cast %swap3A_380 : i32 to index
    %swap3A_382 = arith.constant 96 : index
    %swap3A_383 = tpu.vector_load %arg14[%swap3A_381, %swap3A_382] {strides = array<i32>} : memref<16x128xf32, #tpu.memory_space<vmem>>, vector<1x16xf32>,
    %swap3A_384 = vector.shape_cast %swap3A_383 : vector<1x16xf32> to vector<16xf32>
    %swap3A_385 = vector.shape_cast %broadcast_in_dim3A_8 : vector<16xf32> to vector<1x16xf32>
    tpu.vector_store %arg14[%swap3A_381, %swap3A_382], %swap3A_385 {strides = array<i32>} : memref<16x128xf32, #tpu.memory_space<vmem>>, vector<1x16xf32>,
    %swap3A_386 = arith.constant 7 : i32
    %swap3A_387 = arith.index_cast %swap3A_386 : i32 to index
    %swap3A_388 = arith.constant 112 : index
    %swap3A_389 = tpu.vector_load %arg14[%swap3A_387, %swap3A_388] {strides = array<i32>} : memref<16x128xf32, #tpu.memory_space<vmem>>, vector<1x16xf32>,
    %swap3A_390 = vector.shape_cast %swap3A_389 : vector<1x16xf32> to vector<16xf32>
    %swap3A_391 = vector.shape_cast %broadcast_in_dim3A_8 : vector<16xf32> to vector<1x16xf32>
    tpu.vector_store %arg14[%swap3A_387, %swap3A_388], %swap3A_391 {strides = array<i32>} : memref<16x128xf32, #tpu.memory_space<vmem>>, vector<1x16xf32>,
    %swap3A_392 = arith.constant 8 : i32
    %swap3A_393 = arith.index_cast %swap3A_392 : i32 to index
    %swap3A_394 = arith.constant 0 : index
    %swap3A_395 = tpu.vector_load %arg14[%swap3A_393, %swap3A_394] {strides = array<i32>} : memref<16x128xf32, #tpu.memory_space<vmem>>, vector<1x16xf32>,
    %swap3A_396 = vector.shape_cast %swap3A_395 : vector<1x16xf32> to vector<16xf32>
    %swap3A_397 = vector.shape_cast %broadcast_in_dim3A_8 : vector<16xf32> to vector<1x16xf32>
    tpu.vector_store %arg14[%swap3A_393, %swap3A_394], %swap3A_397 {strides = array<i32>} : memref<16x128xf32, #tpu.memory_space<vmem>>, vector<1x16xf32>,
    %swap3A_398 = arith.constant 8 : i32
    %swap3A_399 = arith.index_cast %swap3A_398 : i32 to index
    %swap3A_400 = arith.constant 16 : index
    %swap3A_401 = tpu.vector_load %arg14[%swap3A_399, %swap3A_400] {strides = array<i32>} : memref<16x128xf32, #tpu.memory_space<vmem>>, vector<1x16xf32>,
    %swap3A_402 = vector.shape_cast %swap3A_401 : vector<1x16xf32> to vector<16xf32>
    %swap3A_403 = vector.shape_cast %broadcast_in_dim3A_8 : vector<16xf32> to vector<1x16xf32>
    tpu.vector_store %arg14[%swap3A_399, %swap3A_400], %swap3A_403 {strides = array<i32>} : memref<16x128xf32, #tpu.memory_space<vmem>>, vector<1x16xf32>,
    %swap3A_404 = arith.constant 8 : i32
    %swap3A_405 = arith.index_cast %swap3A_404 : i32 to index
    %swap3A_406 = arith.constant 32 : index
    %swap3A_407 = tpu.vector_load %arg14[%swap3A_405, %swap3A_406] {strides = array<i32>} : memref<16x128xf32, #tpu.memory_space<vmem>>, vector<1x16xf32>,
    %swap3A_408 = vector.shape_cast %swap3A_407 : vector<1x16xf32> to vector<16xf32>
    %swap3A_409 = vector.shape_cast %broadcast_in_dim3A_8 : vector<16xf32> to vector<1x16xf32>
    tpu.vector_store %arg14[%swap3A_405, %swap3A_406], %swap3A_409 {strides = array<i32>} : memref<16x128xf32, #tpu.memory_space<vmem>>, vector<1x16xf32>,
    %swap3A_410 = arith.constant 8 : i32
    %swap3A_411 = arith.index_cast %swap3A_410 : i32 to index
    %swap3A_412 = arith.constant 48 : index
    %swap3A_413 = tpu.vector_load %arg14[%swap3A_411, %swap3A_412] {strides = array<i32>} : memref<16x128xf32, #tpu.memory_space<vmem>>, vector<1x16xf32>,
    %swap3A_414 = vector.shape_cast %swap3A_413 : vector<1x16xf32> to vector<16xf32>
    %swap3A_415 = vector.shape_cast %broadcast_in_dim3A_8 : vector<16xf32> to vector<1x16xf32>
    tpu.vector_store %arg14[%swap3A_411, %swap3A_412], %swap3A_415 {strides = array<i32>} : memref<16x128xf32, #tpu.memory_space<vmem>>, vector<1x16xf32>,
    %swap3A_416 = arith.constant 8 : i32
    %swap3A_417 = arith.index_cast %swap3A_416 : i32 to index
    %swap3A_418 = arith.constant 64 : index
    %swap3A_419 = tpu.vector_load %arg14[%swap3A_417, %swap3A_418] {strides = array<i32>} : memref<16x128xf32, #tpu.memory_space<vmem>>, vector<1x16xf32>,
    %swap3A_420 = vector.shape_cast %swap3A_419 : vector<1x16xf32> to vector<16xf32>
    %swap3A_421 = vector.shape_cast %broadcast_in_dim3A_8 : vector<16xf32> to vector<1x16xf32>
    tpu.vector_store %arg14[%swap3A_417, %swap3A_418], %swap3A_421 {strides = array<i32>} : memref<16x128xf32, #tpu.memory_space<vmem>>, vector<1x16xf32>,
    %swap3A_422 = arith.constant 8 : i32
    %swap3A_423 = arith.index_cast %swap3A_422 : i32 to index
    %swap3A_424 = arith.constant 80 : index
    %swap3A_425 = tpu.vector_load %arg14[%swap3A_423, %swap3A_424] {strides = array<i32>} : memref<16x128xf32, #tpu.memory_space<vmem>>, vector<1x16xf32>,
    %swap3A_426 = vector.shape_cast %swap3A_425 : vector<1x16xf32> to vector<16xf32>
    %swap3A_427 = vector.shape_cast %broadcast_in_dim3A_8 : vector<16xf32> to vector<1x16xf32>
    tpu.vector_store %arg14[%swap3A_423, %swap3A_424], %swap3A_427 {strides = array<i32>} : memref<16x128xf32, #tpu.memory_space<vmem>>, vector<1x16xf32>,
    %swap3A_428 = arith.constant 8 : i32
    %swap3A_429 = arith.index_cast %swap3A_428 : i32 to index
    %swap3A_430 = arith.constant 96 : index
    %swap3A_431 = tpu.vector_load %arg14[%swap3A_429, %swap3A_430] {strides = array<i32>} : memref<16x128xf32, #tpu.memory_space<vmem>>, vector<1x16xf32>,
    %swap3A_432 = vector.shape_cast %swap3A_431 : vector<1x16xf32> to vector<16xf32>
    %swap3A_433 = vector.shape_cast %broadcast_in_dim3A_8 : vector<16xf32> to vector<1x16xf32>
    tpu.vector_store %arg14[%swap3A_429, %swap3A_430], %swap3A_433 {strides = array<i32>} : memref<16x128xf32, #tpu.memory_space<vmem>>, vector<1x16xf32>,
    %swap3A_434 = arith.constant 8 : i32
    %swap3A_435 = arith.index_cast %swap3A_434 : i32 to index
    %swap3A_436 = arith.constant 112 : index
    %swap3A_437 = tpu.vector_load %arg14[%swap3A_435, %swap3A_436] {strides = array<i32>} : memref<16x128xf32, #tpu.memory_space<vmem>>, vector<1x16xf32>,
    %swap3A_438 = vector.shape_cast %swap3A_437 : vector<1x16xf32> to vector<16xf32>
    %swap3A_439 = vector.shape_cast %broadcast_in_dim3A_8 : vector<16xf32> to vector<1x16xf32>
    tpu.vector_store %arg14[%swap3A_435, %swap3A_436], %swap3A_439 {strides = array<i32>} : memref<16x128xf32, #tpu.memory_space<vmem>>, vector<1x16xf32>,
    %swap3A_440 = arith.constant 9 : i32
    %swap3A_441 = arith.index_cast %swap3A_440 : i32 to index
    %swap3A_442 = arith.constant 0 : index
    %swap3A_443 = tpu.vector_load %arg14[%swap3A_441, %swap3A_442] {strides = array<i32>} : memref<16x128xf32, #tpu.memory_space<vmem>>, vector<1x16xf32>,
    %swap3A_444 = vector.shape_cast %swap3A_443 : vector<1x16xf32> to vector<16xf32>
    %swap3A_445 = vector.shape_cast %broadcast_in_dim3A_8 : vector<16xf32> to vector<1x16xf32>
    tpu.vector_store %arg14[%swap3A_441, %swap3A_442], %swap3A_445 {strides = array<i32>} : memref<16x128xf32, #tpu.memory_space<vmem>>, vector<1x16xf32>,
    %swap3A_446 = arith.constant 9 : i32
    %swap3A_447 = arith.index_cast %swap3A_446 : i32 to index
    %swap3A_448 = arith.constant 16 : index
    %swap3A_449 = tpu.vector_load %arg14[%swap3A_447, %swap3A_448] {strides = array<i32>} : memref<16x128xf32, #tpu.memory_space<vmem>>, vector<1x16xf32>,
    %swap3A_450 = vector.shape_cast %swap3A_449 : vector<1x16xf32> to vector<16xf32>
    %swap3A_451 = vector.shape_cast %broadcast_in_dim3A_8 : vector<16xf32> to vector<1x16xf32>
    tpu.vector_store %arg14[%swap3A_447, %swap3A_448], %swap3A_451 {strides = array<i32>} : memref<16x128xf32, #tpu.memory_space<vmem>>, vector<1x16xf32>,
    %swap3A_452 = arith.constant 9 : i32
    %swap3A_453 = arith.index_cast %swap3A_452 : i32 to index
    %swap3A_454 = arith.constant 32 : index
    %swap3A_455 = tpu.vector_load %arg14[%swap3A_453, %swap3A_454] {strides = array<i32>} : memref<16x128xf32, #tpu.memory_space<vmem>>, vector<1x16xf32>,
    %swap3A_456 = vector.shape_cast %swap3A_455 : vector<1x16xf32> to vector<16xf32>
    %swap3A_457 = vector.shape_cast %broadcast_in_dim3A_8 : vector<16xf32> to vector<1x16xf32>
    tpu.vector_store %arg14[%swap3A_453, %swap3A_454], %swap3A_457 {strides = array<i32>} : memref<16x128xf32, #tpu.memory_space<vmem>>, vector<1x16xf32>,
    %swap3A_458 = arith.constant 9 : i32
    %swap3A_459 = arith.index_cast %swap3A_458 : i32 to index
    %swap3A_460 = arith.constant 48 : index
    %swap3A_461 = tpu.vector_load %arg14[%swap3A_459, %swap3A_460] {strides = array<i32>} : memref<16x128xf32, #tpu.memory_space<vmem>>, vector<1x16xf32>,
    %swap3A_462 = vector.shape_cast %swap3A_461 : vector<1x16xf32> to vector<16xf32>
    %swap3A_463 = vector.shape_cast %broadcast_in_dim3A_8 : vector<16xf32> to vector<1x16xf32>
    tpu.vector_store %arg14[%swap3A_459, %swap3A_460], %swap3A_463 {strides = array<i32>} : memref<16x128xf32, #tpu.memory_space<vmem>>, vector<1x16xf32>,
    %swap3A_464 = arith.constant 9 : i32
    %swap3A_465 = arith.index_cast %swap3A_464 : i32 to index
    %swap3A_466 = arith.constant 64 : index
    %swap3A_467 = tpu.vector_load %arg14[%swap3A_465, %swap3A_466] {strides = array<i32>} : memref<16x128xf32, #tpu.memory_space<vmem>>, vector<1x16xf32>,
    %swap3A_468 = vector.shape_cast %swap3A_467 : vector<1x16xf32> to vector<16xf32>
    %swap3A_469 = vector.shape_cast %broadcast_in_dim3A_8 : vector<16xf32> to vector<1x16xf32>
    tpu.vector_store %arg14[%swap3A_465, %swap3A_466], %swap3A_469 {strides = array<i32>} : memref<16x128xf32, #tpu.memory_space<vmem>>, vector<1x16xf32>,
    %swap3A_470 = arith.constant 9 : i32
    %swap3A_471 = arith.index_cast %swap3A_470 : i32 to index
    %swap3A_472 = arith.constant 80 : index
    %swap3A_473 = tpu.vector_load %arg14[%swap3A_471, %swap3A_472] {strides = array<i32>} : memref<16x128xf32, #tpu.memory_space<vmem>>, vector<1x16xf32>,
    %swap3A_474 = vector.shape_cast %swap3A_473 : vector<1x16xf32> to vector<16xf32>
    %swap3A_475 = vector.shape_cast %broadcast_in_dim3A_8 : vector<16xf32> to vector<1x16xf32>
    tpu.vector_store %arg14[%swap3A_471, %swap3A_472], %swap3A_475 {strides = array<i32>} : memref<16x128xf32, #tpu.memory_space<vmem>>, vector<1x16xf32>,
    %swap3A_476 = arith.constant 9 : i32
    %swap3A_477 = arith.index_cast %swap3A_476 : i32 to index
    %swap3A_478 = arith.constant 96 : index
    %swap3A_479 = tpu.vector_load %arg14[%swap3A_477, %swap3A_478] {strides = array<i32>} : memref<16x128xf32, #tpu.memory_space<vmem>>, vector<1x16xf32>,
    %swap3A_480 = vector.shape_cast %swap3A_479 : vector<1x16xf32> to vector<16xf32>
    %swap3A_481 = vector.shape_cast %broadcast_in_dim3A_8 : vector<16xf32> to vector<1x16xf32>
    tpu.vector_store %arg14[%swap3A_477, %swap3A_478], %swap3A_481 {strides = array<i32>} : memref<16x128xf32, #tpu.memory_space<vmem>>, vector<1x16xf32>,
    %swap3A_482 = arith.constant 9 : i32
    %swap3A_483 = arith.index_cast %swap3A_482 : i32 to index
    %swap3A_484 = arith.constant 112 : index
    %swap3A_485 = tpu.vector_load %arg14[%swap3A_483, %swap3A_484] {strides = array<i32>} : memref<16x128xf32, #tpu.memory_space<vmem>>, vector<1x16xf32>,
    %swap3A_486 = vector.shape_cast %swap3A_485 : vector<1x16xf32> to vector<16xf32>
    %swap3A_487 = vector.shape_cast %broadcast_in_dim3A_8 : vector<16xf32> to vector<1x16xf32>
    tpu.vector_store %arg14[%swap3A_483, %swap3A_484], %swap3A_487 {strides = array<i32>} : memref<16x128xf32, #tpu.memory_space<vmem>>, vector<1x16xf32>,
    %swap3A_488 = arith.constant 10 : i32
    %swap3A_489 = arith.index_cast %swap3A_488 : i32 to index
    %swap3A_490 = arith.constant 0 : index
    %swap3A_491 = tpu.vector_load %arg14[%swap3A_489, %swap3A_490] {strides = array<i32>} : memref<16x128xf32, #tpu.memory_space<vmem>>, vector<1x16xf32>,
    %swap3A_492 = vector.shape_cast %swap3A_491 : vector<1x16xf32> to vector<16xf32>
    %swap3A_493 = vector.shape_cast %broadcast_in_dim3A_8 : vector<16xf32> to vector<1x16xf32>
    tpu.vector_store %arg14[%swap3A_489, %swap3A_490], %swap3A_493 {strides = array<i32>} : memref<16x128xf32, #tpu.memory_space<vmem>>, vector<1x16xf32>,
    %swap3A_494 = arith.constant 10 : i32
    %swap3A_495 = arith.index_cast %swap3A_494 : i32 to index
    %swap3A_496 = arith.constant 16 : index
    %swap3A_497 = tpu.vector_load %arg14[%swap3A_495, %swap3A_496] {strides = array<i32>} : memref<16x128xf32, #tpu.memory_space<vmem>>, vector<1x16xf32>,
    %swap3A_498 = vector.shape_cast %swap3A_497 : vector<1x16xf32> to vector<16xf32>
    %swap3A_499 = vector.shape_cast %broadcast_in_dim3A_8 : vector<16xf32> to vector<1x16xf32>
    tpu.vector_store %arg14[%swap3A_495, %swap3A_496], %swap3A_499 {strides = array<i32>} : memref<16x128xf32, #tpu.memory_space<vmem>>, vector<1x16xf32>,
    %swap3A_500 = arith.constant 10 : i32
    %swap3A_501 = arith.index_cast %swap3A_500 : i32 to index
    %swap3A_502 = arith.constant 32 : index
    %swap3A_503 = tpu.vector_load %arg14[%swap3A_501, %swap3A_502] {strides = array<i32>} : memref<16x128xf32, #tpu.memory_space<vmem>>, vector<1x16xf32>,
    %swap3A_504 = vector.shape_cast %swap3A_503 : vector<1x16xf32> to vector<16xf32>
    %swap3A_505 = vector.shape_cast %broadcast_in_dim3A_8 : vector<16xf32> to vector<1x16xf32>
    tpu.vector_store %arg14[%swap3A_501, %swap3A_502], %swap3A_505 {strides = array<i32>} : memref<16x128xf32, #tpu.memory_space<vmem>>, vector<1x16xf32>,
    %swap3A_506 = arith.constant 10 : i32
    %swap3A_507 = arith.index_cast %swap3A_506 : i32 to index
    %swap3A_508 = arith.constant 48 : index
    %swap3A_509 = tpu.vector_load %arg14[%swap3A_507, %swap3A_508] {strides = array<i32>} : memref<16x128xf32, #tpu.memory_space<vmem>>, vector<1x16xf32>,
    %swap3A_510 = vector.shape_cast %swap3A_509 : vector<1x16xf32> to vector<16xf32>
    %swap3A_511 = vector.shape_cast %broadcast_in_dim3A_8 : vector<16xf32> to vector<1x16xf32>
    tpu.vector_store %arg14[%swap3A_507, %swap3A_508], %swap3A_511 {strides = array<i32>} : memref<16x128xf32, #tpu.memory_space<vmem>>, vector<1x16xf32>,
    %swap3A_512 = arith.constant 10 : i32
    %swap3A_513 = arith.index_cast %swap3A_512 : i32 to index
    %swap3A_514 = arith.constant 64 : index
    %swap3A_515 = tpu.vector_load %arg14[%swap3A_513, %swap3A_514] {strides = array<i32>} : memref<16x128xf32, #tpu.memory_space<vmem>>, vector<1x16xf32>,
    %swap3A_516 = vector.shape_cast %swap3A_515 : vector<1x16xf32> to vector<16xf32>
    %swap3A_517 = vector.shape_cast %broadcast_in_dim3A_8 : vector<16xf32> to vector<1x16xf32>
    tpu.vector_store %arg14[%swap3A_513, %swap3A_514], %swap3A_517 {strides = array<i32>} : memref<16x128xf32, #tpu.memory_space<vmem>>, vector<1x16xf32>,
    %swap3A_518 = arith.constant 10 : i32
    %swap3A_519 = arith.index_cast %swap3A_518 : i32 to index
    %swap3A_520 = arith.constant 80 : index
    %swap3A_521 = tpu.vector_load %arg14[%swap3A_519, %swap3A_520] {strides = array<i32>} : memref<16x128xf32, #tpu.memory_space<vmem>>, vector<1x16xf32>,
    %swap3A_522 = vector.shape_cast %swap3A_521 : vector<1x16xf32> to vector<16xf32>
    %swap3A_523 = vector.shape_cast %broadcast_in_dim3A_8 : vector<16xf32> to vector<1x16xf32>
    tpu.vector_store %arg14[%swap3A_519, %swap3A_520], %swap3A_523 {strides = array<i32>} : memref<16x128xf32, #tpu.memory_space<vmem>>, vector<1x16xf32>,
    %swap3A_524 = arith.constant 10 : i32
    %swap3A_525 = arith.index_cast %swap3A_524 : i32 to index
    %swap3A_526 = arith.constant 96 : index
    %swap3A_527 = tpu.vector_load %arg14[%swap3A_525, %swap3A_526] {strides = array<i32>} : memref<16x128xf32, #tpu.memory_space<vmem>>, vector<1x16xf32>,
    %swap3A_528 = vector.shape_cast %swap3A_527 : vector<1x16xf32> to vector<16xf32>
    %swap3A_529 = vector.shape_cast %broadcast_in_dim3A_8 : vector<16xf32> to vector<1x16xf32>
    tpu.vector_store %arg14[%swap3A_525, %swap3A_526], %swap3A_529 {strides = array<i32>} : memref<16x128xf32, #tpu.memory_space<vmem>>, vector<1x16xf32>,
    %swap3A_530 = arith.constant 10 : i32
    %swap3A_531 = arith.index_cast %swap3A_530 : i32 to index
    %swap3A_532 = arith.constant 112 : index
    %swap3A_533 = tpu.vector_load %arg14[%swap3A_531, %swap3A_532] {strides = array<i32>} : memref<16x128xf32, #tpu.memory_space<vmem>>, vector<1x16xf32>,
    %swap3A_534 = vector.shape_cast %swap3A_533 : vector<1x16xf32> to vector<16xf32>
    %swap3A_535 = vector.shape_cast %broadcast_in_dim3A_8 : vector<16xf32> to vector<1x16xf32>
    tpu.vector_store %arg14[%swap3A_531, %swap3A_532], %swap3A_535 {strides = array<i32>} : memref<16x128xf32, #tpu.memory_space<vmem>>, vector<1x16xf32>,
    %swap3A_536 = arith.constant 11 : i32
    %swap3A_537 = arith.index_cast %swap3A_536 : i32 to index
    %swap3A_538 = arith.constant 0 : index
    %swap3A_539 = tpu.vector_load %arg14[%swap3A_537, %swap3A_538] {strides = array<i32>} : memref<16x128xf32, #tpu.memory_space<vmem>>, vector<1x16xf32>,
    %swap3A_540 = vector.shape_cast %swap3A_539 : vector<1x16xf32> to vector<16xf32>
    %swap3A_541 = vector.shape_cast %broadcast_in_dim3A_8 : vector<16xf32> to vector<1x16xf32>
    tpu.vector_store %arg14[%swap3A_537, %swap3A_538], %swap3A_541 {strides = array<i32>} : memref<16x128xf32, #tpu.memory_space<vmem>>, vector<1x16xf32>,
    %swap3A_542 = arith.constant 11 : i32
    %swap3A_543 = arith.index_cast %swap3A_542 : i32 to index
    %swap3A_544 = arith.constant 16 : index
    %swap3A_545 = tpu.vector_load %arg14[%swap3A_543, %swap3A_544] {strides = array<i32>} : memref<16x128xf32, #tpu.memory_space<vmem>>, vector<1x16xf32>,
    %swap3A_546 = vector.shape_cast %swap3A_545 : vector<1x16xf32> to vector<16xf32>
    %swap3A_547 = vector.shape_cast %broadcast_in_dim3A_8 : vector<16xf32> to vector<1x16xf32>
    tpu.vector_store %arg14[%swap3A_543, %swap3A_544], %swap3A_547 {strides = array<i32>} : memref<16x128xf32, #tpu.memory_space<vmem>>, vector<1x16xf32>,
    %swap3A_548 = arith.constant 11 : i32
    %swap3A_549 = arith.index_cast %swap3A_548 : i32 to index
    %swap3A_550 = arith.constant 32 : index
    %swap3A_551 = tpu.vector_load %arg14[%swap3A_549, %swap3A_550] {strides = array<i32>} : memref<16x128xf32, #tpu.memory_space<vmem>>, vector<1x16xf32>,
    %swap3A_552 = vector.shape_cast %swap3A_551 : vector<1x16xf32> to vector<16xf32>
    %swap3A_553 = vector.shape_cast %broadcast_in_dim3A_8 : vector<16xf32> to vector<1x16xf32>
    tpu.vector_store %arg14[%swap3A_549, %swap3A_550], %swap3A_553 {strides = array<i32>} : memref<16x128xf32, #tpu.memory_space<vmem>>, vector<1x16xf32>,
    %swap3A_554 = arith.constant 11 : i32
    %swap3A_555 = arith.index_cast %swap3A_554 : i32 to index
    %swap3A_556 = arith.constant 48 : index
    %swap3A_557 = tpu.vector_load %arg14[%swap3A_555, %swap3A_556] {strides = array<i32>} : memref<16x128xf32, #tpu.memory_space<vmem>>, vector<1x16xf32>,
    %swap3A_558 = vector.shape_cast %swap3A_557 : vector<1x16xf32> to vector<16xf32>
    %swap3A_559 = vector.shape_cast %broadcast_in_dim3A_8 : vector<16xf32> to vector<1x16xf32>
    tpu.vector_store %arg14[%swap3A_555, %swap3A_556], %swap3A_559 {strides = array<i32>} : memref<16x128xf32, #tpu.memory_space<vmem>>, vector<1x16xf32>,
    %swap3A_560 = arith.constant 11 : i32
    %swap3A_561 = arith.index_cast %swap3A_560 : i32 to index
    %swap3A_562 = arith.constant 64 : index
    %swap3A_563 = tpu.vector_load %arg14[%swap3A_561, %swap3A_562] {strides = array<i32>} : memref<16x128xf32, #tpu.memory_space<vmem>>, vector<1x16xf32>,
    %swap3A_564 = vector.shape_cast %swap3A_563 : vector<1x16xf32> to vector<16xf32>
    %swap3A_565 = vector.shape_cast %broadcast_in_dim3A_8 : vector<16xf32> to vector<1x16xf32>
    tpu.vector_store %arg14[%swap3A_561, %swap3A_562], %swap3A_565 {strides = array<i32>} : memref<16x128xf32, #tpu.memory_space<vmem>>, vector<1x16xf32>,
    %swap3A_566 = arith.constant 11 : i32
    %swap3A_567 = arith.index_cast %swap3A_566 : i32 to index
    %swap3A_568 = arith.constant 80 : index
    %swap3A_569 = tpu.vector_load %arg14[%swap3A_567, %swap3A_568] {strides = array<i32>} : memref<16x128xf32, #tpu.memory_space<vmem>>, vector<1x16xf32>,
    %swap3A_570 = vector.shape_cast %swap3A_569 : vector<1x16xf32> to vector<16xf32>
    %swap3A_571 = vector.shape_cast %broadcast_in_dim3A_8 : vector<16xf32> to vector<1x16xf32>
    tpu.vector_store %arg14[%swap3A_567, %swap3A_568], %swap3A_571 {strides = array<i32>} : memref<16x128xf32, #tpu.memory_space<vmem>>, vector<1x16xf32>,
    %swap3A_572 = arith.constant 11 : i32
    %swap3A_573 = arith.index_cast %swap3A_572 : i32 to index
    %swap3A_574 = arith.constant 96 : index
    %swap3A_575 = tpu.vector_load %arg14[%swap3A_573, %swap3A_574] {strides = array<i32>} : memref<16x128xf32, #tpu.memory_space<vmem>>, vector<1x16xf32>,
    %swap3A_576 = vector.shape_cast %swap3A_575 : vector<1x16xf32> to vector<16xf32>
    %swap3A_577 = vector.shape_cast %broadcast_in_dim3A_8 : vector<16xf32> to vector<1x16xf32>
    tpu.vector_store %arg14[%swap3A_573, %swap3A_574], %swap3A_577 {strides = array<i32>} : memref<16x128xf32, #tpu.memory_space<vmem>>, vector<1x16xf32>,
    %swap3A_578 = arith.constant 11 : i32
    %swap3A_579 = arith.index_cast %swap3A_578 : i32 to index
    %swap3A_580 = arith.constant 112 : index
    %swap3A_581 = tpu.vector_load %arg14[%swap3A_579, %swap3A_580] {strides = array<i32>} : memref<16x128xf32, #tpu.memory_space<vmem>>, vector<1x16xf32>,
    %swap3A_582 = vector.shape_cast %swap3A_581 : vector<1x16xf32> to vector<16xf32>
    %swap3A_583 = vector.shape_cast %broadcast_in_dim3A_8 : vector<16xf32> to vector<1x16xf32>
    tpu.vector_store %arg14[%swap3A_579, %swap3A_580], %swap3A_583 {strides = array<i32>} : memref<16x128xf32, #tpu.memory_space<vmem>>, vector<1x16xf32>,
    %swap3A_584 = arith.constant 12 : i32
    %swap3A_585 = arith.index_cast %swap3A_584 : i32 to index
    %swap3A_586 = arith.constant 0 : index
    %swap3A_587 = tpu.vector_load %arg14[%swap3A_585, %swap3A_586] {strides = array<i32>} : memref<16x128xf32, #tpu.memory_space<vmem>>, vector<1x16xf32>,
    %swap3A_588 = vector.shape_cast %swap3A_587 : vector<1x16xf32> to vector<16xf32>
    %swap3A_589 = vector.shape_cast %broadcast_in_dim3A_8 : vector<16xf32> to vector<1x16xf32>
    tpu.vector_store %arg14[%swap3A_585, %swap3A_586], %swap3A_589 {strides = array<i32>} : memref<16x128xf32, #tpu.memory_space<vmem>>, vector<1x16xf32>,
    %swap3A_590 = arith.constant 12 : i32
    %swap3A_591 = arith.index_cast %swap3A_590 : i32 to index
    %swap3A_592 = arith.constant 16 : index
    %swap3A_593 = tpu.vector_load %arg14[%swap3A_591, %swap3A_592] {strides = array<i32>} : memref<16x128xf32, #tpu.memory_space<vmem>>, vector<1x16xf32>,
    %swap3A_594 = vector.shape_cast %swap3A_593 : vector<1x16xf32> to vector<16xf32>
    %swap3A_595 = vector.shape_cast %broadcast_in_dim3A_8 : vector<16xf32> to vector<1x16xf32>
    tpu.vector_store %arg14[%swap3A_591, %swap3A_592], %swap3A_595 {strides = array<i32>} : memref<16x128xf32, #tpu.memory_space<vmem>>, vector<1x16xf32>,
    %swap3A_596 = arith.constant 12 : i32
    %swap3A_597 = arith.index_cast %swap3A_596 : i32 to index
    %swap3A_598 = arith.constant 32 : index
    %swap3A_599 = tpu.vector_load %arg14[%swap3A_597, %swap3A_598] {strides = array<i32>} : memref<16x128xf32, #tpu.memory_space<vmem>>, vector<1x16xf32>,
    %swap3A_600 = vector.shape_cast %swap3A_599 : vector<1x16xf32> to vector<16xf32>
    %swap3A_601 = vector.shape_cast %broadcast_in_dim3A_8 : vector<16xf32> to vector<1x16xf32>
    tpu.vector_store %arg14[%swap3A_597, %swap3A_598], %swap3A_601 {strides = array<i32>} : memref<16x128xf32, #tpu.memory_space<vmem>>, vector<1x16xf32>,
    %swap3A_602 = arith.constant 12 : i32
    %swap3A_603 = arith.index_cast %swap3A_602 : i32 to index
    %swap3A_604 = arith.constant 48 : index
    %swap3A_605 = tpu.vector_load %arg14[%swap3A_603, %swap3A_604] {strides = array<i32>} : memref<16x128xf32, #tpu.memory_space<vmem>>, vector<1x16xf32>,
    %swap3A_606 = vector.shape_cast %swap3A_605 : vector<1x16xf32> to vector<16xf32>
    %swap3A_607 = vector.shape_cast %broadcast_in_dim3A_8 : vector<16xf32> to vector<1x16xf32>
    tpu.vector_store %arg14[%swap3A_603, %swap3A_604], %swap3A_607 {strides = array<i32>} : memref<16x128xf32, #tpu.memory_space<vmem>>, vector<1x16xf32>,
    %swap3A_608 = arith.constant 12 : i32
    %swap3A_609 = arith.index_cast %swap3A_608 : i32 to index
    %swap3A_610 = arith.constant 64 : index
    %swap3A_611 = tpu.vector_load %arg14[%swap3A_609, %swap3A_610] {strides = array<i32>} : memref<16x128xf32, #tpu.memory_space<vmem>>, vector<1x16xf32>,
    %swap3A_612 = vector.shape_cast %swap3A_611 : vector<1x16xf32> to vector<16xf32>
    %swap3A_613 = vector.shape_cast %broadcast_in_dim3A_8 : vector<16xf32> to vector<1x16xf32>
    tpu.vector_store %arg14[%swap3A_609, %swap3A_610], %swap3A_613 {strides = array<i32>} : memref<16x128xf32, #tpu.memory_space<vmem>>, vector<1x16xf32>,
    %swap3A_614 = arith.constant 12 : i32
    %swap3A_615 = arith.index_cast %swap3A_614 : i32 to index
    %swap3A_616 = arith.constant 80 : index
    %swap3A_617 = tpu.vector_load %arg14[%swap3A_615, %swap3A_616] {strides = array<i32>} : memref<16x128xf32, #tpu.memory_space<vmem>>, vector<1x16xf32>,
    %swap3A_618 = vector.shape_cast %swap3A_617 : vector<1x16xf32> to vector<16xf32>
    %swap3A_619 = vector.shape_cast %broadcast_in_dim3A_8 : vector<16xf32> to vector<1x16xf32>
    tpu.vector_store %arg14[%swap3A_615, %swap3A_616], %swap3A_619 {strides = array<i32>} : memref<16x128xf32, #tpu.memory_space<vmem>>, vector<1x16xf32>,
    %swap3A_620 = arith.constant 12 : i32
    %swap3A_621 = arith.index_cast %swap3A_620 : i32 to index
    %swap3A_622 = arith.constant 96 : index
    %swap3A_623 = tpu.vector_load %arg14[%swap3A_621, %swap3A_622] {strides = array<i32>} : memref<16x128xf32, #tpu.memory_space<vmem>>, vector<1x16xf32>,
    %swap3A_624 = vector.shape_cast %swap3A_623 : vector<1x16xf32> to vector<16xf32>
    %swap3A_625 = vector.shape_cast %broadcast_in_dim3A_8 : vector<16xf32> to vector<1x16xf32>
    tpu.vector_store %arg14[%swap3A_621, %swap3A_622], %swap3A_625 {strides = array<i32>} : memref<16x128xf32, #tpu.memory_space<vmem>>, vector<1x16xf32>,
    %swap3A_626 = arith.constant 12 : i32
    %swap3A_627 = arith.index_cast %swap3A_626 : i32 to index
    %swap3A_628 = arith.constant 112 : index
    %swap3A_629 = tpu.vector_load %arg14[%swap3A_627, %swap3A_628] {strides = array<i32>} : memref<16x128xf32, #tpu.memory_space<vmem>>, vector<1x16xf32>,
    %swap3A_630 = vector.shape_cast %swap3A_629 : vector<1x16xf32> to vector<16xf32>
    %swap3A_631 = vector.shape_cast %broadcast_in_dim3A_8 : vector<16xf32> to vector<1x16xf32>
    tpu.vector_store %arg14[%swap3A_627, %swap3A_628], %swap3A_631 {strides = array<i32>} : memref<16x128xf32, #tpu.memory_space<vmem>>, vector<1x16xf32>,
    %swap3A_632 = arith.constant 13 : i32
    %swap3A_633 = arith.index_cast %swap3A_632 : i32 to index
    %swap3A_634 = arith.constant 0 : index
    %swap3A_635 = tpu.vector_load %arg14[%swap3A_633, %swap3A_634] {strides = array<i32>} : memref<16x128xf32, #tpu.memory_space<vmem>>, vector<1x16xf32>,
    %swap3A_636 = vector.shape_cast %swap3A_635 : vector<1x16xf32> to vector<16xf32>
    %swap3A_637 = vector.shape_cast %broadcast_in_dim3A_8 : vector<16xf32> to vector<1x16xf32>
    tpu.vector_store %arg14[%swap3A_633, %swap3A_634], %swap3A_637 {strides = array<i32>} : memref<16x128xf32, #tpu.memory_space<vmem>>, vector<1x16xf32>,
    %swap3A_638 = arith.constant 13 : i32
    %swap3A_639 = arith.index_cast %swap3A_638 : i32 to index
    %swap3A_640 = arith.constant 16 : index
    %swap3A_641 = tpu.vector_load %arg14[%swap3A_639, %swap3A_640] {strides = array<i32>} : memref<16x128xf32, #tpu.memory_space<vmem>>, vector<1x16xf32>,
    %swap3A_642 = vector.shape_cast %swap3A_641 : vector<1x16xf32> to vector<16xf32>
    %swap3A_643 = vector.shape_cast %broadcast_in_dim3A_8 : vector<16xf32> to vector<1x16xf32>
    tpu.vector_store %arg14[%swap3A_639, %swap3A_640], %swap3A_643 {strides = array<i32>} : memref<16x128xf32, #tpu.memory_space<vmem>>, vector<1x16xf32>,
    %swap3A_644 = arith.constant 13 : i32
    %swap3A_645 = arith.index_cast %swap3A_644 : i32 to index
    %swap3A_646 = arith.constant 32 : index
    %swap3A_647 = tpu.vector_load %arg14[%swap3A_645, %swap3A_646] {strides = array<i32>} : memref<16x128xf32, #tpu.memory_space<vmem>>, vector<1x16xf32>,
    %swap3A_648 = vector.shape_cast %swap3A_647 : vector<1x16xf32> to vector<16xf32>
    %swap3A_649 = vector.shape_cast %broadcast_in_dim3A_8 : vector<16xf32> to vector<1x16xf32>
    tpu.vector_store %arg14[%swap3A_645, %swap3A_646], %swap3A_649 {strides = array<i32>} : memref<16x128xf32, #tpu.memory_space<vmem>>, vector<1x16xf32>,
    %swap3A_650 = arith.constant 13 : i32
    %swap3A_651 = arith.index_cast %swap3A_650 : i32 to index
    %swap3A_652 = arith.constant 48 : index
    %swap3A_653 = tpu.vector_load %arg14[%swap3A_651, %swap3A_652] {strides = array<i32>} : memref<16x128xf32, #tpu.memory_space<vmem>>, vector<1x16xf32>,
    %swap3A_654 = vector.shape_cast %swap3A_653 : vector<1x16xf32> to vector<16xf32>
    %swap3A_655 = vector.shape_cast %broadcast_in_dim3A_8 : vector<16xf32> to vector<1x16xf32>
    tpu.vector_store %arg14[%swap3A_651, %swap3A_652], %swap3A_655 {strides = array<i32>} : memref<16x128xf32, #tpu.memory_space<vmem>>, vector<1x16xf32>,
    %swap3A_656 = arith.constant 13 : i32
    %swap3A_657 = arith.index_cast %swap3A_656 : i32 to index
    %swap3A_658 = arith.constant 64 : index
    %swap3A_659 = tpu.vector_load %arg14[%swap3A_657, %swap3A_658] {strides = array<i32>} : memref<16x128xf32, #tpu.memory_space<vmem>>, vector<1x16xf32>,
    %swap3A_660 = vector.shape_cast %swap3A_659 : vector<1x16xf32> to vector<16xf32>
    %swap3A_661 = vector.shape_cast %broadcast_in_dim3A_8 : vector<16xf32> to vector<1x16xf32>
    tpu.vector_store %arg14[%swap3A_657, %swap3A_658], %swap3A_661 {strides = array<i32>} : memref<16x128xf32, #tpu.memory_space<vmem>>, vector<1x16xf32>,
    %swap3A_662 = arith.constant 13 : i32
    %swap3A_663 = arith.index_cast %swap3A_662 : i32 to index
    %swap3A_664 = arith.constant 80 : index
    %swap3A_665 = tpu.vector_load %arg14[%swap3A_663, %swap3A_664] {strides = array<i32>} : memref<16x128xf32, #tpu.memory_space<vmem>>, vector<1x16xf32>,
    %swap3A_666 = vector.shape_cast %swap3A_665 : vector<1x16xf32> to vector<16xf32>
    %swap3A_667 = vector.shape_cast %broadcast_in_dim3A_8 : vector<16xf32> to vector<1x16xf32>
    tpu.vector_store %arg14[%swap3A_663, %swap3A_664], %swap3A_667 {strides = array<i32>} : memref<16x128xf32, #tpu.memory_space<vmem>>, vector<1x16xf32>,
    %swap3A_668 = arith.constant 13 : i32
    %swap3A_669 = arith.index_cast %swap3A_668 : i32 to index
    %swap3A_670 = arith.constant 96 : index
    %swap3A_671 = tpu.vector_load %arg14[%swap3A_669, %swap3A_670] {strides = array<i32>} : memref<16x128xf32, #tpu.memory_space<vmem>>, vector<1x16xf32>,
    %swap3A_672 = vector.shape_cast %swap3A_671 : vector<1x16xf32> to vector<16xf32>
    %swap3A_673 = vector.shape_cast %broadcast_in_dim3A_8 : vector<16xf32> to vector<1x16xf32>
    tpu.vector_store %arg14[%swap3A_669, %swap3A_670], %swap3A_673 {strides = array<i32>} : memref<16x128xf32, #tpu.memory_space<vmem>>, vector<1x16xf32>,
    %swap3A_674 = arith.constant 13 : i32
    %swap3A_675 = arith.index_cast %swap3A_674 : i32 to index
    %swap3A_676 = arith.constant 112 : index
    %swap3A_677 = tpu.vector_load %arg14[%swap3A_675, %swap3A_676] {strides = array<i32>} : memref<16x128xf32, #tpu.memory_space<vmem>>, vector<1x16xf32>,
    %swap3A_678 = vector.shape_cast %swap3A_677 : vector<1x16xf32> to vector<16xf32>
    %swap3A_679 = vector.shape_cast %broadcast_in_dim3A_8 : vector<16xf32> to vector<1x16xf32>
    tpu.vector_store %arg14[%swap3A_675, %swap3A_676], %swap3A_679 {strides = array<i32>} : memref<16x128xf32, #tpu.memory_space<vmem>>, vector<1x16xf32>,
    %swap3A_680 = arith.constant 14 : i32
    %swap3A_681 = arith.index_cast %swap3A_680 : i32 to index
    %swap3A_682 = arith.constant 0 : index
    %swap3A_683 = tpu.vector_load %arg14[%swap3A_681, %swap3A_682] {strides = array<i32>} : memref<16x128xf32, #tpu.memory_space<vmem>>, vector<1x16xf32>,
    %swap3A_684 = vector.shape_cast %swap3A_683 : vector<1x16xf32> to vector<16xf32>
    %swap3A_685 = vector.shape_cast %broadcast_in_dim3A_8 : vector<16xf32> to vector<1x16xf32>
    tpu.vector_store %arg14[%swap3A_681, %swap3A_682], %swap3A_685 {strides = array<i32>} : memref<16x128xf32, #tpu.memory_space<vmem>>, vector<1x16xf32>,
    %swap3A_686 = arith.constant 14 : i32
    %swap3A_687 = arith.index_cast %swap3A_686 : i32 to index
    %swap3A_688 = arith.constant 16 : index
    %swap3A_689 = tpu.vector_load %arg14[%swap3A_687, %swap3A_688] {strides = array<i32>} : memref<16x128xf32, #tpu.memory_space<vmem>>, vector<1x16xf32>,
    %swap3A_690 = vector.shape_cast %swap3A_689 : vector<1x16xf32> to vector<16xf32>
    %swap3A_691 = vector.shape_cast %broadcast_in_dim3A_8 : vector<16xf32> to vector<1x16xf32>
    tpu.vector_store %arg14[%swap3A_687, %swap3A_688], %swap3A_691 {strides = array<i32>} : memref<16x128xf32, #tpu.memory_space<vmem>>, vector<1x16xf32>,
    %swap3A_692 = arith.constant 14 : i32
    %swap3A_693 = arith.index_cast %swap3A_692 : i32 to index
    %swap3A_694 = arith.constant 32 : index
    %swap3A_695 = tpu.vector_load %arg14[%swap3A_693, %swap3A_694] {strides = array<i32>} : memref<16x128xf32, #tpu.memory_space<vmem>>, vector<1x16xf32>,
    %swap3A_696 = vector.shape_cast %swap3A_695 : vector<1x16xf32> to vector<16xf32>
    %swap3A_697 = vector.shape_cast %broadcast_in_dim3A_8 : vector<16xf32> to vector<1x16xf32>
    tpu.vector_store %arg14[%swap3A_693, %swap3A_694], %swap3A_697 {strides = array<i32>} : memref<16x128xf32, #tpu.memory_space<vmem>>, vector<1x16xf32>,
    %swap3A_698 = arith.constant 14 : i32
    %swap3A_699 = arith.index_cast %swap3A_698 : i32 to index
    %swap3A_700 = arith.constant 48 : index
    %swap3A_701 = tpu.vector_load %arg14[%swap3A_699, %swap3A_700] {strides = array<i32>} : memref<16x128xf32, #tpu.memory_space<vmem>>, vector<1x16xf32>,
    %swap3A_702 = vector.shape_cast %swap3A_701 : vector<1x16xf32> to vector<16xf32>
    %swap3A_703 = vector.shape_cast %broadcast_in_dim3A_8 : vector<16xf32> to vector<1x16xf32>
    tpu.vector_store %arg14[%swap3A_699, %swap3A_700], %swap3A_703 {strides = array<i32>} : memref<16x128xf32, #tpu.memory_space<vmem>>, vector<1x16xf32>,
    %swap3A_704 = arith.constant 14 : i32
    %swap3A_705 = arith.index_cast %swap3A_704 : i32 to index
    %swap3A_706 = arith.constant 64 : index
    %swap3A_707 = tpu.vector_load %arg14[%swap3A_705, %swap3A_706] {strides = array<i32>} : memref<16x128xf32, #tpu.memory_space<vmem>>, vector<1x16xf32>,
    %swap3A_708 = vector.shape_cast %swap3A_707 : vector<1x16xf32> to vector<16xf32>
    %swap3A_709 = vector.shape_cast %broadcast_in_dim3A_8 : vector<16xf32> to vector<1x16xf32>
    tpu.vector_store %arg14[%swap3A_705, %swap3A_706], %swap3A_709 {strides = array<i32>} : memref<16x128xf32, #tpu.memory_space<vmem>>, vector<1x16xf32>,
    %swap3A_710 = arith.constant 14 : i32
    %swap3A_711 = arith.index_cast %swap3A_710 : i32 to index
    %swap3A_712 = arith.constant 80 : index
    %swap3A_713 = tpu.vector_load %arg14[%swap3A_711, %swap3A_712] {strides = array<i32>} : memref<16x128xf32, #tpu.memory_space<vmem>>, vector<1x16xf32>,
    %swap3A_714 = vector.shape_cast %swap3A_713 : vector<1x16xf32> to vector<16xf32>
    %swap3A_715 = vector.shape_cast %broadcast_in_dim3A_8 : vector<16xf32> to vector<1x16xf32>
    tpu.vector_store %arg14[%swap3A_711, %swap3A_712], %swap3A_715 {strides = array<i32>} : memref<16x128xf32, #tpu.memory_space<vmem>>, vector<1x16xf32>,
    %swap3A_716 = arith.constant 14 : i32
    %swap3A_717 = arith.index_cast %swap3A_716 : i32 to index
    %swap3A_718 = arith.constant 96 : index
    %swap3A_719 = tpu.vector_load %arg14[%swap3A_717, %swap3A_718] {strides = array<i32>} : memref<16x128xf32, #tpu.memory_space<vmem>>, vector<1x16xf32>,
    %swap3A_720 = vector.shape_cast %swap3A_719 : vector<1x16xf32> to vector<16xf32>
    %swap3A_721 = vector.shape_cast %broadcast_in_dim3A_8 : vector<16xf32> to vector<1x16xf32>
    tpu.vector_store %arg14[%swap3A_717, %swap3A_718], %swap3A_721 {strides = array<i32>} : memref<16x128xf32, #tpu.memory_space<vmem>>, vector<1x16xf32>,
    %swap3A_722 = arith.constant 14 : i32
    %swap3A_723 = arith.index_cast %swap3A_722 : i32 to index
    %swap3A_724 = arith.constant 112 : index
    %swap3A_725 = tpu.vector_load %arg14[%swap3A_723, %swap3A_724] {strides = array<i32>} : memref<16x128xf32, #tpu.memory_space<vmem>>, vector<1x16xf32>,
    %swap3A_726 = vector.shape_cast %swap3A_725 : vector<1x16xf32> to vector<16xf32>
    %swap3A_727 = vector.shape_cast %broadcast_in_dim3A_8 : vector<16xf32> to vector<1x16xf32>
    tpu.vector_store %arg14[%swap3A_723, %swap3A_724], %swap3A_727 {strides = array<i32>} : memref<16x128xf32, #tpu.memory_space<vmem>>, vector<1x16xf32>,
    %swap3A_728 = arith.constant 15 : i32
    %swap3A_729 = arith.index_cast %swap3A_728 : i32 to index
    %swap3A_730 = arith.constant 0 : index
    %swap3A_731 = tpu.vector_load %arg14[%swap3A_729, %swap3A_730] {strides = array<i32>} : memref<16x128xf32, #tpu.memory_space<vmem>>, vector<1x16xf32>,
    %swap3A_732 = vector.shape_cast %swap3A_731 : vector<1x16xf32> to vector<16xf32>
    %swap3A_733 = vector.shape_cast %broadcast_in_dim3A_8 : vector<16xf32> to vector<1x16xf32>
    tpu.vector_store %arg14[%swap3A_729, %swap3A_730], %swap3A_733 {strides = array<i32>} : memref<16x128xf32, #tpu.memory_space<vmem>>, vector<1x16xf32>,
    %swap3A_734 = arith.constant 15 : i32
    %swap3A_735 = arith.index_cast %swap3A_734 : i32 to index
    %swap3A_736 = arith.constant 16 : index
    %swap3A_737 = tpu.vector_load %arg14[%swap3A_735, %swap3A_736] {strides = array<i32>} : memref<16x128xf32, #tpu.memory_space<vmem>>, vector<1x16xf32>,
    %swap3A_738 = vector.shape_cast %swap3A_737 : vector<1x16xf32> to vector<16xf32>
    %swap3A_739 = vector.shape_cast %broadcast_in_dim3A_8 : vector<16xf32> to vector<1x16xf32>
    tpu.vector_store %arg14[%swap3A_735, %swap3A_736], %swap3A_739 {strides = array<i32>} : memref<16x128xf32, #tpu.memory_space<vmem>>, vector<1x16xf32>,
    %swap3A_740 = arith.constant 15 : i32
    %swap3A_741 = arith.index_cast %swap3A_740 : i32 to index
    %swap3A_742 = arith.constant 32 : index
    %swap3A_743 = tpu.vector_load %arg14[%swap3A_741, %swap3A_742] {strides = array<i32>} : memref<16x128xf32, #tpu.memory_space<vmem>>, vector<1x16xf32>,
    %swap3A_744 = vector.shape_cast %swap3A_743 : vector<1x16xf32> to vector<16xf32>
    %swap3A_745 = vector.shape_cast %broadcast_in_dim3A_8 : vector<16xf32> to vector<1x16xf32>
    tpu.vector_store %arg14[%swap3A_741, %swap3A_742], %swap3A_745 {strides = array<i32>} : memref<16x128xf32, #tpu.memory_space<vmem>>, vector<1x16xf32>,
    %swap3A_746 = arith.constant 15 : i32
    %swap3A_747 = arith.index_cast %swap3A_746 : i32 to index
    %swap3A_748 = arith.constant 48 : index
    %swap3A_749 = tpu.vector_load %arg14[%swap3A_747, %swap3A_748] {strides = array<i32>} : memref<16x128xf32, #tpu.memory_space<vmem>>, vector<1x16xf32>,
    %swap3A_750 = vector.shape_cast %swap3A_749 : vector<1x16xf32> to vector<16xf32>
    %swap3A_751 = vector.shape_cast %broadcast_in_dim3A_8 : vector<16xf32> to vector<1x16xf32>
    tpu.vector_store %arg14[%swap3A_747, %swap3A_748], %swap3A_751 {strides = array<i32>} : memref<16x128xf32, #tpu.memory_space<vmem>>, vector<1x16xf32>,
    %swap3A_752 = arith.constant 15 : i32
    %swap3A_753 = arith.index_cast %swap3A_752 : i32 to index
    %swap3A_754 = arith.constant 64 : index
    %swap3A_755 = tpu.vector_load %arg14[%swap3A_753, %swap3A_754] {strides = array<i32>} : memref<16x128xf32, #tpu.memory_space<vmem>>, vector<1x16xf32>,
    %swap3A_756 = vector.shape_cast %swap3A_755 : vector<1x16xf32> to vector<16xf32>
    %swap3A_757 = vector.shape_cast %broadcast_in_dim3A_8 : vector<16xf32> to vector<1x16xf32>
    tpu.vector_store %arg14[%swap3A_753, %swap3A_754], %swap3A_757 {strides = array<i32>} : memref<16x128xf32, #tpu.memory_space<vmem>>, vector<1x16xf32>,
    %swap3A_758 = arith.constant 15 : i32
    %swap3A_759 = arith.index_cast %swap3A_758 : i32 to index
    %swap3A_760 = arith.constant 80 : index
    %swap3A_761 = tpu.vector_load %arg14[%swap3A_759, %swap3A_760] {strides = array<i32>} : memref<16x128xf32, #tpu.memory_space<vmem>>, vector<1x16xf32>,
    %swap3A_762 = vector.shape_cast %swap3A_761 : vector<1x16xf32> to vector<16xf32>
    %swap3A_763 = vector.shape_cast %broadcast_in_dim3A_8 : vector<16xf32> to vector<1x16xf32>
    tpu.vector_store %arg14[%swap3A_759, %swap3A_760], %swap3A_763 {strides = array<i32>} : memref<16x128xf32, #tpu.memory_space<vmem>>, vector<1x16xf32>,
    %swap3A_764 = arith.constant 15 : i32
    %swap3A_765 = arith.index_cast %swap3A_764 : i32 to index
    %swap3A_766 = arith.constant 96 : index
    %swap3A_767 = tpu.vector_load %arg14[%swap3A_765, %swap3A_766] {strides = array<i32>} : memref<16x128xf32, #tpu.memory_space<vmem>>, vector<1x16xf32>,
    %swap3A_768 = vector.shape_cast %swap3A_767 : vector<1x16xf32> to vector<16xf32>
    %swap3A_769 = vector.shape_cast %broadcast_in_dim3A_8 : vector<16xf32> to vector<1x16xf32>
    tpu.vector_store %arg14[%swap3A_765, %swap3A_766], %swap3A_769 {strides = array<i32>} : memref<16x128xf32, #tpu.memory_space<vmem>>, vector<1x16xf32>,
    %swap3A_770 = arith.constant 15 : i32
    %swap3A_771 = arith.index_cast %swap3A_770 : i32 to index
    %swap3A_772 = arith.constant 112 : index
    %swap3A_773 = tpu.vector_load %arg14[%swap3A_771, %swap3A_772] {strides = array<i32>} : memref<16x128xf32, #tpu.memory_space<vmem>>, vector<1x16xf32>,
    %swap3A_774 = vector.shape_cast %swap3A_773 : vector<1x16xf32> to vector<16xf32>
    %swap3A_775 = vector.shape_cast %broadcast_in_dim3A_8 : vector<16xf32> to vector<1x16xf32>
    tpu.vector_store %arg14[%swap3A_771, %swap3A_772], %swap3A_775 {strides = array<i32>} : memref<16x128xf32, #tpu.memory_space<vmem>>, vector<1x16xf32>,
    %mul3A_776 = arith.constant 16 : i32
    %mul3A_777 = arith.muli %arg1, %mul3A_776 : i32
    "tpu.region"() ({
      %run_scoped3A = tpu.sem_alloc : memref<!tpu.dma_semaphore, #tpu.memory_space<semaphore_mem>>
      %dma_start3A_1445 = arith.constant 0 : i32
      %dma_start3A_1446 = tpu.memref_slice %arg16[%mul3A_777, %dma_start3A_1445] : memref<256x128xf32, #tpu.memory_space<vmem_shared>> -> memref<16x128xf32, #tpu.memory_space<vmem_shared>>
      %dma_start3A_1447 = arith.constant 0 : i32
      %dma_start3A_1448 = tpu.memref_slice %arg16[%mul3A_777, %dma_start3A_1447] : memref<256x128xf32, #tpu.memory_space<vmem_shared>> -> memref<16x128xf32, #tpu.memory_space<vmem_shared>>
      tpu.enqueue_dma source(%arg14 : memref<16x128xf32, #tpu.memory_space<vmem>>) target(%dma_start3A_1448 : memref<16x128xf32, #tpu.memory_space<vmem_shared>>) target_semaphore(%run_scoped3A : memref<!tpu.dma_semaphore, #tpu.memory_space<semaphore_mem>>)
      %dma_wait3A_1449 = arith.constant 0 : i32
      %dma_wait3A_1450 = tpu.memref_slice %arg16[%mul3A_777, %dma_wait3A_1449] : memref<256x128xf32, #tpu.memory_space<vmem_shared>> -> memref<16x128xf32, #tpu.memory_space<vmem_shared>>
      %dma_wait3A_1451 = arith.constant 0 : i32
      %dma_wait3A_1452 = tpu.memref_slice %arg16[%mul3A_777, %dma_wait3A_1451] : memref<256x128xf32, #tpu.memory_space<vmem_shared>> -> memref<16x128xf32, #tpu.memory_space<vmem_shared>>
      tpu.wait_dma2 semaphore(%run_scoped3A : memref<!tpu.dma_semaphore, #tpu.memory_space<semaphore_mem>>) src(%arg14 : memref<16x128xf32, #tpu.memory_space<vmem>>) dst(%dma_wait3A_1452 : memref<16x128xf32, #tpu.memory_space<vmem_shared>>)
      tpu.yield
    }) : () -> ()
    %eq3A = arith.constant 0 : i32
    %eq3A_778 = arith.cmpi eq, %arg1, %eq3A : i32
    %convert_element_type3A = arith.extui %eq3A_778 : i1 to i32
    %cond3A = arith.constant 0 : i32
    %cond3A_779 = arith.cmpi ne, %convert_element_type3A, %cond3A : i32
    scf.if %cond3A_779 {
      "tpu.region"() ({
        %run_scoped3A = tpu.sem_alloc : memref<!tpu.dma_semaphore, #tpu.memory_space<semaphore_mem>>
        tpu.enqueue_dma source(%arg5 : memref<256xf32, #tpu.memory_space<hbm>>) target(%arg15 : memref<256xf32, #tpu.memory_space<vmem>>) target_semaphore(%run_scoped3A : memref<!tpu.dma_semaphore, #tpu.memory_space<semaphore_mem>>)
        tpu.wait_dma2 semaphore(%run_scoped3A : memref<!tpu.dma_semaphore, #tpu.memory_space<semaphore_mem>>) src(%arg5 : memref<256xf32, #tpu.memory_space<hbm>>) dst(%arg15 : memref<256xf32, #tpu.memory_space<vmem>>)
        tpu.yield
      }) : () -> ()
      "tpu.region"() ({
        %run_scoped3A = tpu.sem_alloc : memref<!tpu.dma_semaphore, #tpu.memory_space<semaphore_mem>>
        tpu.enqueue_dma source(%arg15 : memref<256xf32, #tpu.memory_space<vmem>>) target(%arg17 : memref<256xf32, #tpu.memory_space<vmem_shared>>) target_semaphore(%run_scoped3A : memref<!tpu.dma_semaphore, #tpu.memory_space<semaphore_mem>>)
        tpu.wait_dma2 semaphore(%run_scoped3A : memref<!tpu.dma_semaphore, #tpu.memory_space<semaphore_mem>>) src(%arg15 : memref<256xf32, #tpu.memory_space<vmem>>) dst(%arg17 : memref<256xf32, #tpu.memory_space<vmem_shared>>)
        tpu.yield
      }) : () -> ()
    } else {
    }
    %dma_wait3A = arith.constant 0 : i32
    %dma_wait3A_780 = arith.constant 0 : i32
    %dma_wait3A_781 = tpu.memref_slice %arg3[%mul3A_2, %dma_wait3A, %dma_wait3A_780] : memref<416x1x128xi32, #tpu.memory_space<hbm>> -> memref<13x1x128xi32, #tpu.memory_space<hbm>>
    %dma_wait3A_782 = arith.constant 0 : i32
    %dma_wait3A_783 = arith.constant 0 : i32
    %dma_wait3A_784 = tpu.memref_slice %arg3[%mul3A_2, %dma_wait3A_782, %dma_wait3A_783] : memref<416x1x128xi32, #tpu.memory_space<hbm>> -> memref<13x1x128xi32, #tpu.memory_space<hbm>>
    tpu.wait_dma2 semaphore(%arg19 : memref<!tpu.dma_semaphore, #tpu.memory_space<semaphore_mem>>) src(%dma_wait3A_784 : memref<13x1x128xi32, #tpu.memory_space<hbm>>) dst(%arg12 : memref<13x1x128xi32, #tpu.memory_space<vmem>>)
    %barrier3A = arith.constant 0 : index
    tpu.barrier barrier_id(%barrier3A)
    %add3A_785 = arith.constant 0 : i32
    %add3A_786 = arith.addi %mul3A_2, %add3A_785 : i32
    %mul3A_787 = arith.constant 128 : i32
    %mul3A_788 = arith.muli %add3A_786, %mul3A_787 : i32
    %add3A_789 = arith.constant 46720 : i32
    %add3A_790 = arith.addi %add3A_789, %mul3A_788 : i32
    %dma_start3A_791 = arith.constant 0 : i32
    %dma_start3A_792 = tpu.memref_slice %arg2[%add3A_790, %dma_start3A_791] : memref<100000x128xf32, #tpu.memory_space<hbm>> -> memref<128x128xf32, #tpu.memory_space<hbm>>
    %dma_start3A_793 = arith.constant 0 : i32
    %dma_start3A_794 = tpu.memref_slice %arg2[%add3A_790, %dma_start3A_793] : memref<100000x128xf32, #tpu.memory_space<hbm>> -> memref<128x128xf32, #tpu.memory_space<hbm>>
    tpu.enqueue_dma source(%dma_start3A_794 : memref<128x128xf32, #tpu.memory_space<hbm>>) target(%arg8 : memref<128x128xf32, #tpu.memory_space<vmem>>) target_semaphore(%arg18 : memref<!tpu.dma_semaphore, #tpu.memory_space<semaphore_mem>>)
    %add3A_795 = arith.constant 1 : i32
    %add3A_796 = arith.addi %mul3A_2, %add3A_795 : i32
    %mul3A_797 = arith.constant 128 : i32
    %mul3A_798 = arith.muli %add3A_796, %mul3A_797 : i32
    %add3A_799 = arith.constant 46720 : i32
    %add3A_800 = arith.addi %add3A_799, %mul3A_798 : i32
    %dma_start3A_801 = arith.constant 0 : i32
    %dma_start3A_802 = tpu.memref_slice %arg2[%add3A_800, %dma_start3A_801] : memref<100000x128xf32, #tpu.memory_space<hbm>> -> memref<128x128xf32, #tpu.memory_space<hbm>>
    %dma_start3A_803 = arith.constant 0 : i32
    %dma_start3A_804 = tpu.memref_slice %arg2[%add3A_800, %dma_start3A_803] : memref<100000x128xf32, #tpu.memory_space<hbm>> -> memref<128x128xf32, #tpu.memory_space<hbm>>
    tpu.enqueue_dma source(%dma_start3A_804 : memref<128x128xf32, #tpu.memory_space<hbm>>) target(%arg9 : memref<128x128xf32, #tpu.memory_space<vmem>>) target_semaphore(%arg18 : memref<!tpu.dma_semaphore, #tpu.memory_space<semaphore_mem>>)
    %add3A_805 = arith.constant 0 : i32
    %add3A_806 = arith.addi %mul3A_2, %add3A_805 : i32
    %mul3A_807 = arith.constant 128 : i32
    %mul3A_808 = arith.muli %add3A_806, %mul3A_807 : i32
    %add3A_809 = arith.constant 46720 : i32
    %add3A_810 = arith.addi %add3A_809, %mul3A_808 : i32
    %dma_wait3A_811 = arith.constant 0 : i32
    %dma_wait3A_812 = tpu.memref_slice %arg2[%add3A_810, %dma_wait3A_811] : memref<100000x128xf32, #tpu.memory_space<hbm>> -> memref<128x128xf32, #tpu.memory_space<hbm>>
    %dma_wait3A_813 = arith.constant 0 : i32
    %dma_wait3A_814 = tpu.memref_slice %arg2[%add3A_810, %dma_wait3A_813] : memref<100000x128xf32, #tpu.memory_space<hbm>> -> memref<128x128xf32, #tpu.memory_space<hbm>>
    tpu.wait_dma2 semaphore(%arg18 : memref<!tpu.dma_semaphore, #tpu.memory_space<semaphore_mem>>) src(%dma_wait3A_814 : memref<128x128xf32, #tpu.memory_space<hbm>>) dst(%arg8 : memref<128x128xf32, #tpu.memory_space<vmem>>)
    %dma_start3A_815 = arith.constant 0 : i32
    %dma_start3A_816 = arith.constant 0 : i32
    %dma_start3A_817 = arith.constant 0 : i32
    %dma_start3A_818 = tpu.memref_slice %arg12[%dma_start3A_815, %dma_start3A_816, %dma_start3A_817] : memref<13x1x128xi32, #tpu.memory_space<vmem>> -> memref<1x1x128xi32, #tpu.memory_space<vmem>>
    %dma_start3A_819 = tpu.memref_squeeze %dma_start3A_818 : memref<1x1x128xi32, #tpu.memory_space<vmem>> -> memref<128xi32, #tpu.memory_space<vmem>>
    %dma_start3A_820 = arith.constant 0 : i32
    %dma_start3A_821 = arith.constant 0 : i32
    %dma_start3A_822 = tpu.memref_slice %arg16[%dma_start3A_820, %dma_start3A_821] : memref<256x128xf32, #tpu.memory_space<vmem_shared>> -> memref<256x128xf32, #tpu.memory_space<vmem_shared>>
    tpu.enqueue_indirect_dma source(%arg8 : memref<128x128xf32, #tpu.memory_space<vmem>>) target(%dma_start3A_822 : memref<256x128xf32, #tpu.memory_space<vmem_shared>>) offsets(%dma_start3A_819 : memref<128xi32, #tpu.memory_space<vmem>>) semaphore(%arg20 : memref<!tpu.dma_semaphore, #tpu.memory_space<semaphore_mem>>) {add = true}
    %dma_start3A_823 = arith.constant 0 : i32
    %dma_start3A_824 = arith.constant 0 : i32
    %dma_start3A_825 = arith.constant 0 : i32
    %dma_start3A_826 = tpu.memref_slice %arg12[%dma_start3A_823, %dma_start3A_824, %dma_start3A_825] : memref<13x1x128xi32, #tpu.memory_space<vmem>> -> memref<1x1x128xi32, #tpu.memory_space<vmem>>
    %dma_start3A_827 = tpu.memref_squeeze %dma_start3A_826 : memref<1x1x128xi32, #tpu.memory_space<vmem>> -> memref<128xi32, #tpu.memory_space<vmem>>
    %dma_start3A_828 = arith.constant 0 : i32
    %dma_start3A_829 = tpu.memref_slice %arg17[%dma_start3A_828] : memref<256xf32, #tpu.memory_space<vmem_shared>> -> memref<256xf32, #tpu.memory_space<vmem_shared>>
    tpu.enqueue_indirect_dma source(%arg13 : memref<128xf32, #tpu.memory_space<vmem>>) target(%dma_start3A_829 : memref<256xf32, #tpu.memory_space<vmem_shared>>) offsets(%dma_start3A_827 : memref<128xi32, #tpu.memory_space<vmem>>) semaphore(%arg21 : memref<!tpu.dma_semaphore, #tpu.memory_space<semaphore_mem>>) {add = true}
    %add3A_830 = arith.constant 2 : i32
    %add3A_831 = arith.addi %mul3A_2, %add3A_830 : i32
    %mul3A_832 = arith.constant 128 : i32
    %mul3A_833 = arith.muli %add3A_831, %mul3A_832 : i32
    %add3A_834 = arith.constant 46720 : i32
    %add3A_835 = arith.addi %add3A_834, %mul3A_833 : i32
    %dma_start3A_836 = arith.constant 0 : i32
    %dma_start3A_837 = tpu.memref_slice %arg2[%add3A_835, %dma_start3A_836] : memref<100000x128xf32, #tpu.memory_space<hbm>> -> memref<128x128xf32, #tpu.memory_space<hbm>>
    %dma_start3A_838 = arith.constant 0 : i32
    %dma_start3A_839 = tpu.memref_slice %arg2[%add3A_835, %dma_start3A_838] : memref<100000x128xf32, #tpu.memory_space<hbm>> -> memref<128x128xf32, #tpu.memory_space<hbm>>
    tpu.enqueue_dma source(%dma_start3A_839 : memref<128x128xf32, #tpu.memory_space<hbm>>) target(%arg10 : memref<128x128xf32, #tpu.memory_space<vmem>>) target_semaphore(%arg18 : memref<!tpu.dma_semaphore, #tpu.memory_space<semaphore_mem>>)
    %add3A_840 = arith.constant 1 : i32
    %add3A_841 = arith.addi %mul3A_2, %add3A_840 : i32
    %mul3A_842 = arith.constant 128 : i32
    %mul3A_843 = arith.muli %add3A_841, %mul3A_842 : i32
    %add3A_844 = arith.constant 46720 : i32
    %add3A_845 = arith.addi %add3A_844, %mul3A_843 : i32
    %dma_wait3A_846 = arith.constant 0 : i32
    %dma_wait3A_847 = tpu.memref_slice %arg2[%add3A_845, %dma_wait3A_846] : memref<100000x128xf32, #tpu.memory_space<hbm>> -> memref<128x128xf32, #tpu.memory_space<hbm>>
    %dma_wait3A_848 = arith.constant 0 : i32
    %dma_wait3A_849 = tpu.memref_slice %arg2[%add3A_845, %dma_wait3A_848] : memref<100000x128xf32, #tpu.memory_space<hbm>> -> memref<128x128xf32, #tpu.memory_space<hbm>>
    tpu.wait_dma2 semaphore(%arg18 : memref<!tpu.dma_semaphore, #tpu.memory_space<semaphore_mem>>) src(%dma_wait3A_849 : memref<128x128xf32, #tpu.memory_space<hbm>>) dst(%arg9 : memref<128x128xf32, #tpu.memory_space<vmem>>)
    %dma_start3A_850 = arith.constant 1 : i32
    %dma_start3A_851 = arith.constant 0 : i32
    %dma_start3A_852 = arith.constant 0 : i32
    %dma_start3A_853 = tpu.memref_slice %arg12[%dma_start3A_850, %dma_start3A_851, %dma_start3A_852] : memref<13x1x128xi32, #tpu.memory_space<vmem>> -> memref<1x1x128xi32, #tpu.memory_space<vmem>>
    %dma_start3A_854 = tpu.memref_squeeze %dma_start3A_853 : memref<1x1x128xi32, #tpu.memory_space<vmem>> -> memref<128xi32, #tpu.memory_space<vmem>>
    %dma_start3A_855 = arith.constant 0 : i32
    %dma_start3A_856 = arith.constant 0 : i32
    %dma_start3A_857 = tpu.memref_slice %arg16[%dma_start3A_855, %dma_start3A_856] : memref<256x128xf32, #tpu.memory_space<vmem_shared>> -> memref<256x128xf32, #tpu.memory_space<vmem_shared>>
    tpu.enqueue_indirect_dma source(%arg9 : memref<128x128xf32, #tpu.memory_space<vmem>>) target(%dma_start3A_857 : memref<256x128xf32, #tpu.memory_space<vmem_shared>>) offsets(%dma_start3A_854 : memref<128xi32, #tpu.memory_space<vmem>>) semaphore(%arg20 : memref<!tpu.dma_semaphore, #tpu.memory_space<semaphore_mem>>) {add = true}
    %dma_start3A_858 = arith.constant 1 : i32
    %dma_start3A_859 = arith.constant 0 : i32
    %dma_start3A_860 = arith.constant 0 : i32
    %dma_start3A_861 = tpu.memref_slice %arg12[%dma_start3A_858, %dma_start3A_859, %dma_start3A_860] : memref<13x1x128xi32, #tpu.memory_space<vmem>> -> memref<1x1x128xi32, #tpu.memory_space<vmem>>
    %dma_start3A_862 = tpu.memref_squeeze %dma_start3A_861 : memref<1x1x128xi32, #tpu.memory_space<vmem>> -> memref<128xi32, #tpu.memory_space<vmem>>
    %dma_start3A_863 = arith.constant 0 : i32
    %dma_start3A_864 = tpu.memref_slice %arg17[%dma_start3A_863] : memref<256xf32, #tpu.memory_space<vmem_shared>> -> memref<256xf32, #tpu.memory_space<vmem_shared>>
    tpu.enqueue_indirect_dma source(%arg13 : memref<128xf32, #tpu.memory_space<vmem>>) target(%dma_start3A_864 : memref<256xf32, #tpu.memory_space<vmem_shared>>) offsets(%dma_start3A_862 : memref<128xi32, #tpu.memory_space<vmem>>) semaphore(%arg21 : memref<!tpu.dma_semaphore, #tpu.memory_space<semaphore_mem>>) {add = true}
    %add3A_865 = arith.constant 3 : i32
    %add3A_866 = arith.addi %mul3A_2, %add3A_865 : i32
    %mul3A_867 = arith.constant 128 : i32
    %mul3A_868 = arith.muli %add3A_866, %mul3A_867 : i32
    %add3A_869 = arith.constant 46720 : i32
    %add3A_870 = arith.addi %add3A_869, %mul3A_868 : i32
    %dma_start3A_871 = arith.constant 0 : i32
    %dma_start3A_872 = tpu.memref_slice %arg2[%add3A_870, %dma_start3A_871] : memref<100000x128xf32, #tpu.memory_space<hbm>> -> memref<128x128xf32, #tpu.memory_space<hbm>>
    %dma_start3A_873 = arith.constant 0 : i32
    %dma_start3A_874 = tpu.memref_slice %arg2[%add3A_870, %dma_start3A_873] : memref<100000x128xf32, #tpu.memory_space<hbm>> -> memref<128x128xf32, #tpu.memory_space<hbm>>
    tpu.enqueue_dma source(%dma_start3A_874 : memref<128x128xf32, #tpu.memory_space<hbm>>) target(%arg11 : memref<128x128xf32, #tpu.memory_space<vmem>>) target_semaphore(%arg18 : memref<!tpu.dma_semaphore, #tpu.memory_space<semaphore_mem>>)
    %add3A_875 = arith.constant 2 : i32
    %add3A_876 = arith.addi %mul3A_2, %add3A_875 : i32
    %mul3A_877 = arith.constant 128 : i32
    %mul3A_878 = arith.muli %add3A_876, %mul3A_877 : i32
    %add3A_879 = arith.constant 46720 : i32
    %add3A_880 = arith.addi %add3A_879, %mul3A_878 : i32
    %dma_wait3A_881 = arith.constant 0 : i32
    %dma_wait3A_882 = tpu.memref_slice %arg2[%add3A_880, %dma_wait3A_881] : memref<100000x128xf32, #tpu.memory_space<hbm>> -> memref<128x128xf32, #tpu.memory_space<hbm>>
    %dma_wait3A_883 = arith.constant 0 : i32
    %dma_wait3A_884 = tpu.memref_slice %arg2[%add3A_880, %dma_wait3A_883] : memref<100000x128xf32, #tpu.memory_space<hbm>> -> memref<128x128xf32, #tpu.memory_space<hbm>>
    tpu.wait_dma2 semaphore(%arg18 : memref<!tpu.dma_semaphore, #tpu.memory_space<semaphore_mem>>) src(%dma_wait3A_884 : memref<128x128xf32, #tpu.memory_space<hbm>>) dst(%arg10 : memref<128x128xf32, #tpu.memory_space<vmem>>)
    %dma_start3A_885 = arith.constant 2 : i32
    %dma_start3A_886 = arith.constant 0 : i32
    %dma_start3A_887 = arith.constant 0 : i32
    %dma_start3A_888 = tpu.memref_slice %arg12[%dma_start3A_885, %dma_start3A_886, %dma_start3A_887] : memref<13x1x128xi32, #tpu.memory_space<vmem>> -> memref<1x1x128xi32, #tpu.memory_space<vmem>>
    %dma_start3A_889 = tpu.memref_squeeze %dma_start3A_888 : memref<1x1x128xi32, #tpu.memory_space<vmem>> -> memref<128xi32, #tpu.memory_space<vmem>>
    %dma_start3A_890 = arith.constant 0 : i32
    %dma_start3A_891 = arith.constant 0 : i32
    %dma_start3A_892 = tpu.memref_slice %arg16[%dma_start3A_890, %dma_start3A_891] : memref<256x128xf32, #tpu.memory_space<vmem_shared>> -> memref<256x128xf32, #tpu.memory_space<vmem_shared>>
    tpu.enqueue_indirect_dma source(%arg10 : memref<128x128xf32, #tpu.memory_space<vmem>>) target(%dma_start3A_892 : memref<256x128xf32, #tpu.memory_space<vmem_shared>>) offsets(%dma_start3A_889 : memref<128xi32, #tpu.memory_space<vmem>>) semaphore(%arg20 : memref<!tpu.dma_semaphore, #tpu.memory_space<semaphore_mem>>) {add = true}
    %dma_start3A_893 = arith.constant 2 : i32
    %dma_start3A_894 = arith.constant 0 : i32
    %dma_start3A_895 = arith.constant 0 : i32
    %dma_start3A_896 = tpu.memref_slice %arg12[%dma_start3A_893, %dma_start3A_894, %dma_start3A_895] : memref<13x1x128xi32, #tpu.memory_space<vmem>> -> memref<1x1x128xi32, #tpu.memory_space<vmem>>
    %dma_start3A_897 = tpu.memref_squeeze %dma_start3A_896 : memref<1x1x128xi32, #tpu.memory_space<vmem>> -> memref<128xi32, #tpu.memory_space<vmem>>
    %dma_start3A_898 = arith.constant 0 : i32
    %dma_start3A_899 = tpu.memref_slice %arg17[%dma_start3A_898] : memref<256xf32, #tpu.memory_space<vmem_shared>> -> memref<256xf32, #tpu.memory_space<vmem_shared>>
    tpu.enqueue_indirect_dma source(%arg13 : memref<128xf32, #tpu.memory_space<vmem>>) target(%dma_start3A_899 : memref<256xf32, #tpu.memory_space<vmem_shared>>) offsets(%dma_start3A_897 : memref<128xi32, #tpu.memory_space<vmem>>) semaphore(%arg21 : memref<!tpu.dma_semaphore, #tpu.memory_space<semaphore_mem>>) {add = true}
    %dma_wait3A_900 = arith.constant 0 : i32
    %dma_wait3A_901 = arith.constant 0 : i32
    %dma_wait3A_902 = arith.constant 0 : i32
    %dma_wait3A_903 = tpu.memref_slice %arg12[%dma_wait3A_900, %dma_wait3A_901, %dma_wait3A_902] : memref<13x1x128xi32, #tpu.memory_space<vmem>> -> memref<1x1x128xi32, #tpu.memory_space<vmem>>
    %dma_wait3A_904 = tpu.memref_squeeze %dma_wait3A_903 : memref<1x1x128xi32, #tpu.memory_space<vmem>> -> memref<128xi32, #tpu.memory_space<vmem>>
    %dma_wait3A_905 = arith.constant 0 : i32
    %dma_wait3A_906 = arith.constant 0 : i32
    %dma_wait3A_907 = tpu.memref_slice %arg16[%dma_wait3A_905, %dma_wait3A_906] : memref<256x128xf32, #tpu.memory_space<vmem_shared>> -> memref<256x128xf32, #tpu.memory_space<vmem_shared>>
    tpu.wait_indirect_dma semaphore(%arg20 : memref<!tpu.dma_semaphore, #tpu.memory_space<semaphore_mem>>) src(%arg8 : memref<128x128xf32, #tpu.memory_space<vmem>>) dst(%dma_wait3A_907 : memref<256x128xf32, #tpu.memory_space<vmem_shared>>)
    %dma_wait3A_908 = arith.constant 0 : i32
    %dma_wait3A_909 = arith.constant 0 : i32
    %dma_wait3A_910 = arith.constant 0 : i32
    %dma_wait3A_911 = tpu.memref_slice %arg12[%dma_wait3A_908, %dma_wait3A_909, %dma_wait3A_910] : memref<13x1x128xi32, #tpu.memory_space<vmem>> -> memref<1x1x128xi32, #tpu.memory_space<vmem>>
    %dma_wait3A_912 = tpu.memref_squeeze %dma_wait3A_911 : memref<1x1x128xi32, #tpu.memory_space<vmem>> -> memref<128xi32, #tpu.memory_space<vmem>>
    %dma_wait3A_913 = arith.constant 0 : i32
    %dma_wait3A_914 = tpu.memref_slice %arg17[%dma_wait3A_913] : memref<256xf32, #tpu.memory_space<vmem_shared>> -> memref<256xf32, #tpu.memory_space<vmem_shared>>
    tpu.wait_indirect_dma semaphore(%arg21 : memref<!tpu.dma_semaphore, #tpu.memory_space<semaphore_mem>>) src(%arg13 : memref<128xf32, #tpu.memory_space<vmem>>) dst(%dma_wait3A_914 : memref<256xf32, #tpu.memory_space<vmem_shared>>)
    %add3A_915 = arith.constant 4 : i32
    %add3A_916 = arith.addi %mul3A_2, %add3A_915 : i32
    %mul3A_917 = arith.constant 128 : i32
    %mul3A_918 = arith.muli %add3A_916, %mul3A_917 : i32
    %add3A_919 = arith.constant 46720 : i32
    %add3A_920 = arith.addi %add3A_919, %mul3A_918 : i32
    %dma_start3A_921 = arith.constant 0 : i32
    %dma_start3A_922 = tpu.memref_slice %arg2[%add3A_920, %dma_start3A_921] : memref<100000x128xf32, #tpu.memory_space<hbm>> -> memref<128x128xf32, #tpu.memory_space<hbm>>
    %dma_start3A_923 = arith.constant 0 : i32
    %dma_start3A_924 = tpu.memref_slice %arg2[%add3A_920, %dma_start3A_923] : memref<100000x128xf32, #tpu.memory_space<hbm>> -> memref<128x128xf32, #tpu.memory_space<hbm>>
    tpu.enqueue_dma source(%dma_start3A_924 : memref<128x128xf32, #tpu.memory_space<hbm>>) target(%arg8 : memref<128x128xf32, #tpu.memory_space<vmem>>) target_semaphore(%arg18 : memref<!tpu.dma_semaphore, #tpu.memory_space<semaphore_mem>>)
    %add3A_925 = arith.constant 3 : i32
    %add3A_926 = arith.addi %mul3A_2, %add3A_925 : i32
    %mul3A_927 = arith.constant 128 : i32
    %mul3A_928 = arith.muli %add3A_926, %mul3A_927 : i32
    %add3A_929 = arith.constant 46720 : i32
    %add3A_930 = arith.addi %add3A_929, %mul3A_928 : i32
    %dma_wait3A_931 = arith.constant 0 : i32
    %dma_wait3A_932 = tpu.memref_slice %arg2[%add3A_930, %dma_wait3A_931] : memref<100000x128xf32, #tpu.memory_space<hbm>> -> memref<128x128xf32, #tpu.memory_space<hbm>>
    %dma_wait3A_933 = arith.constant 0 : i32
    %dma_wait3A_934 = tpu.memref_slice %arg2[%add3A_930, %dma_wait3A_933] : memref<100000x128xf32, #tpu.memory_space<hbm>> -> memref<128x128xf32, #tpu.memory_space<hbm>>
    tpu.wait_dma2 semaphore(%arg18 : memref<!tpu.dma_semaphore, #tpu.memory_space<semaphore_mem>>) src(%dma_wait3A_934 : memref<128x128xf32, #tpu.memory_space<hbm>>) dst(%arg11 : memref<128x128xf32, #tpu.memory_space<vmem>>)
    %dma_start3A_935 = arith.constant 3 : i32
    %dma_start3A_936 = arith.constant 0 : i32
    %dma_start3A_937 = arith.constant 0 : i32
    %dma_start3A_938 = tpu.memref_slice %arg12[%dma_start3A_935, %dma_start3A_936, %dma_start3A_937] : memref<13x1x128xi32, #tpu.memory_space<vmem>> -> memref<1x1x128xi32, #tpu.memory_space<vmem>>
    %dma_start3A_939 = tpu.memref_squeeze %dma_start3A_938 : memref<1x1x128xi32, #tpu.memory_space<vmem>> -> memref<128xi32, #tpu.memory_space<vmem>>
    %dma_start3A_940 = arith.constant 0 : i32
    %dma_start3A_941 = arith.constant 0 : i32
    %dma_start3A_942 = tpu.memref_slice %arg16[%dma_start3A_940, %dma_start3A_941] : memref<256x128xf32, #tpu.memory_space<vmem_shared>> -> memref<256x128xf32, #tpu.memory_space<vmem_shared>>
    tpu.enqueue_indirect_dma source(%arg11 : memref<128x128xf32, #tpu.memory_space<vmem>>) target(%dma_start3A_942 : memref<256x128xf32, #tpu.memory_space<vmem_shared>>) offsets(%dma_start3A_939 : memref<128xi32, #tpu.memory_space<vmem>>) semaphore(%arg20 : memref<!tpu.dma_semaphore, #tpu.memory_space<semaphore_mem>>) {add = true}
    %dma_start3A_943 = arith.constant 3 : i32
    %dma_start3A_944 = arith.constant 0 : i32
    %dma_start3A_945 = arith.constant 0 : i32
    %dma_start3A_946 = tpu.memref_slice %arg12[%dma_start3A_943, %dma_start3A_944, %dma_start3A_945] : memref<13x1x128xi32, #tpu.memory_space<vmem>> -> memref<1x1x128xi32, #tpu.memory_space<vmem>>
    %dma_start3A_947 = tpu.memref_squeeze %dma_start3A_946 : memref<1x1x128xi32, #tpu.memory_space<vmem>> -> memref<128xi32, #tpu.memory_space<vmem>>
    %dma_start3A_948 = arith.constant 0 : i32
    %dma_start3A_949 = tpu.memref_slice %arg17[%dma_start3A_948] : memref<256xf32, #tpu.memory_space<vmem_shared>> -> memref<256xf32, #tpu.memory_space<vmem_shared>>
    tpu.enqueue_indirect_dma source(%arg13 : memref<128xf32, #tpu.memory_space<vmem>>) target(%dma_start3A_949 : memref<256xf32, #tpu.memory_space<vmem_shared>>) offsets(%dma_start3A_947 : memref<128xi32, #tpu.memory_space<vmem>>) semaphore(%arg21 : memref<!tpu.dma_semaphore, #tpu.memory_space<semaphore_mem>>) {add = true}
    %dma_wait3A_950 = arith.constant 0 : i32
    %dma_wait3A_951 = arith.constant 0 : i32
    %dma_wait3A_952 = arith.constant 0 : i32
    %dma_wait3A_953 = tpu.memref_slice %arg12[%dma_wait3A_950, %dma_wait3A_951, %dma_wait3A_952] : memref<13x1x128xi32, #tpu.memory_space<vmem>> -> memref<1x1x128xi32, #tpu.memory_space<vmem>>
    %dma_wait3A_954 = tpu.memref_squeeze %dma_wait3A_953 : memref<1x1x128xi32, #tpu.memory_space<vmem>> -> memref<128xi32, #tpu.memory_space<vmem>>
    %dma_wait3A_955 = arith.constant 0 : i32
    %dma_wait3A_956 = arith.constant 0 : i32
    %dma_wait3A_957 = tpu.memref_slice %arg16[%dma_wait3A_955, %dma_wait3A_956] : memref<256x128xf32, #tpu.memory_space<vmem_shared>> -> memref<256x128xf32, #tpu.memory_space<vmem_shared>>
    tpu.wait_indirect_dma semaphore(%arg20 : memref<!tpu.dma_semaphore, #tpu.memory_space<semaphore_mem>>) src(%arg8 : memref<128x128xf32, #tpu.memory_space<vmem>>) dst(%dma_wait3A_957 : memref<256x128xf32, #tpu.memory_space<vmem_shared>>)
    %dma_wait3A_958 = arith.constant 0 : i32
    %dma_wait3A_959 = arith.constant 0 : i32
    %dma_wait3A_960 = arith.constant 0 : i32
    %dma_wait3A_961 = tpu.memref_slice %arg12[%dma_wait3A_958, %dma_wait3A_959, %dma_wait3A_960] : memref<13x1x128xi32, #tpu.memory_space<vmem>> -> memref<1x1x128xi32, #tpu.memory_space<vmem>>
    %dma_wait3A_962 = tpu.memref_squeeze %dma_wait3A_961 : memref<1x1x128xi32, #tpu.memory_space<vmem>> -> memref<128xi32, #tpu.memory_space<vmem>>
    %dma_wait3A_963 = arith.constant 0 : i32
    %dma_wait3A_964 = tpu.memref_slice %arg17[%dma_wait3A_963] : memref<256xf32, #tpu.memory_space<vmem_shared>> -> memref<256xf32, #tpu.memory_space<vmem_shared>>
    tpu.wait_indirect_dma semaphore(%arg21 : memref<!tpu.dma_semaphore, #tpu.memory_space<semaphore_mem>>) src(%arg13 : memref<128xf32, #tpu.memory_space<vmem>>) dst(%dma_wait3A_964 : memref<256xf32, #tpu.memory_space<vmem_shared>>)
    %add3A_965 = arith.constant 5 : i32
    %add3A_966 = arith.addi %mul3A_2, %add3A_965 : i32
    %mul3A_967 = arith.constant 128 : i32
    %mul3A_968 = arith.muli %add3A_966, %mul3A_967 : i32
    %add3A_969 = arith.constant 46720 : i32
    %add3A_970 = arith.addi %add3A_969, %mul3A_968 : i32
    %dma_start3A_971 = arith.constant 0 : i32
    %dma_start3A_972 = tpu.memref_slice %arg2[%add3A_970, %dma_start3A_971] : memref<100000x128xf32, #tpu.memory_space<hbm>> -> memref<128x128xf32, #tpu.memory_space<hbm>>
    %dma_start3A_973 = arith.constant 0 : i32
    %dma_start3A_974 = tpu.memref_slice %arg2[%add3A_970, %dma_start3A_973] : memref<100000x128xf32, #tpu.memory_space<hbm>> -> memref<128x128xf32, #tpu.memory_space<hbm>>
    tpu.enqueue_dma source(%dma_start3A_974 : memref<128x128xf32, #tpu.memory_space<hbm>>) target(%arg9 : memref<128x128xf32, #tpu.memory_space<vmem>>) target_semaphore(%arg18 : memref<!tpu.dma_semaphore, #tpu.memory_space<semaphore_mem>>)
    %add3A_975 = arith.constant 4 : i32
    %add3A_976 = arith.addi %mul3A_2, %add3A_975 : i32
    %mul3A_977 = arith.constant 128 : i32
    %mul3A_978 = arith.muli %add3A_976, %mul3A_977 : i32
    %add3A_979 = arith.constant 46720 : i32
    %add3A_980 = arith.addi %add3A_979, %mul3A_978 : i32
    %dma_wait3A_981 = arith.constant 0 : i32
    %dma_wait3A_982 = tpu.memref_slice %arg2[%add3A_980, %dma_wait3A_981] : memref<100000x128xf32, #tpu.memory_space<hbm>> -> memref<128x128xf32, #tpu.memory_space<hbm>>
    %dma_wait3A_983 = arith.constant 0 : i32
    %dma_wait3A_984 = tpu.memref_slice %arg2[%add3A_980, %dma_wait3A_983] : memref<100000x128xf32, #tpu.memory_space<hbm>> -> memref<128x128xf32, #tpu.memory_space<hbm>>
    tpu.wait_dma2 semaphore(%arg18 : memref<!tpu.dma_semaphore, #tpu.memory_space<semaphore_mem>>) src(%dma_wait3A_984 : memref<128x128xf32, #tpu.memory_space<hbm>>) dst(%arg8 : memref<128x128xf32, #tpu.memory_space<vmem>>)
    %dma_start3A_985 = arith.constant 4 : i32
    %dma_start3A_986 = arith.constant 0 : i32
    %dma_start3A_987 = arith.constant 0 : i32
    %dma_start3A_988 = tpu.memref_slice %arg12[%dma_start3A_985, %dma_start3A_986, %dma_start3A_987] : memref<13x1x128xi32, #tpu.memory_space<vmem>> -> memref<1x1x128xi32, #tpu.memory_space<vmem>>
    %dma_start3A_989 = tpu.memref_squeeze %dma_start3A_988 : memref<1x1x128xi32, #tpu.memory_space<vmem>> -> memref<128xi32, #tpu.memory_space<vmem>>
    %dma_start3A_990 = arith.constant 0 : i32
    %dma_start3A_991 = arith.constant 0 : i32
    %dma_start3A_992 = tpu.memref_slice %arg16[%dma_start3A_990, %dma_start3A_991] : memref<256x128xf32, #tpu.memory_space<vmem_shared>> -> memref<256x128xf32, #tpu.memory_space<vmem_shared>>
    tpu.enqueue_indirect_dma source(%arg8 : memref<128x128xf32, #tpu.memory_space<vmem>>) target(%dma_start3A_992 : memref<256x128xf32, #tpu.memory_space<vmem_shared>>) offsets(%dma_start3A_989 : memref<128xi32, #tpu.memory_space<vmem>>) semaphore(%arg20 : memref<!tpu.dma_semaphore, #tpu.memory_space<semaphore_mem>>) {add = true}
    %dma_start3A_993 = arith.constant 4 : i32
    %dma_start3A_994 = arith.constant 0 : i32
    %dma_start3A_995 = arith.constant 0 : i32
    %dma_start3A_996 = tpu.memref_slice %arg12[%dma_start3A_993, %dma_start3A_994, %dma_start3A_995] : memref<13x1x128xi32, #tpu.memory_space<vmem>> -> memref<1x1x128xi32, #tpu.memory_space<vmem>>
    %dma_start3A_997 = tpu.memref_squeeze %dma_start3A_996 : memref<1x1x128xi32, #tpu.memory_space<vmem>> -> memref<128xi32, #tpu.memory_space<vmem>>
    %dma_start3A_998 = arith.constant 0 : i32
    %dma_start3A_999 = tpu.memref_slice %arg17[%dma_start3A_998] : memref<256xf32, #tpu.memory_space<vmem_shared>> -> memref<256xf32, #tpu.memory_space<vmem_shared>>
    tpu.enqueue_indirect_dma source(%arg13 : memref<128xf32, #tpu.memory_space<vmem>>) target(%dma_start3A_999 : memref<256xf32, #tpu.memory_space<vmem_shared>>) offsets(%dma_start3A_997 : memref<128xi32, #tpu.memory_space<vmem>>) semaphore(%arg21 : memref<!tpu.dma_semaphore, #tpu.memory_space<semaphore_mem>>) {add = true}
    %dma_wait3A_1000 = arith.constant 0 : i32
    %dma_wait3A_1001 = arith.constant 0 : i32
    %dma_wait3A_1002 = arith.constant 0 : i32
    %dma_wait3A_1003 = tpu.memref_slice %arg12[%dma_wait3A_1000, %dma_wait3A_1001, %dma_wait3A_1002] : memref<13x1x128xi32, #tpu.memory_space<vmem>> -> memref<1x1x128xi32, #tpu.memory_space<vmem>>
    %dma_wait3A_1004 = tpu.memref_squeeze %dma_wait3A_1003 : memref<1x1x128xi32, #tpu.memory_space<vmem>> -> memref<128xi32, #tpu.memory_space<vmem>>
    %dma_wait3A_1005 = arith.constant 0 : i32
    %dma_wait3A_1006 = arith.constant 0 : i32
    %dma_wait3A_1007 = tpu.memref_slice %arg16[%dma_wait3A_1005, %dma_wait3A_1006] : memref<256x128xf32, #tpu.memory_space<vmem_shared>> -> memref<256x128xf32, #tpu.memory_space<vmem_shared>>
    tpu.wait_indirect_dma semaphore(%arg20 : memref<!tpu.dma_semaphore, #tpu.memory_space<semaphore_mem>>) src(%arg8 : memref<128x128xf32, #tpu.memory_space<vmem>>) dst(%dma_wait3A_1007 : memref<256x128xf32, #tpu.memory_space<vmem_shared>>)
    %dma_wait3A_1008 = arith.constant 0 : i32
    %dma_wait3A_1009 = arith.constant 0 : i32
    %dma_wait3A_1010 = arith.constant 0 : i32
    %dma_wait3A_1011 = tpu.memref_slice %arg12[%dma_wait3A_1008, %dma_wait3A_1009, %dma_wait3A_1010] : memref<13x1x128xi32, #tpu.memory_space<vmem>> -> memref<1x1x128xi32, #tpu.memory_space<vmem>>
    %dma_wait3A_1012 = tpu.memref_squeeze %dma_wait3A_1011 : memref<1x1x128xi32, #tpu.memory_space<vmem>> -> memref<128xi32, #tpu.memory_space<vmem>>
    %dma_wait3A_1013 = arith.constant 0 : i32
    %dma_wait3A_1014 = tpu.memref_slice %arg17[%dma_wait3A_1013] : memref<256xf32, #tpu.memory_space<vmem_shared>> -> memref<256xf32, #tpu.memory_space<vmem_shared>>
    tpu.wait_indirect_dma semaphore(%arg21 : memref<!tpu.dma_semaphore, #tpu.memory_space<semaphore_mem>>) src(%arg13 : memref<128xf32, #tpu.memory_space<vmem>>) dst(%dma_wait3A_1014 : memref<256xf32, #tpu.memory_space<vmem_shared>>)
    %add3A_1015 = arith.constant 6 : i32
    %add3A_1016 = arith.addi %mul3A_2, %add3A_1015 : i32
    %mul3A_1017 = arith.constant 128 : i32
    %mul3A_1018 = arith.muli %add3A_1016, %mul3A_1017 : i32
    %add3A_1019 = arith.constant 46720 : i32
    %add3A_1020 = arith.addi %add3A_1019, %mul3A_1018 : i32
    %dma_start3A_1021 = arith.constant 0 : i32
    %dma_start3A_1022 = tpu.memref_slice %arg2[%add3A_1020, %dma_start3A_1021] : memref<100000x128xf32, #tpu.memory_space<hbm>> -> memref<128x128xf32, #tpu.memory_space<hbm>>
    %dma_start3A_1023 = arith.constant 0 : i32
    %dma_start3A_1024 = tpu.memref_slice %arg2[%add3A_1020, %dma_start3A_1023] : memref<100000x128xf32, #tpu.memory_space<hbm>> -> memref<128x128xf32, #tpu.memory_space<hbm>>
    tpu.enqueue_dma source(%dma_start3A_1024 : memref<128x128xf32, #tpu.memory_space<hbm>>) target(%arg10 : memref<128x128xf32, #tpu.memory_space<vmem>>) target_semaphore(%arg18 : memref<!tpu.dma_semaphore, #tpu.memory_space<semaphore_mem>>)
    %add3A_1025 = arith.constant 5 : i32
    %add3A_1026 = arith.addi %mul3A_2, %add3A_1025 : i32
    %mul3A_1027 = arith.constant 128 : i32
    %mul3A_1028 = arith.muli %add3A_1026, %mul3A_1027 : i32
    %add3A_1029 = arith.constant 46720 : i32
    %add3A_1030 = arith.addi %add3A_1029, %mul3A_1028 : i32
    %dma_wait3A_1031 = arith.constant 0 : i32
    %dma_wait3A_1032 = tpu.memref_slice %arg2[%add3A_1030, %dma_wait3A_1031] : memref<100000x128xf32, #tpu.memory_space<hbm>> -> memref<128x128xf32, #tpu.memory_space<hbm>>
    %dma_wait3A_1033 = arith.constant 0 : i32
    %dma_wait3A_1034 = tpu.memref_slice %arg2[%add3A_1030, %dma_wait3A_1033] : memref<100000x128xf32, #tpu.memory_space<hbm>> -> memref<128x128xf32, #tpu.memory_space<hbm>>
    tpu.wait_dma2 semaphore(%arg18 : memref<!tpu.dma_semaphore, #tpu.memory_space<semaphore_mem>>) src(%dma_wait3A_1034 : memref<128x128xf32, #tpu.memory_space<hbm>>) dst(%arg9 : memref<128x128xf32, #tpu.memory_space<vmem>>)
    %dma_start3A_1035 = arith.constant 5 : i32
    %dma_start3A_1036 = arith.constant 0 : i32
    %dma_start3A_1037 = arith.constant 0 : i32
    %dma_start3A_1038 = tpu.memref_slice %arg12[%dma_start3A_1035, %dma_start3A_1036, %dma_start3A_1037] : memref<13x1x128xi32, #tpu.memory_space<vmem>> -> memref<1x1x128xi32, #tpu.memory_space<vmem>>
    %dma_start3A_1039 = tpu.memref_squeeze %dma_start3A_1038 : memref<1x1x128xi32, #tpu.memory_space<vmem>> -> memref<128xi32, #tpu.memory_space<vmem>>
    %dma_start3A_1040 = arith.constant 0 : i32
    %dma_start3A_1041 = arith.constant 0 : i32
    %dma_start3A_1042 = tpu.memref_slice %arg16[%dma_start3A_1040, %dma_start3A_1041] : memref<256x128xf32, #tpu.memory_space<vmem_shared>> -> memref<256x128xf32, #tpu.memory_space<vmem_shared>>
    tpu.enqueue_indirect_dma source(%arg9 : memref<128x128xf32, #tpu.memory_space<vmem>>) target(%dma_start3A_1042 : memref<256x128xf32, #tpu.memory_space<vmem_shared>>) offsets(%dma_start3A_1039 : memref<128xi32, #tpu.memory_space<vmem>>) semaphore(%arg20 : memref<!tpu.dma_semaphore, #tpu.memory_space<semaphore_mem>>) {add = true}
    %dma_start3A_1043 = arith.constant 5 : i32
    %dma_start3A_1044 = arith.constant 0 : i32
    %dma_start3A_1045 = arith.constant 0 : i32
    %dma_start3A_1046 = tpu.memref_slice %arg12[%dma_start3A_1043, %dma_start3A_1044, %dma_start3A_1045] : memref<13x1x128xi32, #tpu.memory_space<vmem>> -> memref<1x1x128xi32, #tpu.memory_space<vmem>>
    %dma_start3A_1047 = tpu.memref_squeeze %dma_start3A_1046 : memref<1x1x128xi32, #tpu.memory_space<vmem>> -> memref<128xi32, #tpu.memory_space<vmem>>
    %dma_start3A_1048 = arith.constant 0 : i32
    %dma_start3A_1049 = tpu.memref_slice %arg17[%dma_start3A_1048] : memref<256xf32, #tpu.memory_space<vmem_shared>> -> memref<256xf32, #tpu.memory_space<vmem_shared>>
    tpu.enqueue_indirect_dma source(%arg13 : memref<128xf32, #tpu.memory_space<vmem>>) target(%dma_start3A_1049 : memref<256xf32, #tpu.memory_space<vmem_shared>>) offsets(%dma_start3A_1047 : memref<128xi32, #tpu.memory_space<vmem>>) semaphore(%arg21 : memref<!tpu.dma_semaphore, #tpu.memory_space<semaphore_mem>>) {add = true}
    %dma_wait3A_1050 = arith.constant 0 : i32
    %dma_wait3A_1051 = arith.constant 0 : i32
    %dma_wait3A_1052 = arith.constant 0 : i32
    %dma_wait3A_1053 = tpu.memref_slice %arg12[%dma_wait3A_1050, %dma_wait3A_1051, %dma_wait3A_1052] : memref<13x1x128xi32, #tpu.memory_space<vmem>> -> memref<1x1x128xi32, #tpu.memory_space<vmem>>
    %dma_wait3A_1054 = tpu.memref_squeeze %dma_wait3A_1053 : memref<1x1x128xi32, #tpu.memory_space<vmem>> -> memref<128xi32, #tpu.memory_space<vmem>>
    %dma_wait3A_1055 = arith.constant 0 : i32
    %dma_wait3A_1056 = arith.constant 0 : i32
    %dma_wait3A_1057 = tpu.memref_slice %arg16[%dma_wait3A_1055, %dma_wait3A_1056] : memref<256x128xf32, #tpu.memory_space<vmem_shared>> -> memref<256x128xf32, #tpu.memory_space<vmem_shared>>
    tpu.wait_indirect_dma semaphore(%arg20 : memref<!tpu.dma_semaphore, #tpu.memory_space<semaphore_mem>>) src(%arg8 : memref<128x128xf32, #tpu.memory_space<vmem>>) dst(%dma_wait3A_1057 : memref<256x128xf32, #tpu.memory_space<vmem_shared>>)
    %dma_wait3A_1058 = arith.constant 0 : i32
    %dma_wait3A_1059 = arith.constant 0 : i32
    %dma_wait3A_1060 = arith.constant 0 : i32
    %dma_wait3A_1061 = tpu.memref_slice %arg12[%dma_wait3A_1058, %dma_wait3A_1059, %dma_wait3A_1060] : memref<13x1x128xi32, #tpu.memory_space<vmem>> -> memref<1x1x128xi32, #tpu.memory_space<vmem>>
    %dma_wait3A_1062 = tpu.memref_squeeze %dma_wait3A_1061 : memref<1x1x128xi32, #tpu.memory_space<vmem>> -> memref<128xi32, #tpu.memory_space<vmem>>
    %dma_wait3A_1063 = arith.constant 0 : i32
    %dma_wait3A_1064 = tpu.memref_slice %arg17[%dma_wait3A_1063] : memref<256xf32, #tpu.memory_space<vmem_shared>> -> memref<256xf32, #tpu.memory_space<vmem_shared>>
    tpu.wait_indirect_dma semaphore(%arg21 : memref<!tpu.dma_semaphore, #tpu.memory_space<semaphore_mem>>) src(%arg13 : memref<128xf32, #tpu.memory_space<vmem>>) dst(%dma_wait3A_1064 : memref<256xf32, #tpu.memory_space<vmem_shared>>)
    %add3A_1065 = arith.constant 7 : i32
    %add3A_1066 = arith.addi %mul3A_2, %add3A_1065 : i32
    %mul3A_1067 = arith.constant 128 : i32
    %mul3A_1068 = arith.muli %add3A_1066, %mul3A_1067 : i32
    %add3A_1069 = arith.constant 46720 : i32
    %add3A_1070 = arith.addi %add3A_1069, %mul3A_1068 : i32
    %dma_start3A_1071 = arith.constant 0 : i32
    %dma_start3A_1072 = tpu.memref_slice %arg2[%add3A_1070, %dma_start3A_1071] : memref<100000x128xf32, #tpu.memory_space<hbm>> -> memref<128x128xf32, #tpu.memory_space<hbm>>
    %dma_start3A_1073 = arith.constant 0 : i32
    %dma_start3A_1074 = tpu.memref_slice %arg2[%add3A_1070, %dma_start3A_1073] : memref<100000x128xf32, #tpu.memory_space<hbm>> -> memref<128x128xf32, #tpu.memory_space<hbm>>
    tpu.enqueue_dma source(%dma_start3A_1074 : memref<128x128xf32, #tpu.memory_space<hbm>>) target(%arg11 : memref<128x128xf32, #tpu.memory_space<vmem>>) target_semaphore(%arg18 : memref<!tpu.dma_semaphore, #tpu.memory_space<semaphore_mem>>)
    %add3A_1075 = arith.constant 6 : i32
    %add3A_1076 = arith.addi %mul3A_2, %add3A_1075 : i32
    %mul3A_1077 = arith.constant 128 : i32
    %mul3A_1078 = arith.muli %add3A_1076, %mul3A_1077 : i32
    %add3A_1079 = arith.constant 46720 : i32
    %add3A_1080 = arith.addi %add3A_1079, %mul3A_1078 : i32
    %dma_wait3A_1081 = arith.constant 0 : i32
    %dma_wait3A_1082 = tpu.memref_slice %arg2[%add3A_1080, %dma_wait3A_1081] : memref<100000x128xf32, #tpu.memory_space<hbm>> -> memref<128x128xf32, #tpu.memory_space<hbm>>
    %dma_wait3A_1083 = arith.constant 0 : i32
    %dma_wait3A_1084 = tpu.memref_slice %arg2[%add3A_1080, %dma_wait3A_1083] : memref<100000x128xf32, #tpu.memory_space<hbm>> -> memref<128x128xf32, #tpu.memory_space<hbm>>
    tpu.wait_dma2 semaphore(%arg18 : memref<!tpu.dma_semaphore, #tpu.memory_space<semaphore_mem>>) src(%dma_wait3A_1084 : memref<128x128xf32, #tpu.memory_space<hbm>>) dst(%arg10 : memref<128x128xf32, #tpu.memory_space<vmem>>)
    %dma_start3A_1085 = arith.constant 6 : i32
    %dma_start3A_1086 = arith.constant 0 : i32
    %dma_start3A_1087 = arith.constant 0 : i32
    %dma_start3A_1088 = tpu.memref_slice %arg12[%dma_start3A_1085, %dma_start3A_1086, %dma_start3A_1087] : memref<13x1x128xi32, #tpu.memory_space<vmem>> -> memref<1x1x128xi32, #tpu.memory_space<vmem>>
    %dma_start3A_1089 = tpu.memref_squeeze %dma_start3A_1088 : memref<1x1x128xi32, #tpu.memory_space<vmem>> -> memref<128xi32, #tpu.memory_space<vmem>>
    %dma_start3A_1090 = arith.constant 0 : i32
    %dma_start3A_1091 = arith.constant 0 : i32
    %dma_start3A_1092 = tpu.memref_slice %arg16[%dma_start3A_1090, %dma_start3A_1091] : memref<256x128xf32, #tpu.memory_space<vmem_shared>> -> memref<256x128xf32, #tpu.memory_space<vmem_shared>>
    tpu.enqueue_indirect_dma source(%arg10 : memref<128x128xf32, #tpu.memory_space<vmem>>) target(%dma_start3A_1092 : memref<256x128xf32, #tpu.memory_space<vmem_shared>>) offsets(%dma_start3A_1089 : memref<128xi32, #tpu.memory_space<vmem>>) semaphore(%arg20 : memref<!tpu.dma_semaphore, #tpu.memory_space<semaphore_mem>>) {add = true}
    %dma_start3A_1093 = arith.constant 6 : i32
    %dma_start3A_1094 = arith.constant 0 : i32
    %dma_start3A_1095 = arith.constant 0 : i32
    %dma_start3A_1096 = tpu.memref_slice %arg12[%dma_start3A_1093, %dma_start3A_1094, %dma_start3A_1095] : memref<13x1x128xi32, #tpu.memory_space<vmem>> -> memref<1x1x128xi32, #tpu.memory_space<vmem>>
    %dma_start3A_1097 = tpu.memref_squeeze %dma_start3A_1096 : memref<1x1x128xi32, #tpu.memory_space<vmem>> -> memref<128xi32, #tpu.memory_space<vmem>>
    %dma_start3A_1098 = arith.constant 0 : i32
    %dma_start3A_1099 = tpu.memref_slice %arg17[%dma_start3A_1098] : memref<256xf32, #tpu.memory_space<vmem_shared>> -> memref<256xf32, #tpu.memory_space<vmem_shared>>
    tpu.enqueue_indirect_dma source(%arg13 : memref<128xf32, #tpu.memory_space<vmem>>) target(%dma_start3A_1099 : memref<256xf32, #tpu.memory_space<vmem_shared>>) offsets(%dma_start3A_1097 : memref<128xi32, #tpu.memory_space<vmem>>) semaphore(%arg21 : memref<!tpu.dma_semaphore, #tpu.memory_space<semaphore_mem>>) {add = true}
    %dma_wait3A_1100 = arith.constant 0 : i32
    %dma_wait3A_1101 = arith.constant 0 : i32
    %dma_wait3A_1102 = arith.constant 0 : i32
    %dma_wait3A_1103 = tpu.memref_slice %arg12[%dma_wait3A_1100, %dma_wait3A_1101, %dma_wait3A_1102] : memref<13x1x128xi32, #tpu.memory_space<vmem>> -> memref<1x1x128xi32, #tpu.memory_space<vmem>>
    %dma_wait3A_1104 = tpu.memref_squeeze %dma_wait3A_1103 : memref<1x1x128xi32, #tpu.memory_space<vmem>> -> memref<128xi32, #tpu.memory_space<vmem>>
    %dma_wait3A_1105 = arith.constant 0 : i32
    %dma_wait3A_1106 = arith.constant 0 : i32
    %dma_wait3A_1107 = tpu.memref_slice %arg16[%dma_wait3A_1105, %dma_wait3A_1106] : memref<256x128xf32, #tpu.memory_space<vmem_shared>> -> memref<256x128xf32, #tpu.memory_space<vmem_shared>>
    tpu.wait_indirect_dma semaphore(%arg20 : memref<!tpu.dma_semaphore, #tpu.memory_space<semaphore_mem>>) src(%arg8 : memref<128x128xf32, #tpu.memory_space<vmem>>) dst(%dma_wait3A_1107 : memref<256x128xf32, #tpu.memory_space<vmem_shared>>)
    %dma_wait3A_1108 = arith.constant 0 : i32
    %dma_wait3A_1109 = arith.constant 0 : i32
    %dma_wait3A_1110 = arith.constant 0 : i32
    %dma_wait3A_1111 = tpu.memref_slice %arg12[%dma_wait3A_1108, %dma_wait3A_1109, %dma_wait3A_1110] : memref<13x1x128xi32, #tpu.memory_space<vmem>> -> memref<1x1x128xi32, #tpu.memory_space<vmem>>
    %dma_wait3A_1112 = tpu.memref_squeeze %dma_wait3A_1111 : memref<1x1x128xi32, #tpu.memory_space<vmem>> -> memref<128xi32, #tpu.memory_space<vmem>>
    %dma_wait3A_1113 = arith.constant 0 : i32
    %dma_wait3A_1114 = tpu.memref_slice %arg17[%dma_wait3A_1113] : memref<256xf32, #tpu.memory_space<vmem_shared>> -> memref<256xf32, #tpu.memory_space<vmem_shared>>
    tpu.wait_indirect_dma semaphore(%arg21 : memref<!tpu.dma_semaphore, #tpu.memory_space<semaphore_mem>>) src(%arg13 : memref<128xf32, #tpu.memory_space<vmem>>) dst(%dma_wait3A_1114 : memref<256xf32, #tpu.memory_space<vmem_shared>>)
    %add3A_1115 = arith.constant 8 : i32
    %add3A_1116 = arith.addi %mul3A_2, %add3A_1115 : i32
    %mul3A_1117 = arith.constant 128 : i32
    %mul3A_1118 = arith.muli %add3A_1116, %mul3A_1117 : i32
    %add3A_1119 = arith.constant 46720 : i32
    %add3A_1120 = arith.addi %add3A_1119, %mul3A_1118 : i32
    %dma_start3A_1121 = arith.constant 0 : i32
    %dma_start3A_1122 = tpu.memref_slice %arg2[%add3A_1120, %dma_start3A_1121] : memref<100000x128xf32, #tpu.memory_space<hbm>> -> memref<128x128xf32, #tpu.memory_space<hbm>>
    %dma_start3A_1123 = arith.constant 0 : i32
    %dma_start3A_1124 = tpu.memref_slice %arg2[%add3A_1120, %dma_start3A_1123] : memref<100000x128xf32, #tpu.memory_space<hbm>> -> memref<128x128xf32, #tpu.memory_space<hbm>>
    tpu.enqueue_dma source(%dma_start3A_1124 : memref<128x128xf32, #tpu.memory_space<hbm>>) target(%arg8 : memref<128x128xf32, #tpu.memory_space<vmem>>) target_semaphore(%arg18 : memref<!tpu.dma_semaphore, #tpu.memory_space<semaphore_mem>>)
    %add3A_1125 = arith.constant 7 : i32
    %add3A_1126 = arith.addi %mul3A_2, %add3A_1125 : i32
    %mul3A_1127 = arith.constant 128 : i32
    %mul3A_1128 = arith.muli %add3A_1126, %mul3A_1127 : i32
    %add3A_1129 = arith.constant 46720 : i32
    %add3A_1130 = arith.addi %add3A_1129, %mul3A_1128 : i32
    %dma_wait3A_1131 = arith.constant 0 : i32
    %dma_wait3A_1132 = tpu.memref_slice %arg2[%add3A_1130, %dma_wait3A_1131] : memref<100000x128xf32, #tpu.memory_space<hbm>> -> memref<128x128xf32, #tpu.memory_space<hbm>>
    %dma_wait3A_1133 = arith.constant 0 : i32
    %dma_wait3A_1134 = tpu.memref_slice %arg2[%add3A_1130, %dma_wait3A_1133] : memref<100000x128xf32, #tpu.memory_space<hbm>> -> memref<128x128xf32, #tpu.memory_space<hbm>>
    tpu.wait_dma2 semaphore(%arg18 : memref<!tpu.dma_semaphore, #tpu.memory_space<semaphore_mem>>) src(%dma_wait3A_1134 : memref<128x128xf32, #tpu.memory_space<hbm>>) dst(%arg11 : memref<128x128xf32, #tpu.memory_space<vmem>>)
    %dma_start3A_1135 = arith.constant 7 : i32
    %dma_start3A_1136 = arith.constant 0 : i32
    %dma_start3A_1137 = arith.constant 0 : i32
    %dma_start3A_1138 = tpu.memref_slice %arg12[%dma_start3A_1135, %dma_start3A_1136, %dma_start3A_1137] : memref<13x1x128xi32, #tpu.memory_space<vmem>> -> memref<1x1x128xi32, #tpu.memory_space<vmem>>
    %dma_start3A_1139 = tpu.memref_squeeze %dma_start3A_1138 : memref<1x1x128xi32, #tpu.memory_space<vmem>> -> memref<128xi32, #tpu.memory_space<vmem>>
    %dma_start3A_1140 = arith.constant 0 : i32
    %dma_start3A_1141 = arith.constant 0 : i32
    %dma_start3A_1142 = tpu.memref_slice %arg16[%dma_start3A_1140, %dma_start3A_1141] : memref<256x128xf32, #tpu.memory_space<vmem_shared>> -> memref<256x128xf32, #tpu.memory_space<vmem_shared>>
    tpu.enqueue_indirect_dma source(%arg11 : memref<128x128xf32, #tpu.memory_space<vmem>>) target(%dma_start3A_1142 : memref<256x128xf32, #tpu.memory_space<vmem_shared>>) offsets(%dma_start3A_1139 : memref<128xi32, #tpu.memory_space<vmem>>) semaphore(%arg20 : memref<!tpu.dma_semaphore, #tpu.memory_space<semaphore_mem>>) {add = true}
    %dma_start3A_1143 = arith.constant 7 : i32
    %dma_start3A_1144 = arith.constant 0 : i32
    %dma_start3A_1145 = arith.constant 0 : i32
    %dma_start3A_1146 = tpu.memref_slice %arg12[%dma_start3A_1143, %dma_start3A_1144, %dma_start3A_1145] : memref<13x1x128xi32, #tpu.memory_space<vmem>> -> memref<1x1x128xi32, #tpu.memory_space<vmem>>
    %dma_start3A_1147 = tpu.memref_squeeze %dma_start3A_1146 : memref<1x1x128xi32, #tpu.memory_space<vmem>> -> memref<128xi32, #tpu.memory_space<vmem>>
    %dma_start3A_1148 = arith.constant 0 : i32
    %dma_start3A_1149 = tpu.memref_slice %arg17[%dma_start3A_1148] : memref<256xf32, #tpu.memory_space<vmem_shared>> -> memref<256xf32, #tpu.memory_space<vmem_shared>>
    tpu.enqueue_indirect_dma source(%arg13 : memref<128xf32, #tpu.memory_space<vmem>>) target(%dma_start3A_1149 : memref<256xf32, #tpu.memory_space<vmem_shared>>) offsets(%dma_start3A_1147 : memref<128xi32, #tpu.memory_space<vmem>>) semaphore(%arg21 : memref<!tpu.dma_semaphore, #tpu.memory_space<semaphore_mem>>) {add = true}
    %dma_wait3A_1150 = arith.constant 0 : i32
    %dma_wait3A_1151 = arith.constant 0 : i32
    %dma_wait3A_1152 = arith.constant 0 : i32
    %dma_wait3A_1153 = tpu.memref_slice %arg12[%dma_wait3A_1150, %dma_wait3A_1151, %dma_wait3A_1152] : memref<13x1x128xi32, #tpu.memory_space<vmem>> -> memref<1x1x128xi32, #tpu.memory_space<vmem>>
    %dma_wait3A_1154 = tpu.memref_squeeze %dma_wait3A_1153 : memref<1x1x128xi32, #tpu.memory_space<vmem>> -> memref<128xi32, #tpu.memory_space<vmem>>
    %dma_wait3A_1155 = arith.constant 0 : i32
    %dma_wait3A_1156 = arith.constant 0 : i32
    %dma_wait3A_1157 = tpu.memref_slice %arg16[%dma_wait3A_1155, %dma_wait3A_1156] : memref<256x128xf32, #tpu.memory_space<vmem_shared>> -> memref<256x128xf32, #tpu.memory_space<vmem_shared>>
    tpu.wait_indirect_dma semaphore(%arg20 : memref<!tpu.dma_semaphore, #tpu.memory_space<semaphore_mem>>) src(%arg8 : memref<128x128xf32, #tpu.memory_space<vmem>>) dst(%dma_wait3A_1157 : memref<256x128xf32, #tpu.memory_space<vmem_shared>>)
    %dma_wait3A_1158 = arith.constant 0 : i32
    %dma_wait3A_1159 = arith.constant 0 : i32
    %dma_wait3A_1160 = arith.constant 0 : i32
    %dma_wait3A_1161 = tpu.memref_slice %arg12[%dma_wait3A_1158, %dma_wait3A_1159, %dma_wait3A_1160] : memref<13x1x128xi32, #tpu.memory_space<vmem>> -> memref<1x1x128xi32, #tpu.memory_space<vmem>>
    %dma_wait3A_1162 = tpu.memref_squeeze %dma_wait3A_1161 : memref<1x1x128xi32, #tpu.memory_space<vmem>> -> memref<128xi32, #tpu.memory_space<vmem>>
    %dma_wait3A_1163 = arith.constant 0 : i32
    %dma_wait3A_1164 = tpu.memref_slice %arg17[%dma_wait3A_1163] : memref<256xf32, #tpu.memory_space<vmem_shared>> -> memref<256xf32, #tpu.memory_space<vmem_shared>>
    tpu.wait_indirect_dma semaphore(%arg21 : memref<!tpu.dma_semaphore, #tpu.memory_space<semaphore_mem>>) src(%arg13 : memref<128xf32, #tpu.memory_space<vmem>>) dst(%dma_wait3A_1164 : memref<256xf32, #tpu.memory_space<vmem_shared>>)
    %add3A_1165 = arith.constant 9 : i32
    %add3A_1166 = arith.addi %mul3A_2, %add3A_1165 : i32
    %mul3A_1167 = arith.constant 128 : i32
    %mul3A_1168 = arith.muli %add3A_1166, %mul3A_1167 : i32
    %add3A_1169 = arith.constant 46720 : i32
    %add3A_1170 = arith.addi %add3A_1169, %mul3A_1168 : i32
    %dma_start3A_1171 = arith.constant 0 : i32
    %dma_start3A_1172 = tpu.memref_slice %arg2[%add3A_1170, %dma_start3A_1171] : memref<100000x128xf32, #tpu.memory_space<hbm>> -> memref<128x128xf32, #tpu.memory_space<hbm>>
    %dma_start3A_1173 = arith.constant 0 : i32
    %dma_start3A_1174 = tpu.memref_slice %arg2[%add3A_1170, %dma_start3A_1173] : memref<100000x128xf32, #tpu.memory_space<hbm>> -> memref<128x128xf32, #tpu.memory_space<hbm>>
    tpu.enqueue_dma source(%dma_start3A_1174 : memref<128x128xf32, #tpu.memory_space<hbm>>) target(%arg9 : memref<128x128xf32, #tpu.memory_space<vmem>>) target_semaphore(%arg18 : memref<!tpu.dma_semaphore, #tpu.memory_space<semaphore_mem>>)
    %add3A_1175 = arith.constant 8 : i32
    %add3A_1176 = arith.addi %mul3A_2, %add3A_1175 : i32
    %mul3A_1177 = arith.constant 128 : i32
    %mul3A_1178 = arith.muli %add3A_1176, %mul3A_1177 : i32
    %add3A_1179 = arith.constant 46720 : i32
    %add3A_1180 = arith.addi %add3A_1179, %mul3A_1178 : i32
    %dma_wait3A_1181 = arith.constant 0 : i32
    %dma_wait3A_1182 = tpu.memref_slice %arg2[%add3A_1180, %dma_wait3A_1181] : memref<100000x128xf32, #tpu.memory_space<hbm>> -> memref<128x128xf32, #tpu.memory_space<hbm>>
    %dma_wait3A_1183 = arith.constant 0 : i32
    %dma_wait3A_1184 = tpu.memref_slice %arg2[%add3A_1180, %dma_wait3A_1183] : memref<100000x128xf32, #tpu.memory_space<hbm>> -> memref<128x128xf32, #tpu.memory_space<hbm>>
    tpu.wait_dma2 semaphore(%arg18 : memref<!tpu.dma_semaphore, #tpu.memory_space<semaphore_mem>>) src(%dma_wait3A_1184 : memref<128x128xf32, #tpu.memory_space<hbm>>) dst(%arg8 : memref<128x128xf32, #tpu.memory_space<vmem>>)
    %dma_start3A_1185 = arith.constant 8 : i32
    %dma_start3A_1186 = arith.constant 0 : i32
    %dma_start3A_1187 = arith.constant 0 : i32
    %dma_start3A_1188 = tpu.memref_slice %arg12[%dma_start3A_1185, %dma_start3A_1186, %dma_start3A_1187] : memref<13x1x128xi32, #tpu.memory_space<vmem>> -> memref<1x1x128xi32, #tpu.memory_space<vmem>>
    %dma_start3A_1189 = tpu.memref_squeeze %dma_start3A_1188 : memref<1x1x128xi32, #tpu.memory_space<vmem>> -> memref<128xi32, #tpu.memory_space<vmem>>
    %dma_start3A_1190 = arith.constant 0 : i32
    %dma_start3A_1191 = arith.constant 0 : i32
    %dma_start3A_1192 = tpu.memref_slice %arg16[%dma_start3A_1190, %dma_start3A_1191] : memref<256x128xf32, #tpu.memory_space<vmem_shared>> -> memref<256x128xf32, #tpu.memory_space<vmem_shared>>
    tpu.enqueue_indirect_dma source(%arg8 : memref<128x128xf32, #tpu.memory_space<vmem>>) target(%dma_start3A_1192 : memref<256x128xf32, #tpu.memory_space<vmem_shared>>) offsets(%dma_start3A_1189 : memref<128xi32, #tpu.memory_space<vmem>>) semaphore(%arg20 : memref<!tpu.dma_semaphore, #tpu.memory_space<semaphore_mem>>) {add = true}
    %dma_start3A_1193 = arith.constant 8 : i32
    %dma_start3A_1194 = arith.constant 0 : i32
    %dma_start3A_1195 = arith.constant 0 : i32
    %dma_start3A_1196 = tpu.memref_slice %arg12[%dma_start3A_1193, %dma_start3A_1194, %dma_start3A_1195] : memref<13x1x128xi32, #tpu.memory_space<vmem>> -> memref<1x1x128xi32, #tpu.memory_space<vmem>>
    %dma_start3A_1197 = tpu.memref_squeeze %dma_start3A_1196 : memref<1x1x128xi32, #tpu.memory_space<vmem>> -> memref<128xi32, #tpu.memory_space<vmem>>
    %dma_start3A_1198 = arith.constant 0 : i32
    %dma_start3A_1199 = tpu.memref_slice %arg17[%dma_start3A_1198] : memref<256xf32, #tpu.memory_space<vmem_shared>> -> memref<256xf32, #tpu.memory_space<vmem_shared>>
    tpu.enqueue_indirect_dma source(%arg13 : memref<128xf32, #tpu.memory_space<vmem>>) target(%dma_start3A_1199 : memref<256xf32, #tpu.memory_space<vmem_shared>>) offsets(%dma_start3A_1197 : memref<128xi32, #tpu.memory_space<vmem>>) semaphore(%arg21 : memref<!tpu.dma_semaphore, #tpu.memory_space<semaphore_mem>>) {add = true}
    %dma_wait3A_1200 = arith.constant 0 : i32
    %dma_wait3A_1201 = arith.constant 0 : i32
    %dma_wait3A_1202 = arith.constant 0 : i32
    %dma_wait3A_1203 = tpu.memref_slice %arg12[%dma_wait3A_1200, %dma_wait3A_1201, %dma_wait3A_1202] : memref<13x1x128xi32, #tpu.memory_space<vmem>> -> memref<1x1x128xi32, #tpu.memory_space<vmem>>
    %dma_wait3A_1204 = tpu.memref_squeeze %dma_wait3A_1203 : memref<1x1x128xi32, #tpu.memory_space<vmem>> -> memref<128xi32, #tpu.memory_space<vmem>>
    %dma_wait3A_1205 = arith.constant 0 : i32
    %dma_wait3A_1206 = arith.constant 0 : i32
    %dma_wait3A_1207 = tpu.memref_slice %arg16[%dma_wait3A_1205, %dma_wait3A_1206] : memref<256x128xf32, #tpu.memory_space<vmem_shared>> -> memref<256x128xf32, #tpu.memory_space<vmem_shared>>
    tpu.wait_indirect_dma semaphore(%arg20 : memref<!tpu.dma_semaphore, #tpu.memory_space<semaphore_mem>>) src(%arg8 : memref<128x128xf32, #tpu.memory_space<vmem>>) dst(%dma_wait3A_1207 : memref<256x128xf32, #tpu.memory_space<vmem_shared>>)
    %dma_wait3A_1208 = arith.constant 0 : i32
    %dma_wait3A_1209 = arith.constant 0 : i32
    %dma_wait3A_1210 = arith.constant 0 : i32
    %dma_wait3A_1211 = tpu.memref_slice %arg12[%dma_wait3A_1208, %dma_wait3A_1209, %dma_wait3A_1210] : memref<13x1x128xi32, #tpu.memory_space<vmem>> -> memref<1x1x128xi32, #tpu.memory_space<vmem>>
    %dma_wait3A_1212 = tpu.memref_squeeze %dma_wait3A_1211 : memref<1x1x128xi32, #tpu.memory_space<vmem>> -> memref<128xi32, #tpu.memory_space<vmem>>
    %dma_wait3A_1213 = arith.constant 0 : i32
    %dma_wait3A_1214 = tpu.memref_slice %arg17[%dma_wait3A_1213] : memref<256xf32, #tpu.memory_space<vmem_shared>> -> memref<256xf32, #tpu.memory_space<vmem_shared>>
    tpu.wait_indirect_dma semaphore(%arg21 : memref<!tpu.dma_semaphore, #tpu.memory_space<semaphore_mem>>) src(%arg13 : memref<128xf32, #tpu.memory_space<vmem>>) dst(%dma_wait3A_1214 : memref<256xf32, #tpu.memory_space<vmem_shared>>)
    %add3A_1215 = arith.constant 10 : i32
    %add3A_1216 = arith.addi %mul3A_2, %add3A_1215 : i32
    %mul3A_1217 = arith.constant 128 : i32
    %mul3A_1218 = arith.muli %add3A_1216, %mul3A_1217 : i32
    %add3A_1219 = arith.constant 46720 : i32
    %add3A_1220 = arith.addi %add3A_1219, %mul3A_1218 : i32
    %dma_start3A_1221 = arith.constant 0 : i32
    %dma_start3A_1222 = tpu.memref_slice %arg2[%add3A_1220, %dma_start3A_1221] : memref<100000x128xf32, #tpu.memory_space<hbm>> -> memref<128x128xf32, #tpu.memory_space<hbm>>
    %dma_start3A_1223 = arith.constant 0 : i32
    %dma_start3A_1224 = tpu.memref_slice %arg2[%add3A_1220, %dma_start3A_1223] : memref<100000x128xf32, #tpu.memory_space<hbm>> -> memref<128x128xf32, #tpu.memory_space<hbm>>
    tpu.enqueue_dma source(%dma_start3A_1224 : memref<128x128xf32, #tpu.memory_space<hbm>>) target(%arg10 : memref<128x128xf32, #tpu.memory_space<vmem>>) target_semaphore(%arg18 : memref<!tpu.dma_semaphore, #tpu.memory_space<semaphore_mem>>)
    %add3A_1225 = arith.constant 9 : i32
    %add3A_1226 = arith.addi %mul3A_2, %add3A_1225 : i32
    %mul3A_1227 = arith.constant 128 : i32
    %mul3A_1228 = arith.muli %add3A_1226, %mul3A_1227 : i32
    %add3A_1229 = arith.constant 46720 : i32
    %add3A_1230 = arith.addi %add3A_1229, %mul3A_1228 : i32
    %dma_wait3A_1231 = arith.constant 0 : i32
    %dma_wait3A_1232 = tpu.memref_slice %arg2[%add3A_1230, %dma_wait3A_1231] : memref<100000x128xf32, #tpu.memory_space<hbm>> -> memref<128x128xf32, #tpu.memory_space<hbm>>
    %dma_wait3A_1233 = arith.constant 0 : i32
    %dma_wait3A_1234 = tpu.memref_slice %arg2[%add3A_1230, %dma_wait3A_1233] : memref<100000x128xf32, #tpu.memory_space<hbm>> -> memref<128x128xf32, #tpu.memory_space<hbm>>
    tpu.wait_dma2 semaphore(%arg18 : memref<!tpu.dma_semaphore, #tpu.memory_space<semaphore_mem>>) src(%dma_wait3A_1234 : memref<128x128xf32, #tpu.memory_space<hbm>>) dst(%arg9 : memref<128x128xf32, #tpu.memory_space<vmem>>)
    %dma_start3A_1235 = arith.constant 9 : i32
    %dma_start3A_1236 = arith.constant 0 : i32
    %dma_start3A_1237 = arith.constant 0 : i32
    %dma_start3A_1238 = tpu.memref_slice %arg12[%dma_start3A_1235, %dma_start3A_1236, %dma_start3A_1237] : memref<13x1x128xi32, #tpu.memory_space<vmem>> -> memref<1x1x128xi32, #tpu.memory_space<vmem>>
    %dma_start3A_1239 = tpu.memref_squeeze %dma_start3A_1238 : memref<1x1x128xi32, #tpu.memory_space<vmem>> -> memref<128xi32, #tpu.memory_space<vmem>>
    %dma_start3A_1240 = arith.constant 0 : i32
    %dma_start3A_1241 = arith.constant 0 : i32
    %dma_start3A_1242 = tpu.memref_slice %arg16[%dma_start3A_1240, %dma_start3A_1241] : memref<256x128xf32, #tpu.memory_space<vmem_shared>> -> memref<256x128xf32, #tpu.memory_space<vmem_shared>>
    tpu.enqueue_indirect_dma source(%arg9 : memref<128x128xf32, #tpu.memory_space<vmem>>) target(%dma_start3A_1242 : memref<256x128xf32, #tpu.memory_space<vmem_shared>>) offsets(%dma_start3A_1239 : memref<128xi32, #tpu.memory_space<vmem>>) semaphore(%arg20 : memref<!tpu.dma_semaphore, #tpu.memory_space<semaphore_mem>>) {add = true}
    %dma_start3A_1243 = arith.constant 9 : i32
    %dma_start3A_1244 = arith.constant 0 : i32
    %dma_start3A_1245 = arith.constant 0 : i32
    %dma_start3A_1246 = tpu.memref_slice %arg12[%dma_start3A_1243, %dma_start3A_1244, %dma_start3A_1245] : memref<13x1x128xi32, #tpu.memory_space<vmem>> -> memref<1x1x128xi32, #tpu.memory_space<vmem>>
    %dma_start3A_1247 = tpu.memref_squeeze %dma_start3A_1246 : memref<1x1x128xi32, #tpu.memory_space<vmem>> -> memref<128xi32, #tpu.memory_space<vmem>>
    %dma_start3A_1248 = arith.constant 0 : i32
    %dma_start3A_1249 = tpu.memref_slice %arg17[%dma_start3A_1248] : memref<256xf32, #tpu.memory_space<vmem_shared>> -> memref<256xf32, #tpu.memory_space<vmem_shared>>
    tpu.enqueue_indirect_dma source(%arg13 : memref<128xf32, #tpu.memory_space<vmem>>) target(%dma_start3A_1249 : memref<256xf32, #tpu.memory_space<vmem_shared>>) offsets(%dma_start3A_1247 : memref<128xi32, #tpu.memory_space<vmem>>) semaphore(%arg21 : memref<!tpu.dma_semaphore, #tpu.memory_space<semaphore_mem>>) {add = true}
    %dma_wait3A_1250 = arith.constant 0 : i32
    %dma_wait3A_1251 = arith.constant 0 : i32
    %dma_wait3A_1252 = arith.constant 0 : i32
    %dma_wait3A_1253 = tpu.memref_slice %arg12[%dma_wait3A_1250, %dma_wait3A_1251, %dma_wait3A_1252] : memref<13x1x128xi32, #tpu.memory_space<vmem>> -> memref<1x1x128xi32, #tpu.memory_space<vmem>>
    %dma_wait3A_1254 = tpu.memref_squeeze %dma_wait3A_1253 : memref<1x1x128xi32, #tpu.memory_space<vmem>> -> memref<128xi32, #tpu.memory_space<vmem>>
    %dma_wait3A_1255 = arith.constant 0 : i32
    %dma_wait3A_1256 = arith.constant 0 : i32
    %dma_wait3A_1257 = tpu.memref_slice %arg16[%dma_wait3A_1255, %dma_wait3A_1256] : memref<256x128xf32, #tpu.memory_space<vmem_shared>> -> memref<256x128xf32, #tpu.memory_space<vmem_shared>>
    tpu.wait_indirect_dma semaphore(%arg20 : memref<!tpu.dma_semaphore, #tpu.memory_space<semaphore_mem>>) src(%arg8 : memref<128x128xf32, #tpu.memory_space<vmem>>) dst(%dma_wait3A_1257 : memref<256x128xf32, #tpu.memory_space<vmem_shared>>)
    %dma_wait3A_1258 = arith.constant 0 : i32
    %dma_wait3A_1259 = arith.constant 0 : i32
    %dma_wait3A_1260 = arith.constant 0 : i32
    %dma_wait3A_1261 = tpu.memref_slice %arg12[%dma_wait3A_1258, %dma_wait3A_1259, %dma_wait3A_1260] : memref<13x1x128xi32, #tpu.memory_space<vmem>> -> memref<1x1x128xi32, #tpu.memory_space<vmem>>
    %dma_wait3A_1262 = tpu.memref_squeeze %dma_wait3A_1261 : memref<1x1x128xi32, #tpu.memory_space<vmem>> -> memref<128xi32, #tpu.memory_space<vmem>>
    %dma_wait3A_1263 = arith.constant 0 : i32
    %dma_wait3A_1264 = tpu.memref_slice %arg17[%dma_wait3A_1263] : memref<256xf32, #tpu.memory_space<vmem_shared>> -> memref<256xf32, #tpu.memory_space<vmem_shared>>
    tpu.wait_indirect_dma semaphore(%arg21 : memref<!tpu.dma_semaphore, #tpu.memory_space<semaphore_mem>>) src(%arg13 : memref<128xf32, #tpu.memory_space<vmem>>) dst(%dma_wait3A_1264 : memref<256xf32, #tpu.memory_space<vmem_shared>>)
    %add3A_1265 = arith.constant 11 : i32
    %add3A_1266 = arith.addi %mul3A_2, %add3A_1265 : i32
    %mul3A_1267 = arith.constant 128 : i32
    %mul3A_1268 = arith.muli %add3A_1266, %mul3A_1267 : i32
    %add3A_1269 = arith.constant 46720 : i32
    %add3A_1270 = arith.addi %add3A_1269, %mul3A_1268 : i32
    %dma_start3A_1271 = arith.constant 0 : i32
    %dma_start3A_1272 = tpu.memref_slice %arg2[%add3A_1270, %dma_start3A_1271] : memref<100000x128xf32, #tpu.memory_space<hbm>> -> memref<128x128xf32, #tpu.memory_space<hbm>>
    %dma_start3A_1273 = arith.constant 0 : i32
    %dma_start3A_1274 = tpu.memref_slice %arg2[%add3A_1270, %dma_start3A_1273] : memref<100000x128xf32, #tpu.memory_space<hbm>> -> memref<128x128xf32, #tpu.memory_space<hbm>>
    tpu.enqueue_dma source(%dma_start3A_1274 : memref<128x128xf32, #tpu.memory_space<hbm>>) target(%arg11 : memref<128x128xf32, #tpu.memory_space<vmem>>) target_semaphore(%arg18 : memref<!tpu.dma_semaphore, #tpu.memory_space<semaphore_mem>>)
    %add3A_1275 = arith.constant 10 : i32
    %add3A_1276 = arith.addi %mul3A_2, %add3A_1275 : i32
    %mul3A_1277 = arith.constant 128 : i32
    %mul3A_1278 = arith.muli %add3A_1276, %mul3A_1277 : i32
    %add3A_1279 = arith.constant 46720 : i32
    %add3A_1280 = arith.addi %add3A_1279, %mul3A_1278 : i32
    %dma_wait3A_1281 = arith.constant 0 : i32
    %dma_wait3A_1282 = tpu.memref_slice %arg2[%add3A_1280, %dma_wait3A_1281] : memref<100000x128xf32, #tpu.memory_space<hbm>> -> memref<128x128xf32, #tpu.memory_space<hbm>>
    %dma_wait3A_1283 = arith.constant 0 : i32
    %dma_wait3A_1284 = tpu.memref_slice %arg2[%add3A_1280, %dma_wait3A_1283] : memref<100000x128xf32, #tpu.memory_space<hbm>> -> memref<128x128xf32, #tpu.memory_space<hbm>>
    tpu.wait_dma2 semaphore(%arg18 : memref<!tpu.dma_semaphore, #tpu.memory_space<semaphore_mem>>) src(%dma_wait3A_1284 : memref<128x128xf32, #tpu.memory_space<hbm>>) dst(%arg10 : memref<128x128xf32, #tpu.memory_space<vmem>>)
    %dma_start3A_1285 = arith.constant 10 : i32
    %dma_start3A_1286 = arith.constant 0 : i32
    %dma_start3A_1287 = arith.constant 0 : i32
    %dma_start3A_1288 = tpu.memref_slice %arg12[%dma_start3A_1285, %dma_start3A_1286, %dma_start3A_1287] : memref<13x1x128xi32, #tpu.memory_space<vmem>> -> memref<1x1x128xi32, #tpu.memory_space<vmem>>
    %dma_start3A_1289 = tpu.memref_squeeze %dma_start3A_1288 : memref<1x1x128xi32, #tpu.memory_space<vmem>> -> memref<128xi32, #tpu.memory_space<vmem>>
    %dma_start3A_1290 = arith.constant 0 : i32
    %dma_start3A_1291 = arith.constant 0 : i32
    %dma_start3A_1292 = tpu.memref_slice %arg16[%dma_start3A_1290, %dma_start3A_1291] : memref<256x128xf32, #tpu.memory_space<vmem_shared>> -> memref<256x128xf32, #tpu.memory_space<vmem_shared>>
    tpu.enqueue_indirect_dma source(%arg10 : memref<128x128xf32, #tpu.memory_space<vmem>>) target(%dma_start3A_1292 : memref<256x128xf32, #tpu.memory_space<vmem_shared>>) offsets(%dma_start3A_1289 : memref<128xi32, #tpu.memory_space<vmem>>) semaphore(%arg20 : memref<!tpu.dma_semaphore, #tpu.memory_space<semaphore_mem>>) {add = true}
    %dma_start3A_1293 = arith.constant 10 : i32
    %dma_start3A_1294 = arith.constant 0 : i32
    %dma_start3A_1295 = arith.constant 0 : i32
    %dma_start3A_1296 = tpu.memref_slice %arg12[%dma_start3A_1293, %dma_start3A_1294, %dma_start3A_1295] : memref<13x1x128xi32, #tpu.memory_space<vmem>> -> memref<1x1x128xi32, #tpu.memory_space<vmem>>
    %dma_start3A_1297 = tpu.memref_squeeze %dma_start3A_1296 : memref<1x1x128xi32, #tpu.memory_space<vmem>> -> memref<128xi32, #tpu.memory_space<vmem>>
    %dma_start3A_1298 = arith.constant 0 : i32
    %dma_start3A_1299 = tpu.memref_slice %arg17[%dma_start3A_1298] : memref<256xf32, #tpu.memory_space<vmem_shared>> -> memref<256xf32, #tpu.memory_space<vmem_shared>>
    tpu.enqueue_indirect_dma source(%arg13 : memref<128xf32, #tpu.memory_space<vmem>>) target(%dma_start3A_1299 : memref<256xf32, #tpu.memory_space<vmem_shared>>) offsets(%dma_start3A_1297 : memref<128xi32, #tpu.memory_space<vmem>>) semaphore(%arg21 : memref<!tpu.dma_semaphore, #tpu.memory_space<semaphore_mem>>) {add = true}
    %dma_wait3A_1300 = arith.constant 0 : i32
    %dma_wait3A_1301 = arith.constant 0 : i32
    %dma_wait3A_1302 = arith.constant 0 : i32
    %dma_wait3A_1303 = tpu.memref_slice %arg12[%dma_wait3A_1300, %dma_wait3A_1301, %dma_wait3A_1302] : memref<13x1x128xi32, #tpu.memory_space<vmem>> -> memref<1x1x128xi32, #tpu.memory_space<vmem>>
    %dma_wait3A_1304 = tpu.memref_squeeze %dma_wait3A_1303 : memref<1x1x128xi32, #tpu.memory_space<vmem>> -> memref<128xi32, #tpu.memory_space<vmem>>
    %dma_wait3A_1305 = arith.constant 0 : i32
    %dma_wait3A_1306 = arith.constant 0 : i32
    %dma_wait3A_1307 = tpu.memref_slice %arg16[%dma_wait3A_1305, %dma_wait3A_1306] : memref<256x128xf32, #tpu.memory_space<vmem_shared>> -> memref<256x128xf32, #tpu.memory_space<vmem_shared>>
    tpu.wait_indirect_dma semaphore(%arg20 : memref<!tpu.dma_semaphore, #tpu.memory_space<semaphore_mem>>) src(%arg8 : memref<128x128xf32, #tpu.memory_space<vmem>>) dst(%dma_wait3A_1307 : memref<256x128xf32, #tpu.memory_space<vmem_shared>>)
    %dma_wait3A_1308 = arith.constant 0 : i32
    %dma_wait3A_1309 = arith.constant 0 : i32
    %dma_wait3A_1310 = arith.constant 0 : i32
    %dma_wait3A_1311 = tpu.memref_slice %arg12[%dma_wait3A_1308, %dma_wait3A_1309, %dma_wait3A_1310] : memref<13x1x128xi32, #tpu.memory_space<vmem>> -> memref<1x1x128xi32, #tpu.memory_space<vmem>>
    %dma_wait3A_1312 = tpu.memref_squeeze %dma_wait3A_1311 : memref<1x1x128xi32, #tpu.memory_space<vmem>> -> memref<128xi32, #tpu.memory_space<vmem>>
    %dma_wait3A_1313 = arith.constant 0 : i32
    %dma_wait3A_1314 = tpu.memref_slice %arg17[%dma_wait3A_1313] : memref<256xf32, #tpu.memory_space<vmem_shared>> -> memref<256xf32, #tpu.memory_space<vmem_shared>>
    tpu.wait_indirect_dma semaphore(%arg21 : memref<!tpu.dma_semaphore, #tpu.memory_space<semaphore_mem>>) src(%arg13 : memref<128xf32, #tpu.memory_space<vmem>>) dst(%dma_wait3A_1314 : memref<256xf32, #tpu.memory_space<vmem_shared>>)
    %add3A_1315 = arith.constant 12 : i32
    %add3A_1316 = arith.addi %mul3A_2, %add3A_1315 : i32
    %mul3A_1317 = arith.constant 128 : i32
    %mul3A_1318 = arith.muli %add3A_1316, %mul3A_1317 : i32
    %add3A_1319 = arith.constant 46720 : i32
    %add3A_1320 = arith.addi %add3A_1319, %mul3A_1318 : i32
    %dma_start3A_1321 = arith.constant 0 : i32
    %dma_start3A_1322 = tpu.memref_slice %arg2[%add3A_1320, %dma_start3A_1321] : memref<100000x128xf32, #tpu.memory_space<hbm>> -> memref<128x128xf32, #tpu.memory_space<hbm>>
    %dma_start3A_1323 = arith.constant 0 : i32
    %dma_start3A_1324 = tpu.memref_slice %arg2[%add3A_1320, %dma_start3A_1323] : memref<100000x128xf32, #tpu.memory_space<hbm>> -> memref<128x128xf32, #tpu.memory_space<hbm>>
    tpu.enqueue_dma source(%dma_start3A_1324 : memref<128x128xf32, #tpu.memory_space<hbm>>) target(%arg8 : memref<128x128xf32, #tpu.memory_space<vmem>>) target_semaphore(%arg18 : memref<!tpu.dma_semaphore, #tpu.memory_space<semaphore_mem>>)
    %add3A_1325 = arith.constant 11 : i32
    %add3A_1326 = arith.addi %mul3A_2, %add3A_1325 : i32
    %mul3A_1327 = arith.constant 128 : i32
    %mul3A_1328 = arith.muli %add3A_1326, %mul3A_1327 : i32
    %add3A_1329 = arith.constant 46720 : i32
    %add3A_1330 = arith.addi %add3A_1329, %mul3A_1328 : i32
    %dma_wait3A_1331 = arith.constant 0 : i32
    %dma_wait3A_1332 = tpu.memref_slice %arg2[%add3A_1330, %dma_wait3A_1331] : memref<100000x128xf32, #tpu.memory_space<hbm>> -> memref<128x128xf32, #tpu.memory_space<hbm>>
    %dma_wait3A_1333 = arith.constant 0 : i32
    %dma_wait3A_1334 = tpu.memref_slice %arg2[%add3A_1330, %dma_wait3A_1333] : memref<100000x128xf32, #tpu.memory_space<hbm>> -> memref<128x128xf32, #tpu.memory_space<hbm>>
    tpu.wait_dma2 semaphore(%arg18 : memref<!tpu.dma_semaphore, #tpu.memory_space<semaphore_mem>>) src(%dma_wait3A_1334 : memref<128x128xf32, #tpu.memory_space<hbm>>) dst(%arg11 : memref<128x128xf32, #tpu.memory_space<vmem>>)
    %dma_start3A_1335 = arith.constant 11 : i32
    %dma_start3A_1336 = arith.constant 0 : i32
    %dma_start3A_1337 = arith.constant 0 : i32
    %dma_start3A_1338 = tpu.memref_slice %arg12[%dma_start3A_1335, %dma_start3A_1336, %dma_start3A_1337] : memref<13x1x128xi32, #tpu.memory_space<vmem>> -> memref<1x1x128xi32, #tpu.memory_space<vmem>>
    %dma_start3A_1339 = tpu.memref_squeeze %dma_start3A_1338 : memref<1x1x128xi32, #tpu.memory_space<vmem>> -> memref<128xi32, #tpu.memory_space<vmem>>
    %dma_start3A_1340 = arith.constant 0 : i32
    %dma_start3A_1341 = arith.constant 0 : i32
    %dma_start3A_1342 = tpu.memref_slice %arg16[%dma_start3A_1340, %dma_start3A_1341] : memref<256x128xf32, #tpu.memory_space<vmem_shared>> -> memref<256x128xf32, #tpu.memory_space<vmem_shared>>
    tpu.enqueue_indirect_dma source(%arg11 : memref<128x128xf32, #tpu.memory_space<vmem>>) target(%dma_start3A_1342 : memref<256x128xf32, #tpu.memory_space<vmem_shared>>) offsets(%dma_start3A_1339 : memref<128xi32, #tpu.memory_space<vmem>>) semaphore(%arg20 : memref<!tpu.dma_semaphore, #tpu.memory_space<semaphore_mem>>) {add = true}
    %dma_start3A_1343 = arith.constant 11 : i32
    %dma_start3A_1344 = arith.constant 0 : i32
    %dma_start3A_1345 = arith.constant 0 : i32
    %dma_start3A_1346 = tpu.memref_slice %arg12[%dma_start3A_1343, %dma_start3A_1344, %dma_start3A_1345] : memref<13x1x128xi32, #tpu.memory_space<vmem>> -> memref<1x1x128xi32, #tpu.memory_space<vmem>>
    %dma_start3A_1347 = tpu.memref_squeeze %dma_start3A_1346 : memref<1x1x128xi32, #tpu.memory_space<vmem>> -> memref<128xi32, #tpu.memory_space<vmem>>
    %dma_start3A_1348 = arith.constant 0 : i32
    %dma_start3A_1349 = tpu.memref_slice %arg17[%dma_start3A_1348] : memref<256xf32, #tpu.memory_space<vmem_shared>> -> memref<256xf32, #tpu.memory_space<vmem_shared>>
    tpu.enqueue_indirect_dma source(%arg13 : memref<128xf32, #tpu.memory_space<vmem>>) target(%dma_start3A_1349 : memref<256xf32, #tpu.memory_space<vmem_shared>>) offsets(%dma_start3A_1347 : memref<128xi32, #tpu.memory_space<vmem>>) semaphore(%arg21 : memref<!tpu.dma_semaphore, #tpu.memory_space<semaphore_mem>>) {add = true}
    %dma_wait3A_1350 = arith.constant 0 : i32
    %dma_wait3A_1351 = arith.constant 0 : i32
    %dma_wait3A_1352 = arith.constant 0 : i32
    %dma_wait3A_1353 = tpu.memref_slice %arg12[%dma_wait3A_1350, %dma_wait3A_1351, %dma_wait3A_1352] : memref<13x1x128xi32, #tpu.memory_space<vmem>> -> memref<1x1x128xi32, #tpu.memory_space<vmem>>
    %dma_wait3A_1354 = tpu.memref_squeeze %dma_wait3A_1353 : memref<1x1x128xi32, #tpu.memory_space<vmem>> -> memref<128xi32, #tpu.memory_space<vmem>>
    %dma_wait3A_1355 = arith.constant 0 : i32
    %dma_wait3A_1356 = arith.constant 0 : i32
    %dma_wait3A_1357 = tpu.memref_slice %arg16[%dma_wait3A_1355, %dma_wait3A_1356] : memref<256x128xf32, #tpu.memory_space<vmem_shared>> -> memref<256x128xf32, #tpu.memory_space<vmem_shared>>
    tpu.wait_indirect_dma semaphore(%arg20 : memref<!tpu.dma_semaphore, #tpu.memory_space<semaphore_mem>>) src(%arg8 : memref<128x128xf32, #tpu.memory_space<vmem>>) dst(%dma_wait3A_1357 : memref<256x128xf32, #tpu.memory_space<vmem_shared>>)
    %dma_wait3A_1358 = arith.constant 0 : i32
    %dma_wait3A_1359 = arith.constant 0 : i32
    %dma_wait3A_1360 = arith.constant 0 : i32
    %dma_wait3A_1361 = tpu.memref_slice %arg12[%dma_wait3A_1358, %dma_wait3A_1359, %dma_wait3A_1360] : memref<13x1x128xi32, #tpu.memory_space<vmem>> -> memref<1x1x128xi32, #tpu.memory_space<vmem>>
    %dma_wait3A_1362 = tpu.memref_squeeze %dma_wait3A_1361 : memref<1x1x128xi32, #tpu.memory_space<vmem>> -> memref<128xi32, #tpu.memory_space<vmem>>
    %dma_wait3A_1363 = arith.constant 0 : i32
    %dma_wait3A_1364 = tpu.memref_slice %arg17[%dma_wait3A_1363] : memref<256xf32, #tpu.memory_space<vmem_shared>> -> memref<256xf32, #tpu.memory_space<vmem_shared>>
    tpu.wait_indirect_dma semaphore(%arg21 : memref<!tpu.dma_semaphore, #tpu.memory_space<semaphore_mem>>) src(%arg13 : memref<128xf32, #tpu.memory_space<vmem>>) dst(%dma_wait3A_1364 : memref<256xf32, #tpu.memory_space<vmem_shared>>)
    %add3A_1365 = arith.constant 12 : i32
    %add3A_1366 = arith.addi %mul3A_2, %add3A_1365 : i32
    %mul3A_1367 = arith.constant 128 : i32
    %mul3A_1368 = arith.muli %add3A_1366, %mul3A_1367 : i32
    %add3A_1369 = arith.constant 46720 : i32
    %add3A_1370 = arith.addi %add3A_1369, %mul3A_1368 : i32
    %dma_wait3A_1371 = arith.constant 0 : i32
    %dma_wait3A_1372 = tpu.memref_slice %arg2[%add3A_1370, %dma_wait3A_1371] : memref<100000x128xf32, #tpu.memory_space<hbm>> -> memref<128x128xf32, #tpu.memory_space<hbm>>
    %dma_wait3A_1373 = arith.constant 0 : i32
    %dma_wait3A_1374 = tpu.memref_slice %arg2[%add3A_1370, %dma_wait3A_1373] : memref<100000x128xf32, #tpu.memory_space<hbm>> -> memref<128x128xf32, #tpu.memory_space<hbm>>
    tpu.wait_dma2 semaphore(%arg18 : memref<!tpu.dma_semaphore, #tpu.memory_space<semaphore_mem>>) src(%dma_wait3A_1374 : memref<128x128xf32, #tpu.memory_space<hbm>>) dst(%arg8 : memref<128x128xf32, #tpu.memory_space<vmem>>)
    %dma_start3A_1375 = arith.constant 12 : i32
    %dma_start3A_1376 = arith.constant 0 : i32
    %dma_start3A_1377 = arith.constant 0 : i32
    %dma_start3A_1378 = tpu.memref_slice %arg12[%dma_start3A_1375, %dma_start3A_1376, %dma_start3A_1377] : memref<13x1x128xi32, #tpu.memory_space<vmem>> -> memref<1x1x128xi32, #tpu.memory_space<vmem>>
    %dma_start3A_1379 = tpu.memref_squeeze %dma_start3A_1378 : memref<1x1x128xi32, #tpu.memory_space<vmem>> -> memref<128xi32, #tpu.memory_space<vmem>>
    %dma_start3A_1380 = arith.constant 0 : i32
    %dma_start3A_1381 = arith.constant 0 : i32
    %dma_start3A_1382 = tpu.memref_slice %arg16[%dma_start3A_1380, %dma_start3A_1381] : memref<256x128xf32, #tpu.memory_space<vmem_shared>> -> memref<256x128xf32, #tpu.memory_space<vmem_shared>>
    tpu.enqueue_indirect_dma source(%arg8 : memref<128x128xf32, #tpu.memory_space<vmem>>) target(%dma_start3A_1382 : memref<256x128xf32, #tpu.memory_space<vmem_shared>>) offsets(%dma_start3A_1379 : memref<128xi32, #tpu.memory_space<vmem>>) semaphore(%arg20 : memref<!tpu.dma_semaphore, #tpu.memory_space<semaphore_mem>>) {add = true}
    %dma_start3A_1383 = arith.constant 12 : i32
    %dma_start3A_1384 = arith.constant 0 : i32
    %dma_start3A_1385 = arith.constant 0 : i32
    %dma_start3A_1386 = tpu.memref_slice %arg12[%dma_start3A_1383, %dma_start3A_1384, %dma_start3A_1385] : memref<13x1x128xi32, #tpu.memory_space<vmem>> -> memref<1x1x128xi32, #tpu.memory_space<vmem>>
    %dma_start3A_1387 = tpu.memref_squeeze %dma_start3A_1386 : memref<1x1x128xi32, #tpu.memory_space<vmem>> -> memref<128xi32, #tpu.memory_space<vmem>>
    %dma_start3A_1388 = arith.constant 0 : i32
    %dma_start3A_1389 = tpu.memref_slice %arg17[%dma_start3A_1388] : memref<256xf32, #tpu.memory_space<vmem_shared>> -> memref<256xf32, #tpu.memory_space<vmem_shared>>
    tpu.enqueue_indirect_dma source(%arg13 : memref<128xf32, #tpu.memory_space<vmem>>) target(%dma_start3A_1389 : memref<256xf32, #tpu.memory_space<vmem_shared>>) offsets(%dma_start3A_1387 : memref<128xi32, #tpu.memory_space<vmem>>) semaphore(%arg21 : memref<!tpu.dma_semaphore, #tpu.memory_space<semaphore_mem>>) {add = true}
    %dma_wait3A_1390 = arith.constant 0 : i32
    %dma_wait3A_1391 = arith.constant 0 : i32
    %dma_wait3A_1392 = arith.constant 0 : i32
    %dma_wait3A_1393 = tpu.memref_slice %arg12[%dma_wait3A_1390, %dma_wait3A_1391, %dma_wait3A_1392] : memref<13x1x128xi32, #tpu.memory_space<vmem>> -> memref<1x1x128xi32, #tpu.memory_space<vmem>>
    %dma_wait3A_1394 = tpu.memref_squeeze %dma_wait3A_1393 : memref<1x1x128xi32, #tpu.memory_space<vmem>> -> memref<128xi32, #tpu.memory_space<vmem>>
    %dma_wait3A_1395 = arith.constant 0 : i32
    %dma_wait3A_1396 = arith.constant 0 : i32
    %dma_wait3A_1397 = tpu.memref_slice %arg16[%dma_wait3A_1395, %dma_wait3A_1396] : memref<256x128xf32, #tpu.memory_space<vmem_shared>> -> memref<256x128xf32, #tpu.memory_space<vmem_shared>>
    tpu.wait_indirect_dma semaphore(%arg20 : memref<!tpu.dma_semaphore, #tpu.memory_space<semaphore_mem>>) src(%arg8 : memref<128x128xf32, #tpu.memory_space<vmem>>) dst(%dma_wait3A_1397 : memref<256x128xf32, #tpu.memory_space<vmem_shared>>)
    %dma_wait3A_1398 = arith.constant 0 : i32
    %dma_wait3A_1399 = arith.constant 0 : i32
    %dma_wait3A_1400 = arith.constant 0 : i32
    %dma_wait3A_1401 = tpu.memref_slice %arg12[%dma_wait3A_1398, %dma_wait3A_1399, %dma_wait3A_1400] : memref<13x1x128xi32, #tpu.memory_space<vmem>> -> memref<1x1x128xi32, #tpu.memory_space<vmem>>
    %dma_wait3A_1402 = tpu.memref_squeeze %dma_wait3A_1401 : memref<1x1x128xi32, #tpu.memory_space<vmem>> -> memref<128xi32, #tpu.memory_space<vmem>>
    %dma_wait3A_1403 = arith.constant 0 : i32
    %dma_wait3A_1404 = tpu.memref_slice %arg17[%dma_wait3A_1403] : memref<256xf32, #tpu.memory_space<vmem_shared>> -> memref<256xf32, #tpu.memory_space<vmem_shared>>
    tpu.wait_indirect_dma semaphore(%arg21 : memref<!tpu.dma_semaphore, #tpu.memory_space<semaphore_mem>>) src(%arg13 : memref<128xf32, #tpu.memory_space<vmem>>) dst(%dma_wait3A_1404 : memref<256xf32, #tpu.memory_space<vmem_shared>>)
    %dma_wait3A_1405 = arith.constant 0 : i32
    %dma_wait3A_1406 = arith.constant 0 : i32
    %dma_wait3A_1407 = arith.constant 0 : i32
    %dma_wait3A_1408 = tpu.memref_slice %arg12[%dma_wait3A_1405, %dma_wait3A_1406, %dma_wait3A_1407] : memref<13x1x128xi32, #tpu.memory_space<vmem>> -> memref<1x1x128xi32, #tpu.memory_space<vmem>>
    %dma_wait3A_1409 = tpu.memref_squeeze %dma_wait3A_1408 : memref<1x1x128xi32, #tpu.memory_space<vmem>> -> memref<128xi32, #tpu.memory_space<vmem>>
    %dma_wait3A_1410 = arith.constant 0 : i32
    %dma_wait3A_1411 = arith.constant 0 : i32
    %dma_wait3A_1412 = tpu.memref_slice %arg16[%dma_wait3A_1410, %dma_wait3A_1411] : memref<256x128xf32, #tpu.memory_space<vmem_shared>> -> memref<256x128xf32, #tpu.memory_space<vmem_shared>>
    tpu.wait_indirect_dma semaphore(%arg20 : memref<!tpu.dma_semaphore, #tpu.memory_space<semaphore_mem>>) src(%arg8 : memref<128x128xf32, #tpu.memory_space<vmem>>) dst(%dma_wait3A_1412 : memref<256x128xf32, #tpu.memory_space<vmem_shared>>)
    %dma_wait3A_1413 = arith.constant 0 : i32
    %dma_wait3A_1414 = arith.constant 0 : i32
    %dma_wait3A_1415 = arith.constant 0 : i32
    %dma_wait3A_1416 = tpu.memref_slice %arg12[%dma_wait3A_1413, %dma_wait3A_1414, %dma_wait3A_1415] : memref<13x1x128xi32, #tpu.memory_space<vmem>> -> memref<1x1x128xi32, #tpu.memory_space<vmem>>
    %dma_wait3A_1417 = tpu.memref_squeeze %dma_wait3A_1416 : memref<1x1x128xi32, #tpu.memory_space<vmem>> -> memref<128xi32, #tpu.memory_space<vmem>>
    %dma_wait3A_1418 = arith.constant 0 : i32
    %dma_wait3A_1419 = tpu.memref_slice %arg17[%dma_wait3A_1418] : memref<256xf32, #tpu.memory_space<vmem_shared>> -> memref<256xf32, #tpu.memory_space<vmem_shared>>
    tpu.wait_indirect_dma semaphore(%arg21 : memref<!tpu.dma_semaphore, #tpu.memory_space<semaphore_mem>>) src(%arg13 : memref<128xf32, #tpu.memory_space<vmem>>) dst(%dma_wait3A_1419 : memref<256xf32, #tpu.memory_space<vmem_shared>>)
    %dma_wait3A_1420 = arith.constant 0 : i32
    %dma_wait3A_1421 = arith.constant 0 : i32
    %dma_wait3A_1422 = arith.constant 0 : i32
    %dma_wait3A_1423 = tpu.memref_slice %arg12[%dma_wait3A_1420, %dma_wait3A_1421, %dma_wait3A_1422] : memref<13x1x128xi32, #tpu.memory_space<vmem>> -> memref<1x1x128xi32, #tpu.memory_space<vmem>>
    %dma_wait3A_1424 = tpu.memref_squeeze %dma_wait3A_1423 : memref<1x1x128xi32, #tpu.memory_space<vmem>> -> memref<128xi32, #tpu.memory_space<vmem>>
    %dma_wait3A_1425 = arith.constant 0 : i32
    %dma_wait3A_1426 = arith.constant 0 : i32
    %dma_wait3A_1427 = tpu.memref_slice %arg16[%dma_wait3A_1425, %dma_wait3A_1426] : memref<256x128xf32, #tpu.memory_space<vmem_shared>> -> memref<256x128xf32, #tpu.memory_space<vmem_shared>>
    tpu.wait_indirect_dma semaphore(%arg20 : memref<!tpu.dma_semaphore, #tpu.memory_space<semaphore_mem>>) src(%arg8 : memref<128x128xf32, #tpu.memory_space<vmem>>) dst(%dma_wait3A_1427 : memref<256x128xf32, #tpu.memory_space<vmem_shared>>)
    %dma_wait3A_1428 = arith.constant 0 : i32
    %dma_wait3A_1429 = arith.constant 0 : i32
    %dma_wait3A_1430 = arith.constant 0 : i32
    %dma_wait3A_1431 = tpu.memref_slice %arg12[%dma_wait3A_1428, %dma_wait3A_1429, %dma_wait3A_1430] : memref<13x1x128xi32, #tpu.memory_space<vmem>> -> memref<1x1x128xi32, #tpu.memory_space<vmem>>
    %dma_wait3A_1432 = tpu.memref_squeeze %dma_wait3A_1431 : memref<1x1x128xi32, #tpu.memory_space<vmem>> -> memref<128xi32, #tpu.memory_space<vmem>>
    %dma_wait3A_1433 = arith.constant 0 : i32
    %dma_wait3A_1434 = tpu.memref_slice %arg17[%dma_wait3A_1433] : memref<256xf32, #tpu.memory_space<vmem_shared>> -> memref<256xf32, #tpu.memory_space<vmem_shared>>
    tpu.wait_indirect_dma semaphore(%arg21 : memref<!tpu.dma_semaphore, #tpu.memory_space<semaphore_mem>>) src(%arg13 : memref<128xf32, #tpu.memory_space<vmem>>) dst(%dma_wait3A_1434 : memref<256xf32, #tpu.memory_space<vmem_shared>>)
    %barrier3A_1435 = arith.constant 0 : index
    tpu.barrier barrier_id(%barrier3A_1435)
    %mul3A_1436 = arith.constant 16 : i32
    %mul3A_1437 = arith.muli %arg1, %mul3A_1436 : i32
    %mul3A_1438 = arith.constant 16 : i32
    %mul3A_1439 = arith.muli %arg1, %mul3A_1438 : i32
    "tpu.region"() ({
      %run_scoped3A = tpu.sem_alloc : memref<!tpu.dma_semaphore, #tpu.memory_space<semaphore_mem>>
      %dma_start3A_1445 = arith.constant 0 : i32
      %dma_start3A_1446 = tpu.memref_slice %arg6[%arg0, %mul3A_1439, %dma_start3A_1445] : memref<2x256x128xf32, #tpu.memory_space<hbm>> -> memref<1x16x128xf32, #tpu.memory_space<hbm>>
      %dma_start3A_1447 = tpu.memref_squeeze %dma_start3A_1446 : memref<1x16x128xf32, #tpu.memory_space<hbm>> -> memref<16x128xf32, #tpu.memory_space<hbm>>
      %dma_start3A_1448 = arith.constant 0 : i32
      %dma_start3A_1449 = tpu.memref_slice %arg16[%mul3A_1437, %dma_start3A_1448] : memref<256x128xf32, #tpu.memory_space<vmem_shared>> -> memref<16x128xf32, #tpu.memory_space<vmem_shared>>
      tpu.enqueue_dma source(%dma_start3A_1449 : memref<16x128xf32, #tpu.memory_space<vmem_shared>>) target(%dma_start3A_1447 : memref<16x128xf32, #tpu.memory_space<hbm>>) target_semaphore(%run_scoped3A : memref<!tpu.dma_semaphore, #tpu.memory_space<semaphore_mem>>)
      %dma_wait3A_1450 = arith.constant 0 : i32
      %dma_wait3A_1451 = tpu.memref_slice %arg6[%arg0, %mul3A_1439, %dma_wait3A_1450] : memref<2x256x128xf32, #tpu.memory_space<hbm>> -> memref<1x16x128xf32, #tpu.memory_space<hbm>>
      %dma_wait3A_1452 = tpu.memref_squeeze %dma_wait3A_1451 : memref<1x16x128xf32, #tpu.memory_space<hbm>> -> memref<16x128xf32, #tpu.memory_space<hbm>>
      %dma_wait3A_1453 = arith.constant 0 : i32
      %dma_wait3A_1454 = tpu.memref_slice %arg16[%mul3A_1437, %dma_wait3A_1453] : memref<256x128xf32, #tpu.memory_space<vmem_shared>> -> memref<16x128xf32, #tpu.memory_space<vmem_shared>>
      tpu.wait_dma2 semaphore(%run_scoped3A : memref<!tpu.dma_semaphore, #tpu.memory_space<semaphore_mem>>) src(%dma_wait3A_1454 : memref<16x128xf32, #tpu.memory_space<vmem_shared>>) dst(%dma_wait3A_1452 : memref<16x128xf32, #tpu.memory_space<hbm>>)
      tpu.yield
    }) : () -> ()
    %eq3A_1440 = arith.constant 0 : i32
    %eq3A_1441 = arith.cmpi eq, %arg1, %eq3A_1440 : i32
    %convert_element_type3A_1442 = arith.extui %eq3A_1441 : i1 to i32
    %cond3A_1443 = arith.constant 0 : i32
    %cond3A_1444 = arith.cmpi ne, %convert_element_type3A_1442, %cond3A_1443 : i32
    scf.if %cond3A_1444 {
      "tpu.region"() ({
        %run_scoped3A = tpu.sem_alloc : memref<!tpu.dma_semaphore, #tpu.memory_space<semaphore_mem>>
        %dma_start3A_1445 = arith.constant 0 : i32
        %dma_start3A_1446 = tpu.memref_slice %arg7[%arg0, %dma_start3A_1445] : memref<2x256xf32, #tpu.memory_space<hbm>> -> memref<1x256xf32, #tpu.memory_space<hbm>>
        %dma_start3A_1447 = tpu.memref_squeeze %dma_start3A_1446 : memref<1x256xf32, #tpu.memory_space<hbm>> -> memref<256xf32, #tpu.memory_space<hbm>>
        tpu.enqueue_dma source(%arg17 : memref<256xf32, #tpu.memory_space<vmem_shared>>) target(%dma_start3A_1447 : memref<256xf32, #tpu.memory_space<hbm>>) target_semaphore(%run_scoped3A : memref<!tpu.dma_semaphore, #tpu.memory_space<semaphore_mem>>)
        %dma_wait3A_1448 = arith.constant 0 : i32
        %dma_wait3A_1449 = tpu.memref_slice %arg7[%arg0, %dma_wait3A_1448] : memref<2x256xf32, #tpu.memory_space<hbm>> -> memref<1x256xf32, #tpu.memory_space<hbm>>
        %dma_wait3A_1450 = tpu.memref_squeeze %dma_wait3A_1449 : memref<1x256xf32, #tpu.memory_space<hbm>> -> memref<256xf32, #tpu.memory_space<hbm>>
        tpu.wait_dma2 semaphore(%run_scoped3A : memref<!tpu.dma_semaphore, #tpu.memory_space<semaphore_mem>>) src(%arg17 : memref<256xf32, #tpu.memory_space<vmem_shared>>) dst(%dma_wait3A_1450 : memref<256xf32, #tpu.memory_space<hbm>>)
        tpu.yield
      }) : () -> ()
    } else {
    }
    return
  }
}

module attributes {stable_mosaic.version = 14 : i64} {
  func.func @_tc2_body(%arg0: i32, %arg1: memref<256x128xf32, #tpu.memory_space<vmem>>, %arg2: memref<1x256xf32, #tpu.memory_space<vmem>>, %arg3: memref<2x256x128xf32, #tpu.memory_space<vmem>>, %arg4: memref<2x256xf32, #tpu.memory_space<vmem>>, %arg5: memref<32x128xf32, #tpu.memory_space<vmem>>, %arg6: memref<1x32xf32, #tpu.memory_space<vmem>>, %arg7: memref<256x128xf32, #tpu.memory_space<vmem>>, %arg8: memref<32x256xf32, #tpu.memory_space<vmem>>, %arg9: memref<1x32xf32, #tpu.memory_space<vmem>>, %arg10: memref<256x32xf32, #tpu.memory_space<vmem>>) attributes {dimension_semantics = [#tpu.dimension_semantics<arbitrary>], iteration_bounds = array<i64: 1>, scalar_prefetch = 0 : i64, scratch_operands = 0 : i64, tpu.core_type = #tpu.core_type<tc>, window_params = [{pipeline_mode = #tpu.pipeline_mode<synchronous>, transform_indices = @transform_0, window_bounds = array<i64: 256, 128>}, {pipeline_mode = #tpu.pipeline_mode<synchronous>, transform_indices = @transform_1, window_bounds = array<i64: 1, 256>}, {pipeline_mode = #tpu.pipeline_mode<synchronous>, transform_indices = @transform_2, window_bounds = array<i64: 2, 256, 128>}, {pipeline_mode = #tpu.pipeline_mode<synchronous>, transform_indices = @transform_3, window_bounds = array<i64: 2, 256>}, {transform_indices = @transform_4, window_bounds = array<i64: 32, 128>}, {pipeline_mode = #tpu.pipeline_mode<synchronous>, transform_indices = @transform_5, window_bounds = array<i64: 1, 32>}, {pipeline_mode = #tpu.pipeline_mode<synchronous>, transform_indices = @transform_6, window_bounds = array<i64: 256, 128>}, {pipeline_mode = #tpu.pipeline_mode<synchronous>, transform_indices = @transform_7, window_bounds = array<i64: 32, 256>}, {pipeline_mode = #tpu.pipeline_mode<synchronous>, transform_indices = @transform_8, window_bounds = array<i64: 1, 32>}, {pipeline_mode = #tpu.pipeline_mode<synchronous>, transform_indices = @transform_9, window_bounds = array<i64: 256, 32>}]} {
    %get3A = arith.constant 0 : index
    %get3A_0 = arith.constant 0 : index
    %get3A_1 = vector.load %arg1[%get3A, %get3A_0] : memref<256x128xf32, #tpu.memory_space<vmem>>, vector<256x128xf32>
    %get3A_2 = arith.constant 0 : index
    %get3A_3 = arith.constant 0 : index
    %get3A_4 = arith.constant 0 : index
    %get3A_5 = vector.load %arg3[%get3A_2, %get3A_3, %get3A_4] : memref<2x256x128xf32, #tpu.memory_space<vmem>>, vector<1x256x128xf32>
    %get3A_6 = vector.shape_cast %get3A_5 : vector<1x256x128xf32> to vector<256x128xf32>
    %add3A = arith.addf %get3A_1, %get3A_6 : vector<256x128xf32>
    %get3A_7 = arith.constant 1 : index
    %get3A_8 = arith.constant 0 : index
    %get3A_9 = arith.constant 0 : index
    %get3A_10 = vector.load %arg3[%get3A_7, %get3A_8, %get3A_9] : memref<2x256x128xf32, #tpu.memory_space<vmem>>, vector<1x256x128xf32>
    %get3A_11 = vector.shape_cast %get3A_10 : vector<1x256x128xf32> to vector<256x128xf32>
    %add3A_12 = arith.addf %add3A, %get3A_11 : vector<256x128xf32>
    %iota3A = tpu.iota {dimensions = array<i32: 0>} : vector<256x32xi32>
    %get3A_13 = arith.constant 0 : index
    %get3A_14 = arith.constant 0 : index
    %get3A_15 = vector.load %arg6[%get3A_13, %get3A_14] : memref<1x32xf32, #tpu.memory_space<vmem>>, vector<1x32xf32>
    %convert_element_type3A = arith.sitofp %iota3A : vector<256x32xi32> to vector<256x32xf32>
    %eq3A = vector.broadcast %get3A_15 : vector<1x32xf32> to vector<256x32xf32>
    %eq3A_16 = arith.cmpf oeq, %eq3A, %convert_element_type3A : vector<256x32xf32>
    %convert_element_type3A_17 = arith.extui %eq3A_16 : vector<256x32xi1> to vector<256x32xi32>
    %convert_element_type3A_18 = arith.sitofp %convert_element_type3A_17 : vector<256x32xi32> to vector<256x32xf32>
    %get3A_19 = arith.constant 0 : index
    %get3A_20 = arith.constant 0 : index
    %get3A_21 = vector.load %arg5[%get3A_19, %get3A_20] : memref<32x128xf32, #tpu.memory_space<vmem>>, vector<32x128xf32>
    %dot_general3A = arith.constant dense<0.000000e+00> : vector<256x128xf32>
    %dot_general3A_22 = tpu.matmul %convert_element_type3A_18, %get3A_21, %dot_general3A {dimension_numbers = #tpu.dot_dimension_numbers<[1], [0], [0], [1], [0, 0, 1, 1], [], []>, transpose_lhs_hint = false} : vector<256x32xf32>, vector<32x128xf32>, vector<256x128xf32> -> vector<256x128xf32>
    %add3A_23 = arith.addf %add3A_12, %dot_general3A_22 : vector<256x128xf32>
    %get3A_24 = arith.constant 0 : index
    %get3A_25 = arith.constant 0 : index
    %get3A_26 = vector.load %arg2[%get3A_24, %get3A_25] : memref<1x256xf32, #tpu.memory_space<vmem>>, vector<1x256xf32>
    %get3A_27 = vector.shape_cast %get3A_26 : vector<1x256xf32> to vector<256xf32>
    %get3A_28 = arith.constant 0 : index
    %get3A_29 = arith.constant 0 : index
    %get3A_30 = vector.load %arg4[%get3A_28, %get3A_29] : memref<2x256xf32, #tpu.memory_space<vmem>>, vector<1x256xf32>
    %get3A_31 = vector.shape_cast %get3A_30 : vector<1x256xf32> to vector<256xf32>
    %add3A_32 = arith.addf %get3A_27, %get3A_31 : vector<256xf32>
    %get3A_33 = arith.constant 1 : index
    %get3A_34 = arith.constant 0 : index
    %get3A_35 = vector.load %arg4[%get3A_33, %get3A_34] : memref<2x256xf32, #tpu.memory_space<vmem>>, vector<1x256xf32>
    %get3A_36 = vector.shape_cast %get3A_35 : vector<1x256xf32> to vector<256xf32>
    %add3A_37 = arith.addf %add3A_32, %get3A_36 : vector<256xf32>
    %reduce_sum3A = arith.constant dense<0.000000e+00> : vector<256xf32>
    %reduce_sum3A_38 = vector.multi_reduction <add>, %convert_element_type3A_18, %reduce_sum3A [1] : vector<256x32xf32> to vector<256xf32>
    %add3A_39 = arith.addf %add3A_37, %reduce_sum3A_38 : vector<256xf32>
    %max3A = arith.constant 1.000000e+00 : f32
    %max3A_40 = vector.broadcast %max3A : f32 to vector<256xf32>
    %max3A_41 = arith.maximumf %add3A_39, %max3A_40 : vector<256xf32>
    %broadcast_in_dim3A = vector.shape_cast %max3A_41 : vector<256xf32> to vector<256x1xf32>
    %div3A = vector.broadcast %broadcast_in_dim3A : vector<256x1xf32> to vector<256x128xf32>
    %div3A_42 = arith.divf %add3A_23, %div3A : vector<256x128xf32>
    %get3A_43 = arith.constant 0 : index
    %get3A_44 = arith.constant 0 : index
    %get3A_45 = vector.load %arg7[%get3A_43, %get3A_44] : memref<256x128xf32, #tpu.memory_space<vmem>>, vector<256x128xf32>
    %concatenate3A = tpu.concatenate %div3A_42, %get3A_45 in 1 : vector<256x128xf32>, vector<256x128xf32> -> vector<256x256xf32>
    %get3A_46 = arith.constant 0 : index
    %get3A_47 = arith.constant 0 : index
    %get3A_48 = vector.load %arg8[%get3A_46, %get3A_47] : memref<32x256xf32, #tpu.memory_space<vmem>>, vector<32x256xf32>
    %dot_general3A_49 = arith.constant dense<0.000000e+00> : vector<256x32xf32>
    %dot_general3A_50 = tpu.matmul %concatenate3A, %get3A_48, %dot_general3A_49 {dimension_numbers = #tpu.dot_dimension_numbers<[1], [1], [0], [0], [0, 0, 1, 0], [], []>, transpose_lhs_hint = false} : vector<256x256xf32>, vector<32x256xf32>, vector<256x32xf32> -> vector<256x32xf32>
    %get3A_51 = arith.constant 0 : index
    %get3A_52 = arith.constant 0 : index
    %get3A_53 = vector.load %arg9[%get3A_51, %get3A_52] : memref<1x32xf32, #tpu.memory_space<vmem>>, vector<1x32xf32>
    %add3A_54 = vector.broadcast %get3A_53 : vector<1x32xf32> to vector<256x32xf32>
    %add3A_55 = arith.addf %dot_general3A_50, %add3A_54 : vector<256x32xf32>
    %swap3A = arith.constant 0 : index
    %swap3A_56 = arith.constant 0 : index
    %swap3A_57 = vector.load %arg10[%swap3A, %swap3A_56] : memref<256x32xf32, #tpu.memory_space<vmem>>, vector<256x32xf32>
    tpu.vector_store %arg10[%swap3A, %swap3A_56], %add3A_55 {strides = array<i32>} : memref<256x32xf32, #tpu.memory_space<vmem>>, vector<256x32xf32>,
    return
  }
  func.func @transform_0(%arg0: i32) -> (i32, i32) {
    %c0_i32 = arith.constant 0 : i32
    %c0_i32_0 = arith.constant 0 : i32
    %c0_i32_1 = arith.constant 0 : i32
    return %c0_i32, %c0_i32_0 : i32, i32
  }
  func.func @transform_1(%arg0: i32) -> (i32, i32) {
    %c0_i32 = arith.constant 0 : i32
    %c0_i32_0 = arith.constant 0 : i32
    %c0_i32_1 = arith.constant 0 : i32
    return %c0_i32, %c0_i32_0 : i32, i32
  }
  func.func @transform_2(%arg0: i32) -> (i32, i32, i32) {
    %c0_i32 = arith.constant 0 : i32
    %c0_i32_0 = arith.constant 0 : i32
    %c0_i32_1 = arith.constant 0 : i32
    %c0_i32_2 = arith.constant 0 : i32
    return %c0_i32, %c0_i32_0, %c0_i32_1 : i32, i32, i32
  }
  func.func @transform_3(%arg0: i32) -> (i32, i32) {
    %c0_i32 = arith.constant 0 : i32
    %c0_i32_0 = arith.constant 0 : i32
    %c0_i32_1 = arith.constant 0 : i32
    return %c0_i32, %c0_i32_0 : i32, i32
  }
  func.func @transform_4(%arg0: i32) -> (i32, i32) {
    %c3124_i32 = arith.constant 3124 : i32
    %c0_i32 = arith.constant 0 : i32
    %c0_i32_0 = arith.constant 0 : i32
    return %c3124_i32, %c0_i32 : i32, i32
  }
  func.func @transform_5(%arg0: i32) -> (i32, i32) {
    %c0_i32 = arith.constant 0 : i32
    %c0_i32_0 = arith.constant 0 : i32
    %c0_i32_1 = arith.constant 0 : i32
    return %c0_i32, %c0_i32_0 : i32, i32
  }
  func.func @transform_6(%arg0: i32) -> (i32, i32) {
    %c0_i32 = arith.constant 0 : i32
    %c0_i32_0 = arith.constant 0 : i32
    %c0_i32_1 = arith.constant 0 : i32
    return %c0_i32, %c0_i32_0 : i32, i32
  }
  func.func @transform_7(%arg0: i32) -> (i32, i32) {
    %c0_i32 = arith.constant 0 : i32
    %c0_i32_0 = arith.constant 0 : i32
    %c0_i32_1 = arith.constant 0 : i32
    return %c0_i32, %c0_i32_0 : i32, i32
  }
  func.func @transform_8(%arg0: i32) -> (i32, i32) {
    %c0_i32 = arith.constant 0 : i32
    %c0_i32_0 = arith.constant 0 : i32
    %c0_i32_1 = arith.constant 0 : i32
    return %c0_i32, %c0_i32_0 : i32, i32
  }
  func.func @transform_9(%arg0: i32) -> (i32, i32) {
    %c0_i32 = arith.constant 0 : i32
    %c0_i32_0 = arith.constant 0 : i32
    %c0_i32_1 = arith.constant 0 : i32
    return %c0_i32, %c0_i32_0 : i32, i32
  }
}

module attributes {stable_mosaic.version = 14 : i64} {
  func.func @_tc1_body(%arg0: i32, %arg1: memref<1x1x2920xi32, #tpu.memory_space<vmem>>, %arg2: memref<2920x128xf32, #tpu.memory_space<vmem>>, %arg3: memref<256x128xf32, #tpu.memory_space<vmem>>, %arg4: memref<1x256xf32, #tpu.memory_space<vmem>>) attributes {dimension_semantics = [#tpu.dimension_semantics<arbitrary>], iteration_bounds = array<i64: 16>, scalar_prefetch = 0 : i64, scratch_operands = 0 : i64, tpu.core_type = #tpu.core_type<tc>, window_params = [{transform_indices = @transform_0, window_bounds = array<i64: 1, 1, 2920>}, {transform_indices = @transform_1, window_bounds = array<i64: 2920, 128>}, {pipeline_mode = #tpu.pipeline_mode<synchronous>, transform_indices = @transform_2, window_bounds = array<i64: 256, 128>}, {pipeline_mode = #tpu.pipeline_mode<synchronous>, transform_indices = @transform_3, window_bounds = array<i64: 1, 256>}]} {
    %eq3A = arith.constant 0 : i32
    %eq3A_0 = arith.cmpi eq, %arg0, %eq3A : i32
    %convert_element_type3A = arith.extui %eq3A_0 : i1 to i32
    %cond3A = arith.constant 0 : i32
    %cond3A_1 = arith.cmpi ne, %convert_element_type3A, %cond3A : i32
    scf.if %cond3A_1 {
      %broadcast_in_dim3A_33 = arith.constant 0.000000e+00 : f32
      %broadcast_in_dim3A_34 = vector.broadcast %broadcast_in_dim3A_33 : f32 to vector<256x128xf32>
      %swap3A_35 = arith.constant 0 : index
      %swap3A_36 = arith.constant 0 : index
      %swap3A_37 = vector.load %arg3[%swap3A_35, %swap3A_36] : memref<256x128xf32, #tpu.memory_space<vmem>>, vector<256x128xf32>
      tpu.vector_store %arg3[%swap3A_35, %swap3A_36], %broadcast_in_dim3A_34 {strides = array<i32>} : memref<256x128xf32, #tpu.memory_space<vmem>>, vector<256x128xf32>,
      %broadcast_in_dim3A_38 = arith.constant 0.000000e+00 : f32
      %broadcast_in_dim3A_39 = vector.broadcast %broadcast_in_dim3A_38 : f32 to vector<1x256xf32>
      %swap3A_40 = arith.constant 0 : index
      %swap3A_41 = arith.constant 0 : index
      %swap3A_42 = vector.load %arg4[%swap3A_40, %swap3A_41] : memref<1x256xf32, #tpu.memory_space<vmem>>, vector<1x256xf32>
      tpu.vector_store %arg4[%swap3A_40, %swap3A_41], %broadcast_in_dim3A_39 {strides = array<i32>} : memref<1x256xf32, #tpu.memory_space<vmem>>, vector<1x256xf32>,
    } else {
    }
    %get3A = arith.constant 0 : index
    %get3A_2 = arith.constant 0 : index
    %get3A_3 = arith.constant 0 : index
    %get3A_4 = vector.load %arg1[%get3A, %get3A_2, %get3A_3] : memref<1x1x2920xi32, #tpu.memory_space<vmem>>, vector<1x1x2920xi32>
    %get3A_5 = vector.shape_cast %get3A_4 : vector<1x1x2920xi32> to vector<2920xi32>
    %iota3A = tpu.iota {dimensions = array<i32: 0>} : vector<256x2920xi32>
    %broadcast_in_dim3A = vector.shape_cast %get3A_5 : vector<2920xi32> to vector<1x2920xi32>
    %eq3A_6 = vector.broadcast %broadcast_in_dim3A : vector<1x2920xi32> to vector<256x2920xi32>
    %eq3A_7 = arith.cmpi eq, %eq3A_6, %iota3A : vector<256x2920xi32>
    %convert_element_type3A_8 = arith.extui %eq3A_7 : vector<256x2920xi1> to vector<256x2920xi32>
    %convert_element_type3A_9 = arith.sitofp %convert_element_type3A_8 : vector<256x2920xi32> to vector<256x2920xf32>
    %convert_element_type3A_10 = arith.truncf %convert_element_type3A_9 : vector<256x2920xf32> to vector<256x2920xbf16>
    %get3A_11 = arith.constant 0 : index
    %get3A_12 = arith.constant 0 : index
    %get3A_13 = vector.load %arg3[%get3A_11, %get3A_12] : memref<256x128xf32, #tpu.memory_space<vmem>>, vector<256x128xf32>
    %get3A_14 = arith.constant 0 : index
    %get3A_15 = arith.constant 0 : index
    %get3A_16 = vector.load %arg2[%get3A_14, %get3A_15] : memref<2920x128xf32, #tpu.memory_space<vmem>>, vector<2920x128xf32>
    %convert_element_type3A_17 = arith.truncf %get3A_16 : vector<2920x128xf32> to vector<2920x128xbf16>
    %dot_general3A = arith.constant dense<0.000000e+00> : vector<256x128xf32>
    %dot_general3A_18 = tpu.matmul %convert_element_type3A_10, %convert_element_type3A_17, %dot_general3A {dimension_numbers = #tpu.dot_dimension_numbers<[1], [0], [0], [1], [0, 0, 1, 1], [], []>, transpose_lhs_hint = false} : vector<256x2920xbf16>, vector<2920x128xbf16>, vector<256x128xf32> -> vector<256x128xf32>
    %add3A = arith.addf %get3A_13, %dot_general3A_18 : vector<256x128xf32>
    %swap3A = arith.constant 0 : index
    %swap3A_19 = arith.constant 0 : index
    %swap3A_20 = vector.load %arg3[%swap3A, %swap3A_19] : memref<256x128xf32, #tpu.memory_space<vmem>>, vector<256x128xf32>
    tpu.vector_store %arg3[%swap3A, %swap3A_19], %add3A {strides = array<i32>} : memref<256x128xf32, #tpu.memory_space<vmem>>, vector<256x128xf32>,
    %get3A_21 = arith.constant 0 : index
    %get3A_22 = arith.constant 0 : index
    %get3A_23 = vector.load %arg4[%get3A_21, %get3A_22] : memref<1x256xf32, #tpu.memory_space<vmem>>, vector<1x256xf32>
    %get3A_24 = vector.shape_cast %get3A_23 : vector<1x256xf32> to vector<256xf32>
    %convert_element_type3A_25 = arith.extf %convert_element_type3A_10 : vector<256x2920xbf16> to vector<256x2920xf32>
    %reduce_sum3A = arith.constant dense<0.000000e+00> : vector<256xf32>
    %reduce_sum3A_26 = vector.multi_reduction <add>, %convert_element_type3A_25, %reduce_sum3A [1] : vector<256x2920xf32> to vector<256xf32>
    %add3A_27 = arith.addf %get3A_24, %reduce_sum3A_26 : vector<256xf32>
    %swap3A_28 = arith.constant 0 : index
    %swap3A_29 = arith.constant 0 : index
    %swap3A_30 = vector.load %arg4[%swap3A_28, %swap3A_29] : memref<1x256xf32, #tpu.memory_space<vmem>>, vector<1x256xf32>
    %swap3A_31 = vector.shape_cast %swap3A_30 : vector<1x256xf32> to vector<256xf32>
    %swap3A_32 = vector.shape_cast %add3A_27 : vector<256xf32> to vector<1x256xf32>
    tpu.vector_store %arg4[%swap3A_28, %swap3A_29], %swap3A_32 {strides = array<i32>} : memref<1x256xf32, #tpu.memory_space<vmem>>, vector<1x256xf32>,
    return
  }
  func.func @transform_0(%arg0: i32) -> (i32, i32, i32) {
    %c0_i32 = arith.constant 0 : i32
    %c0_i32_0 = arith.constant 0 : i32
    %c0_i32_1 = arith.constant 0 : i32
    return %arg0, %c0_i32, %c0_i32_0 : i32, i32, i32
  }
  func.func @transform_1(%arg0: i32) -> (i32, i32) {
    %c0_i32 = arith.constant 0 : i32
    %c0_i32_0 = arith.constant 0 : i32
    return %arg0, %c0_i32 : i32, i32
  }
  func.func @transform_2(%arg0: i32) -> (i32, i32) {
    %c0_i32 = arith.constant 0 : i32
    %c0_i32_0 = arith.constant 0 : i32
    %c0_i32_1 = arith.constant 0 : i32
    return %c0_i32, %c0_i32_0 : i32, i32
  }
  func.func @transform_3(%arg0: i32) -> (i32, i32) {
    %c0_i32 = arith.constant 0 : i32
    %c0_i32_0 = arith.constant 0 : i32
    %c0_i32_1 = arith.constant 0 : i32
    return %c0_i32, %c0_i32_0 : i32, i32
  }
}

</mosaic_0001>

<sc_bundles>
// kernel: kernel.5.cloned.1.call-start
scs
__scs_entry_jumppad:
0x0: {  	(pc) =	sbr.rel $0x88, $3  }
0x1: {  	(tag) =	ssettag $0x0;
	lr =	simm.s32 $0x1  }
0x2: {  	[smem:$0x3F9C] =	sst lr;
	_ =	strace $0xD0000000  }
0x3: {  	_ = 	snop  }
0x4: {  	_ = 	snop  }
0x5: {  	_ = 	snop  }
0x6: {  	_ = 	snop  }
0x7: {  	_ = 	snop  }
__scs_overlays_trampoline_lowered:
0x8: {  	[smem:$0x3FAB] =	sst s0  }
0x9: {  	[smem:$0x3FAC] =	sst s1  }
0xa: {  	[smem:$0x3FAD] =	sst s2  }
0xb: {  	[smem:$0x3FAE] =	sst s3  }
0xc: {  	[smem:$0x3FAF] =	sst s4  }
0xd: {  	[smem:$0x3FB0] =	sst s5  }
0xe: {  	[smem:$0x3FB1] =	sst s6  }
0xf: {  	[smem:$0x3FB2] =	sst s7  }
0x10: {  	[smem:$0x3FB3] =	sst s8  }
0x11: {  	[smem:$0x3FB4] =	sst s9;
	s0 =	simm.s32 @!p0 $0x0  }
0x12: {  	s1 =	sld [smem:$0x3F9A];
	s0 =	simm.s32 @p0 $0x1  }
0x13: {  	[smem:$0x3FB5] =	sst s0;
	s0 =	simm.s32 @!p1 $0x0  }
0x14: {  	s2 =	sld [smem:$0x3F99];
	s0 =	simm.s32 @p1 $0x1  }
0x15: {  	[smem:$0x3FB6] =	sst s0;
	s0 =	simm.s32 @!p2 $0x0  }
0x16: {  	s3 =	sld [smem:$0x3FDB];
	s0 =	simm.s32 @p2 $0x1  }
0x17: {  	s4 =	simm.s32 $0x1BF5;
	[smem:$0x3FB8] =	sst s0  }
0x18: {  	s0 =	sld [smem:$0x3F9B];
	_ =	swait.ge [sflag:s4], $0x0  }
0x19: {  	s7 =	sld [smem:$0x3F9C]  }
0x1a: {  	s8 =	sadd.s32 $0xFFFFE003, lr  }
0x1b: {  	s9 =	sadd.s32 $0xFFFFFEF7, lr;
	s5 =	simm.s32 $0xFFFFFFFF;
	p2 =	slt.u32 s8, $0xFFFFF086  }
0x1c: {  	p1 =	slt.u32 s9, $0xF7A;
	s5 =	simm.s32 @!p2 $0x0  }
0x1d: {  	s5 =	simm.s32 @p1 $0x1;
	p0 =	seq.s32 s7, s2  }
0x1e: {  	s7 =	smul.u32 @!p0 $0xF7A, s2;
	p2 =	seq.s32 @!p0 s5, $0x0  }
0x1f: {  	s9 =	smul.u32 $0xF7A, s1;
	s8 =	simm.s32 @!p0 $0x1BF5;
	p2 =	por !p2, p0  }
0x20: {  	[sflag:s8] =	ssyncset.s32 @!p0 $0xFFFFF086;
	s6 =	sadd.s32 @!p0 s3, s7;
	s7 =	simm.s32 @!p0 $0x108  }
0x21: {  	s3 =	sadd.s32 s3, s9;
	s6 =	sadd.s32 @!p0 $0x88, s6;
	s7 =	simm.s32 @p2 $0x1082  }
0x22: {  	[simem:s7], [sflag:s8] =	dma.local @!p0 [hbm:s6], $0xF7A  }
0x23: {  	s9 =	sor.u32 $0xD0000000, s2;
	s6 =	simm.s32 $0x108;
	_ =	swait.ge @!p0 [sflag:s8], $0x0  }
0x24: {  	s3 =	sadd.s32 $0x88, s3;
	s6 =	simm.s32 @!p1 $0x1082;
	[sflag:s4] =	ssyncset.s32 $0xFFFFF086  }
0x25: {  	[simem:s6], [sflag:s4] =	dma.local [hbm:s3], $0xF7A  }
0x26: {  	[smem:$0x3F9C] =	sst s1;
	(tag) =	ssettag s2;
	_ =	strace s9  }
0x27: {  	s1 =	sld [smem:$0x3FAC]  }
0x28: {  	s2 =	sld [smem:$0x3FAD]  }
0x29: {  	s4 =	sld [smem:$0x3FAF]  }
0x2a: {  	p0 =	seq.s32 s5, $0x0;
	s5 =	sld [smem:$0x3FB0]  }
0x2b: {  	s6 =	sld [smem:$0x3FB1]  }
0x2c: {  	s7 =	sld [smem:$0x3FB2]  }
0x2d: {  	s3 =	simm.s32 $0x108;
	s8 =	sld [smem:$0x3FB3]  }
0x2e: {  	s3 =	simm.s32 @!p0 $0x1082;
	s9 =	sld [smem:$0x3FB4]  }
0x2f: {  	lr =	sadd.s32 s0, s3;
	s0 =	sld [smem:$0x3FAB]  }
0x30: {  	s3 =	sld [smem:$0x3FAE]  }
0x31: {  	[smem:$0x3FB7] =	sst s10  }
0x32: {  	s10 =	sld [smem:$0x3FB5];
	_ =	sdelay $0x3  }
0x33: {  	p0 =	seq.s32 s10, $0x1;
	s10 =	sld [smem:$0x3FB7];
	_ =	sdelay $0x3  }
0x34: {  	[smem:$0x3FB7] =	sst s10  }
0x35: {  	s10 =	sld [smem:$0x3FB6];
	_ =	sdelay $0x3  }
0x36: {  	p1 =	seq.s32 s10, $0x1;
	s10 =	sld [smem:$0x3FB7];
	_ =	sdelay $0x3  }
0x37: {  	[smem:$0x3FB7] =	sst s10  }
0x38: {  	s10 =	sld [smem:$0x3FB8]  }
0x39: {  	_ = 	snop;
	(pc) =	sbr.ind lr, $3  }
0x3a: {  	_ = 	snop  }
0x3b: {  	_ = 	snop  }
0x3c: {  	p2 =	seq.s32 s10, $0x1;
	s10 =	sld [smem:$0x3FB7]  }
0x3d: {  	_ =	shalt  }
0x3e: {  	_ =	shalt  }
0x3f: {  	_ =	shalt  }
0x40: {  	_ =	shalt  }
0x41: {  	_ =	shalt  }
0x42: {  	_ =	shalt  }
0x43: {  	_ =	shalt  }
0x44: {  	_ =	shalt  }
0x45: {  	_ =	shalt  }
0x46: {  	_ =	shalt  }
0x47: {  	_ =	shalt  }
0x48: {  	_ =	shalt  }
0x49: {  	_ =	shalt  }
0x4a: {  	_ =	shalt  }
0x4b: {  	_ =	shalt  }
0x4c: {  	_ =	shalt  }
0x4d: {  	_ =	shalt  }
0x4e: {  	_ =	shalt  }
0x4f: {  	_ =	shalt  }
0x50: {  	_ =	shalt  }
0x51: {  	_ =	shalt  }
0x52: {  	_ =	shalt  }
0x53: {  	_ =	shalt  }
0x54: {  	_ =	shalt  }
0x55: {  	_ =	shalt  }
0x56: {  	_ =	shalt  }
0x57: {  	_ =	shalt  }
0x58: {  	_ =	shalt  }
0x59: {  	_ =	shalt  }
0x5a: {  	_ =	shalt  }
0x5b: {  	_ =	shalt  }
0x5c: {  	_ =	shalt  }
0x5d: {  	_ =	shalt  }
0x5e: {  	_ =	shalt  }
0x5f: {  	_ =	shalt  }
0x60: {  	_ =	shalt  }
0x61: {  	_ =	shalt  }
0x62: {  	_ =	shalt  }
0x63: {  	_ =	shalt  }
0x64: {  	_ =	shalt  }
0x65: {  	_ =	shalt  }
0x66: {  	_ =	shalt  }
0x67: {  	_ =	shalt  }
0x68: {  	_ =	shalt  }
0x69: {  	_ =	shalt  }
0x6a: {  	_ =	shalt  }
0x6b: {  	_ =	shalt  }
0x6c: {  	_ =	shalt  }
0x6d: {  	_ =	shalt  }
0x6e: {  	_ =	shalt  }
0x6f: {  	_ =	shalt  }
0x70: {  	_ =	shalt  }
0x71: {  	_ =	shalt  }
0x72: {  	_ =	shalt  }
0x73: {  	_ =	shalt  }
0x74: {  	_ =	shalt  }
0x75: {  	_ =	shalt  }
0x76: {  	_ =	shalt  }
0x77: {  	_ =	shalt  }
0x78: {  	_ =	shalt  }
0x79: {  	_ =	shalt  }
0x7a: {  	_ =	shalt  }
0x7b: {  	_ =	shalt  }
0x7c: {  	_ =	shalt  }
0x7d: {  	_ =	shalt  }
0x7e: {  	_ =	shalt  }
0x7f: {  	_ =	shalt  }
0x80: {  	_ =	shalt  }
0x81: {  	_ =	shalt  }
0x82: {  	_ =	shalt  }
0x83: {  	_ =	shalt  }
0x84: {  	_ =	shalt  }
0x85: {  	_ =	shalt  }
0x86: {  	_ =	shalt  }
0x87: {  	_ =	shalt  }
.Lfunc_end0:
.L_simem_size_0:
called_computation_lowered:
.L_overlay_start_0:
0x88: {  	s2 =	sld [smem:$0x3FD9]  }
0x89: {  	s3 =	sld [smem:$0x3FFE];
	_ =	sdelay $0x1  }
0x8a: {  	s1 =	srdreg.scid  }
0x8b: {  	s0 =	sand.u32 $0x1, s1  }
0x8c: {  	s17 =	sshll.u32 s0, $0xA;
	s2 =	sadd.s32 s3, s2  }
0x8d: {  	s2 =	sadd.s32 s2, s17  }
0x8e: {  	[smem:$0x3FC3] =	sst s2  }
0x8f: {  	_ = 	snop  }
0x90: {  	s2 =	sld [smem:$0x3FC9]  }
0x91: {  	s18 =	sld [smem:$0x3FD0];
	(tm) =	ssettm $0x1  }
0x92: {  	s4 =	sld [smem:$0x3FFB];
	_ =	sdelay $0x3  }
0x93: {  	_ =	strace s4  }
0x94: {  	s4 =	sld [smem:$0x3FFC];
	_ =	sdelay $0x3  }
0x95: {  	_ =	strace s4  }
0x96: {  	s4 =	sld [smem:$0x3FFD];
	_ =	sdelay $0x3  }
0x97: {  	_ =	strace s4  }
0x98: {  	_ =	strace $0x8FFFFFFF  }
0x99: {  	s19 =	sld [smem:$0x3FDB];
	_ =	sdelay $0x1  }
0x9a: {  	s5 =	simm.s32 $_scs_section_size  }
0x9b: {  	s6 =	simm.s32 $_size__tile_overlayer_lowered;
	s7 =	simm.s32 $_tile_overlayer_lowered  }
0x9c: {  	s22 =	simm.s32 $0x1BFF;
	s21 =	sshll.u32 s7, $0x1;
	s4 =	sadd.s32 s5, s19  }
0x9d: {  	s8 =	simm.s32 $0x0;
	s20 =	sshll.u32 s6, $0x1;
	s6 =	sadd.s32 s21, s4  }
0x9e: {  	[timem:s8], [sflag:s22] =	dma.local [hbm:s6], s20  }
0x9f: {  	_ =	swait.ge [sflag:s22], s20  }
0xa0: {  	s5 =	ssub.s32 $0x0, s20;
	[sflag:s22] =	ssyncset.done $0x0  }
0xa1: {  	[sflag:s22] =	ssyncadd.s32 s5;
	_ =	sdelay $0x1  }
0xa2: {  	s23 =	simm.s32 $0x1B8B  }
0xa3: {  	_ =	swait.ge [sflag:s23], $0x1  }
0xa4: {  	[sflag:s23] =	ssyncset.done $0x0  }
0xa5: {  	s25 =	simm.s32 $0x1B8E;
	s24 =	sld [smem:$0x3FFE];
	[sflag:s23] =	ssyncadd.s32 $0xFFFFFFFF  }
0xa6: {  	s26 =	simm.s32 $execute0_lowered;
	[smem:$0x3FD2] =	sst s25  }
0xa7: {  	s6 =	sshll.u32 s26, $0x1;
	_ =	strace $0x80000046;
	[dreg:$0x1] =	wrdreg $0xFFFFFFFF  }
0xa8: {  	s28 =	simm.s32 $_size_execute0_lowered;
	s4 =	sadd.s32 s4, s6;
	[dreg:$0x0] =	wrdreg $0x0  }
0xa9: {  	s6 =	sshll.u32 s28, $0x1;
	[dreg:$0x2] =	wrdreg s4  }
0xaa: {  	[dreg:$0x3] =	wrdreg s6  }
0xab: {  	[dreg:$0x4] =	wrdreg $0xC0  }
0xac: {  	_ =	task [dreg:s8], $0x5FFFF  }
0xad: {  	[dreg:$0x1] =	wrdreg $0xFFFFFFFF  }
0xae: {  	[dreg:$0x0] =	wrdreg $0x60  }
0xaf: {  	[dreg:$0x2] =	wrdreg s2  }
0xb0: {  	[dreg:$0x3] =	wrdreg s24  }
0xb1: {  	[dreg:$0x4] =	wrdreg s18  }
0xb2: {  	[dreg:$0x5] =	wrdreg $0x110000  }
0xb3: {  	[dreg:$0x6] =	wrdreg $0x118000  }
0xb4: {  	[dreg:$0x7] =	wrdreg $0x9  }
0xb5: {  	_ =	task.clear_ibuf [dreg:s8], $0x8FFFF;
	_ =	strace $0x90000046  }
0xb6: {  	s29 =	simm.s32 $0x9;
	_ =	strace $0x80000048  }
0xb7: {  	_ =	swait.ge [sflag:s29], $0x1  }
0xb8: {  	[sflag:s29] =	ssyncadd.s32 $0xFFFFFFFF  }
0xb9: {  	_ =	strace $0x90000048  }
0xba: {  	_ =	sfence  }
0xbb: {  	s30 =	sld [smem:$0x0];
	_ =	sdelay $0x2  }
0xbc: {  	s31 =	sshll.u32 s1, $0xD;
	s1 =	sshrl.u32 s1, $0x2  }
0xbd: {  	s3 =	sand.u32 $0x4000, s31;
	s1 =	sadd.s32 s1, s30  }
0xbe: {  	s0 =	sor.u32 s3, s0;
	s1 =	sshll.u32 s1, $0x11  }
0xbf: {  	s0 =	sor.u32 s1, s0  }
0xc0: {  	s0 =	sadd.s32 $0x8F2B, s0  }
0xc1: {  	[sflag:s0] =	ssyncadd.remote.s32 $0x1  }
0xc2: {  	_ =	sfence.sel $0xFFFF  }
0xc3: {  	[dreg:$0x0] =	wrdreg $0xFFFFFFFF;
	(pc) =	sbr.abs _section_cstart, $3  }
0xc4: {  	[dreg:$0x1] =	wrdreg $0xFFFFFFFF  }
0xc5: {  	_ =	task.clear_ibuf [dreg:s8], $0x2FFFF;
	_ =	strace $0x9FFFFFFF  }
0xc6: {  	(tm) =	ssettm $0x7FFFFFFF  }
0xc7: {  	_ =	shalt  }
tec
execute0_lowered:
.L_overlay_start_1:
0x0: {  	(tag) =	ssettag $0x1  }
0x1: {  	s5 =	rddreg [dreg:$0x0]  }
0x2: {  	s6 =	rddreg [dreg:$0x1]  }
0x3: {  	s7 =	rddreg [dreg:$0x2]  }
0x4: {  	s1 =	srdreg.scid;
	s2 =	rddreg [dreg:$0x3]  }
0x5: {  	s0 =	stileid.u32;
	s3 =	rddreg [dreg:$0x4]  }
0x6: {  	s4 =	simm.s32 $0x0;
	s8 =	sand.u32 $0x1, s1;
	s26 =	sshll.u32 s0, $0x1  }
0x7: {  	[smem:$0x7FF] =	sst s4;
	s9 =	sor.u32 s8, s26  }
0x8: {  	s11 =	sadd.s32 $0x3600, s6;
	s31 =	sadd.s32 $0x3400, s6;
	s10 =	smul.u32 $0xD0, s9  }
0x9: {  	_ =	strace $0x80000047;
	[dreg:$0x6] =	wrdreg s11;
	s9 =	smul.u32 $0x34000, s9  }
0xa: {  	[dreg:$0x7] =	wrdreg s31  }
0xb: {  	s31 =	simm.s32 $0x10700;
	s10 =	sadd.s32 s10, s6;
	s9 =	sshrl.u32 s9, $0x3  }
0xc: {  	[dreg:$0x18] =	wrdreg s31;
	s10 =	sadd.s32 $0x1A00, s10;
	s5 =	sadd.s32 s5, s9  }
0xd: {  	[dreg:$0x8] =	wrdreg s10;
	s9 =	sadd.s32 $0xB6800, s5  }
0xe: {  	s28 =	simm.s32 $0x10500;
	s1 =	sadd.s32 $0xB7000, s5;
	[dreg:$0x9] =	wrdreg s9  }
0xf: {  	s29 =	simm.s32 $0x10580;
	s10 =	sadd.s32 $0xB7800, s5;
	[dreg:$0xa] =	wrdreg s1  }
0x10: {  	s30 =	simm.s32 $0x10600;
	s11 =	sadd.s32 $0xB8000, s5;
	[dreg:$0xb] =	wrdreg s10  }
0x11: {  	s15 =	sshll.u32 s0, $0x8;
	s12 =	sadd.s32 $0xB8800, s5;
	[dreg:$0xc] =	wrdreg s11  }
0x12: {  	s25 =	sshll.u32 s0, $0xB;
	s13 =	sadd.s32 $0xB9000, s5;
	[dreg:$0xd] =	wrdreg s12  }
0x13: {  	p0 =	sne.s32 s0, $0x0;
	s14 =	sadd.s32 $0xB9800, s5;
	[dreg:$0xe] =	wrdreg s13  }
0x14: {  	s18 =	ssub.s32 $0x2, s8;
	s16 =	sadd.s32 $0xBA000, s5;
	[dreg:$0xf] =	wrdreg s14  }
0x15: {  	s24 =	sshll.u32 s8, $0x4;
	s17 =	sadd.s32 $0xBA800, s5;
	[dreg:$0x10] =	wrdreg s16  }
0x16: {  	s20 =	sshrl.u32 s18, $0x1;
	s19 =	sadd.s32 $0xBB000, s5;
	[dreg:$0x11] =	wrdreg s17  }
0x17: {  	s26 =	ssub.s32 s18, s20;
	s21 =	sadd.s32 $0xBB800, s5;
	[dreg:$0x12] =	wrdreg s19  }
0x18: {  	s18 =	simm.s32 $0x3;
	s22 =	sadd.s32 $0xBC000, s5;
	[dreg:$0x13] =	wrdreg s21  }
0x19: {  	s6 =	sadd.s32 s15, s6;
	s5 =	sadd.s32 $0xBC800, s5;
	[dreg:$0x14] =	wrdreg s22  }
0x1a: {  	s12 =	sshll.u32 s8, $0xC;
	[dreg:$0x15] =	wrdreg s5;
	s5 =	sadd.s32 s25, s2  }
0x1b: {  	s8 =	simm.s32 $0x10680;
	s9 =	simm.s32 $0x5;
	s10 =	simm.s32 $0x2  }
0x1c: {  	s11 =	simm.s32 $0x4000;
	s13 =	simm.s32 $0x80;
	s14 =	simm.s32 $0x8000  }
0x1d: {  	s16 =	simm.s32 $0xC000;
	s19 =	simm.s32 $0x4;
	s6 =	sadd.s32 s12, s6  }
0x1e: {  	s22 =	simm.s32 $0x10280;
	s25 =	simm.s32 $0x10400;
	s23 =	sadd.s32 $0x3800, s6  }
0x1f: {  	s12 =	simm.s32 $0x1;
	s6 =	sadd.s32 s7, s24;
	[dreg:$0x16] =	wrdreg s23  }
0x20: {  	s7 =	simm.s32 $0x10000;
	s24 =	simm.s32 $0x10380;
	[dreg:$0x17] =	wrdreg s6  }
0x21: {  	v0 =	vimm.f32 $0.0e+00;
	s6 =	smax.u32 s26, $0x1;
	s23 =	simm.s32 $0x10300;
	s26 =	simm.s32 $0x10480  }
.LBB2_1:
0x22: {  	s31 =	rddreg [dreg:$0x8]  }
0x23: {  	[tilespmem:s7], [sflag:$0x2] =	stream.linear.gather [hbm4b:s31+s4], $0x680, $0x38;
	[tilespmem:$0x11810] =	vst v63  }
0x24: {  	s1 =	rddreg [dreg:$0x6]  }
0x25: {  	[tilespmem:s8], [sflag:$0x5] =	stream.linear.gather [hbm4b:s1+s4], $0x80, $0x38;
	[tilespmem:$0x11810] =	vst v63  }
0x26: {  	_ =	swait.ge [sflag:s9], $0x80  }
0x27: {  	[sflag:s9] =	ssyncset.done $0x0  }
0x28: {  	[sflag:s9] =	ssyncadd.s32 $0xFFFFFF80  }
0x29: {  	[tilespmem:$0x10700] =	vst v0  }
0x2a: {  	[tilespmem:$0x10710] =	vst v0  }
0x2b: {  	[tilespmem:$0x10720] =	vst v0  }
0x2c: {  	[tilespmem:$0x10730] =	vst v0  }
0x2d: {  	[tilespmem:$0x10740] =	vst v0  }
0x2e: {  	[tilespmem:$0x10750] =	vst v0  }
0x2f: {  	[tilespmem:$0x10760] =	vst v0  }
0x30: {  	[tilespmem:$0x10770] =	vst v0  }
0x31: {  	[tilespmem:$0x10780] =	vst v0  }
0x32: {  	[tilespmem:$0x10790] =	vst v0  }
0x33: {  	[tilespmem:$0x107A0] =	vst v0  }
0x34: {  	[tilespmem:$0x107B0] =	vst v0  }
0x35: {  	[tilespmem:$0x107C0] =	vst v0  }
0x36: {  	[tilespmem:$0x107D0] =	vst v0  }
0x37: {  	[tilespmem:$0x107E0] =	vst v0  }
0x38: {  	[tilespmem:$0x107F0] =	vst v0  }
0x39: {  	[tilespmem:$0x10800] =	vst v0  }
0x3a: {  	[tilespmem:$0x10810] =	vst v0  }
0x3b: {  	[tilespmem:$0x10820] =	vst v0  }
0x3c: {  	[tilespmem:$0x10830] =	vst v0  }
0x3d: {  	[tilespmem:$0x10840] =	vst v0  }
0x3e: {  	[tilespmem:$0x10850] =	vst v0  }
0x3f: {  	[tilespmem:$0x10860] =	vst v0  }
0x40: {  	[tilespmem:$0x10870] =	vst v0  }
0x41: {  	[tilespmem:$0x10880] =	vst v0  }
0x42: {  	[tilespmem:$0x10890] =	vst v0  }
0x43: {  	[tilespmem:$0x108A0] =	vst v0  }
0x44: {  	[tilespmem:$0x108B0] =	vst v0  }
0x45: {  	[tilespmem:$0x108C0] =	vst v0  }
0x46: {  	[tilespmem:$0x108D0] =	vst v0  }
0x47: {  	[tilespmem:$0x108E0] =	vst v0  }
0x48: {  	[tilespmem:$0x108F0] =	vst v0  }
0x49: {  	[tilespmem:$0x10900] =	vst v0  }
0x4a: {  	[tilespmem:$0x10910] =	vst v0  }
0x4b: {  	[tilespmem:$0x10920] =	vst v0  }
0x4c: {  	[tilespmem:$0x10930] =	vst v0  }
0x4d: {  	[tilespmem:$0x10940] =	vst v0  }
0x4e: {  	[tilespmem:$0x10950] =	vst v0  }
0x4f: {  	[tilespmem:$0x10960] =	vst v0  }
0x50: {  	[tilespmem:$0x10970] =	vst v0  }
0x51: {  	[tilespmem:$0x10980] =	vst v0  }
0x52: {  	[tilespmem:$0x10990] =	vst v0  }
0x53: {  	[tilespmem:$0x109A0] =	vst v0  }
0x54: {  	[tilespmem:$0x109B0] =	vst v0  }
0x55: {  	[tilespmem:$0x109C0] =	vst v0  }
0x56: {  	[tilespmem:$0x109D0] =	vst v0  }
0x57: {  	[tilespmem:$0x109E0] =	vst v0  }
0x58: {  	[tilespmem:$0x109F0] =	vst v0  }
0x59: {  	[tilespmem:$0x10A00] =	vst v0  }
0x5a: {  	[tilespmem:$0x10A10] =	vst v0  }
0x5b: {  	[tilespmem:$0x10A20] =	vst v0  }
0x5c: {  	[tilespmem:$0x10A30] =	vst v0  }
0x5d: {  	[tilespmem:$0x10A40] =	vst v0  }
0x5e: {  	[tilespmem:$0x10A50] =	vst v0  }
0x5f: {  	[tilespmem:$0x10A60] =	vst v0  }
0x60: {  	[tilespmem:$0x10A70] =	vst v0  }
0x61: {  	[tilespmem:$0x10A80] =	vst v0  }
0x62: {  	[tilespmem:$0x10A90] =	vst v0  }
0x63: {  	[tilespmem:$0x10AA0] =	vst v0  }
0x64: {  	[tilespmem:$0x10AB0] =	vst v0  }
0x65: {  	[tilespmem:$0x10AC0] =	vst v0  }
0x66: {  	[tilespmem:$0x10AD0] =	vst v0  }
0x67: {  	[tilespmem:$0x10AE0] =	vst v0  }
0x68: {  	[tilespmem:$0x10AF0] =	vst v0  }
0x69: {  	[tilespmem:$0x10B00] =	vst v0  }
0x6a: {  	[tilespmem:$0x10B10] =	vst v0  }
0x6b: {  	[tilespmem:$0x10B20] =	vst v0  }
0x6c: {  	[tilespmem:$0x10B30] =	vst v0  }
0x6d: {  	[tilespmem:$0x10B40] =	vst v0  }
0x6e: {  	[tilespmem:$0x10B50] =	vst v0  }
0x6f: {  	[tilespmem:$0x10B60] =	vst v0  }
0x70: {  	[tilespmem:$0x10B70] =	vst v0  }
0x71: {  	[tilespmem:$0x10B80] =	vst v0  }
0x72: {  	[tilespmem:$0x10B90] =	vst v0  }
0x73: {  	[tilespmem:$0x10BA0] =	vst v0  }
0x74: {  	[tilespmem:$0x10BB0] =	vst v0  }
0x75: {  	[tilespmem:$0x10BC0] =	vst v0  }
0x76: {  	[tilespmem:$0x10BD0] =	vst v0  }
0x77: {  	[tilespmem:$0x10BE0] =	vst v0  }
0x78: {  	[tilespmem:$0x10BF0] =	vst v0  }
0x79: {  	[tilespmem:$0x10C00] =	vst v0  }
0x7a: {  	[tilespmem:$0x10C10] =	vst v0  }
0x7b: {  	[tilespmem:$0x10C20] =	vst v0  }
0x7c: {  	[tilespmem:$0x10C30] =	vst v0  }
0x7d: {  	[tilespmem:$0x10C40] =	vst v0  }
0x7e: {  	[tilespmem:$0x10C50] =	vst v0  }
0x7f: {  	[tilespmem:$0x10C60] =	vst v0  }
0x80: {  	[tilespmem:$0x10C70] =	vst v0  }
0x81: {  	[tilespmem:$0x10C80] =	vst v0  }
0x82: {  	[tilespmem:$0x10C90] =	vst v0  }
0x83: {  	[tilespmem:$0x10CA0] =	vst v0  }
0x84: {  	[tilespmem:$0x10CB0] =	vst v0  }
0x85: {  	[tilespmem:$0x10CC0] =	vst v0  }
0x86: {  	[tilespmem:$0x10CD0] =	vst v0  }
0x87: {  	[tilespmem:$0x10CE0] =	vst v0  }
0x88: {  	[tilespmem:$0x10CF0] =	vst v0  }
0x89: {  	[tilespmem:$0x10D00] =	vst v0  }
0x8a: {  	[tilespmem:$0x10D10] =	vst v0  }
0x8b: {  	[tilespmem:$0x10D20] =	vst v0  }
0x8c: {  	[tilespmem:$0x10D30] =	vst v0  }
0x8d: {  	[tilespmem:$0x10D40] =	vst v0  }
0x8e: {  	[tilespmem:$0x10D50] =	vst v0  }
0x8f: {  	[tilespmem:$0x10D60] =	vst v0  }
0x90: {  	[tilespmem:$0x10D70] =	vst v0  }
0x91: {  	[tilespmem:$0x10D80] =	vst v0  }
0x92: {  	[tilespmem:$0x10D90] =	vst v0  }
0x93: {  	[tilespmem:$0x10DA0] =	vst v0  }
0x94: {  	[tilespmem:$0x10DB0] =	vst v0  }
0x95: {  	[tilespmem:$0x10DC0] =	vst v0  }
0x96: {  	[tilespmem:$0x10DD0] =	vst v0  }
0x97: {  	[tilespmem:$0x10DE0] =	vst v0  }
0x98: {  	[tilespmem:$0x10DF0] =	vst v0  }
0x99: {  	[tilespmem:$0x10E00] =	vst v0  }
0x9a: {  	[tilespmem:$0x10E10] =	vst v0  }
0x9b: {  	[tilespmem:$0x10E20] =	vst v0  }
0x9c: {  	[tilespmem:$0x10E30] =	vst v0  }
0x9d: {  	[tilespmem:$0x10E40] =	vst v0  }
0x9e: {  	[tilespmem:$0x10E50] =	vst v0  }
0x9f: {  	[tilespmem:$0x10E60] =	vst v0  }
0xa0: {  	[tilespmem:$0x10E70] =	vst v0  }
0xa1: {  	[tilespmem:$0x10E80] =	vst v0  }
0xa2: {  	[tilespmem:$0x10E90] =	vst v0  }
0xa3: {  	[tilespmem:$0x10EA0] =	vst v0  }
0xa4: {  	[tilespmem:$0x10EB0] =	vst v0  }
0xa5: {  	[tilespmem:$0x10EC0] =	vst v0  }
0xa6: {  	[tilespmem:$0x10ED0] =	vst v0  }
0xa7: {  	[tilespmem:$0x10EE0] =	vst v0  }
0xa8: {  	s0 =	rddreg [dreg:$0x18];
	[tilespmem:$0x10EF0] =	vst v0  }
0xa9: {  	[spmem:s5] =	stream.linear.scatter [tilespmem:s0], [sflag:$0x5], $0x800, $0x38;
	[tilespmem:$0x11810] =	vst v63  }
0xaa: {  	_ =	swait.ge [sflag:s9], $0x800  }
0xab: {  	s31 =	simm.s32 @!p0 $0x0;
	[sflag:s9] =	ssyncset.done $0x0  }
0xac: {  	s0 =	simm.s32 @!p0 $0x10F00;
	s1 =	rddreg [dreg:$0x7];
	[sflag:s9] =	ssyncadd.s32 $0xFFFFF800  }
0xad: {  	[tilespmem:s0], [sflag:$0x5] =	stream.linear.gather @!p0 [hbm4b:s1+s31], $0x100, $0x38;
	[tilespmem:$0x11810] =	vst v63  }
0xae: {  	s31 =	simm.s32 @!p0 $0x5  }
0xaf: {  	_ =	swait.ge @!p0 [sflag:s31], $0x100  }
0xb0: {  	[sflag:s31] =	ssyncset.done @!p0 $0x0  }
0xb1: {  	[sflag:s31] =	ssyncadd.s32 @!p0 $0xFFFFFF00  }
0xb2: {  	[spmem:s3] =	stream.linear.scatter @!p0 [tilespmem:s0], [sflag:$0x5], $0x100, $0x38;
	[tilespmem:$0x11810] =	vst v63  }
0xb3: {  	_ =	swait.ge @!p0 [sflag:s31], $0x100  }
0xb4: {  	[sflag:s31] =	ssyncset.done @!p0 $0x0  }
0xb5: {  	[sflag:s31] =	ssyncadd.s32 @!p0 $0xFFFFFF00  }
0xb6: {  	_ =	swait.ge [sflag:s10], $0x680  }
0xb7: {  	[sflag:s10] =	ssyncset.done $0x0  }
0xb8: {  	[sflag:s10] =	ssyncadd.s32 $0xFFFFF980  }
0xb9: {  	[bflag:$0x0] =	sbarrier.arrive $0xFFFF  }
0xba: {  	s1 =	rddreg [dreg:$0x9]  }
0xbb: {  	[tilespmem:s4], [sflag:$0x1] =	stream.linear.gather [hbm4b:s1+s4], $0x4000, $0x38;
	[tilespmem:$0x11810] =	vst v63  }
0xbc: {  	s15 =	rddreg [dreg:$0xa]  }
0xbd: {  	[tilespmem:s11], [sflag:$0x1] =	stream.linear.gather [hbm4b:s15+s4], $0x4000, $0x38;
	[tilespmem:$0x11810] =	vst v63  }
0xbe: {  	_ =	swait.ge [sflag:s12], $0x4000  }
0xbf: {  	[sflag:s12] =	ssyncset.done $0x0  }
0xc0: {  	[sflag:s12] =	ssyncadd.s32 $0xFFFFC000  }
0xc1: {  	[spmem:s2] =	stream.indirect.scatter.add.f32 [tilespmem:s4], [sflag:$0x3], $0x80, s7, s13, $0xb8;
	[tilespmem:$0x11810] =	vst v63  }
0xc2: {  	_ = 	snop  }
0xc3: {  	[spmem:s3] =	stream.indirect.scatter.add.f32 [tilespmem:s8], [sflag:$0x4], $0x1, s7, s13, $0xb8;
	[tilespmem:$0x11810] =	vst v63  }
0xc4: {  	s17 =	rddreg [dreg:$0xb]  }
0xc5: {  	[tilespmem:s14], [sflag:$0x1] =	stream.linear.gather [hbm4b:s17+s4], $0x4000, $0x38;
	[tilespmem:$0x11810] =	vst v63  }
0xc6: {  	_ =	swait.ge [sflag:s12], $0x4000  }
0xc7: {  	[sflag:s12] =	ssyncset.done $0x0  }
0xc8: {  	s20 =	simm.s32 $0x10080;
	[sflag:s12] =	ssyncadd.s32 $0xFFFFC000  }
0xc9: {  	[spmem:s2] =	stream.indirect.scatter.add.f32 [tilespmem:s11], [sflag:$0x3], $0x80, s20, s13, $0xb8;
	[tilespmem:$0x11810] =	vst v63  }
0xca: {  	_ = 	snop  }
0xcb: {  	[spmem:s3] =	stream.indirect.scatter.add.f32 [tilespmem:s8], [sflag:$0x4], $0x1, s20, s13, $0xb8;
	[tilespmem:$0x11810] =	vst v63  }
0xcc: {  	s21 =	rddreg [dreg:$0xc]  }
0xcd: {  	[tilespmem:s16], [sflag:$0x1] =	stream.linear.gather [hbm4b:s21+s4], $0x4000, $0x38;
	[tilespmem:$0x11810] =	vst v63  }
0xce: {  	_ =	swait.ge [sflag:s12], $0x4000  }
0xcf: {  	[sflag:s12] =	ssyncset.done $0x0  }
0xd0: {  	s15 =	simm.s32 $0x10100;
	[sflag:s12] =	ssyncadd.s32 $0xFFFFC000  }
0xd1: {  	[spmem:s2] =	stream.indirect.scatter.add.f32 [tilespmem:s14], [sflag:$0x3], $0x80, s15, s13, $0xb8;
	[tilespmem:$0x11810] =	vst v63  }
0xd2: {  	_ = 	snop  }
0xd3: {  	[spmem:s3] =	stream.indirect.scatter.add.f32 [tilespmem:s8], [sflag:$0x4], $0x1, s15, s13, $0xb8;
	[tilespmem:$0x11810] =	vst v63  }
0xd4: {  	_ =	swait.ge [sflag:s18], $0x4000  }
0xd5: {  	[sflag:s18] =	ssyncset.done $0x0  }
0xd6: {  	[sflag:s18] =	ssyncadd.s32 $0xFFFFC000  }
0xd7: {  	_ =	swait.ge [sflag:s19], $0x80  }
0xd8: {  	[sflag:s19] =	ssyncset.done $0x0  }
0xd9: {  	s17 =	rddreg [dreg:$0xd];
	[sflag:s19] =	ssyncadd.s32 $0xFFFFFF80  }
0xda: {  	[tilespmem:s4], [sflag:$0x1] =	stream.linear.gather [hbm4b:s17+s4], $0x4000, $0x38;
	[tilespmem:$0x11810] =	vst v63  }
0xdb: {  	_ =	swait.ge [sflag:s12], $0x4000  }
0xdc: {  	[sflag:s12] =	ssyncset.done $0x0  }
0xdd: {  	s20 =	simm.s32 $0x10180;
	[sflag:s12] =	ssyncadd.s32 $0xFFFFC000  }
0xde: {  	[spmem:s2] =	stream.indirect.scatter.add.f32 [tilespmem:s16], [sflag:$0x3], $0x80, s20, s13, $0xb8;
	[tilespmem:$0x11810] =	vst v63  }
0xdf: {  	_ = 	snop  }
0xe0: {  	[spmem:s3] =	stream.indirect.scatter.add.f32 [tilespmem:s8], [sflag:$0x4], $0x1, s20, s13, $0xb8;
	[tilespmem:$0x11810] =	vst v63  }
0xe1: {  	_ =	swait.ge [sflag:s18], $0x4000  }
0xe2: {  	[sflag:s18] =	ssyncset.done $0x0  }
0xe3: {  	[sflag:s18] =	ssyncadd.s32 $0xFFFFC000  }
0xe4: {  	_ =	swait.ge [sflag:s19], $0x80  }
0xe5: {  	[sflag:s19] =	ssyncset.done $0x0  }
0xe6: {  	s21 =	rddreg [dreg:$0xe];
	[sflag:s19] =	ssyncadd.s32 $0xFFFFFF80  }
0xe7: {  	[tilespmem:s11], [sflag:$0x1] =	stream.linear.gather [hbm4b:s21+s4], $0x4000, $0x38;
	[tilespmem:$0x11810] =	vst v63  }
0xe8: {  	_ =	swait.ge [sflag:s12], $0x4000  }
0xe9: {  	[sflag:s12] =	ssyncset.done $0x0  }
0xea: {  	s1 =	simm.s32 $0x10200;
	[sflag:s12] =	ssyncadd.s32 $0xFFFFC000  }
0xeb: {  	[spmem:s2] =	stream.indirect.scatter.add.f32 [tilespmem:s4], [sflag:$0x3], $0x80, s1, s13, $0xb8;
	[tilespmem:$0x11810] =	vst v63  }
0xec: {  	_ = 	snop  }
0xed: {  	[spmem:s3] =	stream.indirect.scatter.add.f32 [tilespmem:s8], [sflag:$0x4], $0x1, s1, s13, $0xb8;
	[tilespmem:$0x11810] =	vst v63  }
0xee: {  	_ =	swait.ge [sflag:s18], $0x4000  }
0xef: {  	[sflag:s18] =	ssyncset.done $0x0  }
0xf0: {  	[sflag:s18] =	ssyncadd.s32 $0xFFFFC000  }
0xf1: {  	_ =	swait.ge [sflag:s19], $0x80  }
0xf2: {  	[sflag:s19] =	ssyncset.done $0x0  }
0xf3: {  	s15 =	rddreg [dreg:$0xf];
	[sflag:s19] =	ssyncadd.s32 $0xFFFFFF80  }
0xf4: {  	[tilespmem:s14], [sflag:$0x1] =	stream.linear.gather [hbm4b:s15+s4], $0x4000, $0x38;
	[tilespmem:$0x11810] =	vst v63  }
0xf5: {  	_ =	swait.ge [sflag:s12], $0x4000  }
0xf6: {  	[sflag:s12] =	ssyncset.done $0x0  }
0xf7: {  	[sflag:s12] =	ssyncadd.s32 $0xFFFFC000  }
0xf8: {  	[spmem:s2] =	stream.indirect.scatter.add.f32 [tilespmem:s11], [sflag:$0x3], $0x80, s22, s13, $0xb8;
	[tilespmem:$0x11810] =	vst v63  }
0xf9: {  	_ = 	snop  }
0xfa: {  	[spmem:s3] =	stream.indirect.scatter.add.f32 [tilespmem:s8], [sflag:$0x4], $0x1, s22, s13, $0xb8;
	[tilespmem:$0x11810] =	vst v63  }
0xfb: {  	_ =	swait.ge [sflag:s18], $0x4000  }
0xfc: {  	[sflag:s18] =	ssyncset.done $0x0  }
0xfd: {  	[sflag:s18] =	ssyncadd.s32 $0xFFFFC000  }
0xfe: {  	_ =	swait.ge [sflag:s19], $0x80  }
0xff: {  	[sflag:s19] =	ssyncset.done $0x0  }
0x100: {  	s17 =	rddreg [dreg:$0x10];
	[sflag:s19] =	ssyncadd.s32 $0xFFFFFF80  }
0x101: {  	[tilespmem:s16], [sflag:$0x1] =	stream.linear.gather [hbm4b:s17+s4], $0x4000, $0x38;
	[tilespmem:$0x11810] =	vst v63  }
0x102: {  	_ =	swait.ge [sflag:s12], $0x4000  }
0x103: {  	[sflag:s12] =	ssyncset.done $0x0  }
0x104: {  	[sflag:s12] =	ssyncadd.s32 $0xFFFFC000  }
0x105: {  	[spmem:s2] =	stream.indirect.scatter.add.f32 [tilespmem:s14], [sflag:$0x3], $0x80, s23, s13, $0xb8;
	[tilespmem:$0x11810] =	vst v63  }
0x106: {  	_ = 	snop  }
0x107: {  	[spmem:s3] =	stream.indirect.scatter.add.f32 [tilespmem:s8], [sflag:$0x4], $0x1, s23, s13, $0xb8;
	[tilespmem:$0x11810] =	vst v63  }
0x108: {  	_ =	swait.ge [sflag:s18], $0x4000  }
0x109: {  	[sflag:s18] =	ssyncset.done $0x0  }
0x10a: {  	[sflag:s18] =	ssyncadd.s32 $0xFFFFC000  }
0x10b: {  	_ =	swait.ge [sflag:s19], $0x80  }
0x10c: {  	[sflag:s19] =	ssyncset.done $0x0  }
0x10d: {  	s20 =	rddreg [dreg:$0x11];
	[sflag:s19] =	ssyncadd.s32 $0xFFFFFF80  }
0x10e: {  	[tilespmem:s4], [sflag:$0x1] =	stream.linear.gather [hbm4b:s20+s4], $0x4000, $0x38;
	[tilespmem:$0x11810] =	vst v63  }
0x10f: {  	_ =	swait.ge [sflag:s12], $0x4000  }
0x110: {  	[sflag:s12] =	ssyncset.done $0x0  }
0x111: {  	[sflag:s12] =	ssyncadd.s32 $0xFFFFC000  }
0x112: {  	[spmem:s2] =	stream.indirect.scatter.add.f32 [tilespmem:s16], [sflag:$0x3], $0x80, s24, s13, $0xb8;
	[tilespmem:$0x11810] =	vst v63  }
0x113: {  	_ = 	snop  }
0x114: {  	[spmem:s3] =	stream.indirect.scatter.add.f32 [tilespmem:s8], [sflag:$0x4], $0x1, s24, s13, $0xb8;
	[tilespmem:$0x11810] =	vst v63  }
0x115: {  	_ =	swait.ge [sflag:s18], $0x4000  }
0x116: {  	[sflag:s18] =	ssyncset.done $0x0  }
0x117: {  	[sflag:s18] =	ssyncadd.s32 $0xFFFFC000  }
0x118: {  	_ =	swait.ge [sflag:s19], $0x80  }
0x119: {  	[sflag:s19] =	ssyncset.done $0x0  }
0x11a: {  	s21 =	rddreg [dreg:$0x12];
	[sflag:s19] =	ssyncadd.s32 $0xFFFFFF80  }
0x11b: {  	[tilespmem:s11], [sflag:$0x1] =	stream.linear.gather [hbm4b:s21+s4], $0x4000, $0x38;
	[tilespmem:$0x11810] =	vst v63  }
0x11c: {  	_ =	swait.ge [sflag:s12], $0x4000  }
0x11d: {  	[sflag:s12] =	ssyncset.done $0x0  }
0x11e: {  	[sflag:s12] =	ssyncadd.s32 $0xFFFFC000  }
0x11f: {  	[spmem:s2] =	stream.indirect.scatter.add.f32 [tilespmem:s4], [sflag:$0x3], $0x80, s25, s13, $0xb8;
	[tilespmem:$0x11810] =	vst v63  }
0x120: {  	_ = 	snop  }
0x121: {  	[spmem:s3] =	stream.indirect.scatter.add.f32 [tilespmem:s8], [sflag:$0x4], $0x1, s25, s13, $0xb8;
	[tilespmem:$0x11810] =	vst v63  }
0x122: {  	_ =	swait.ge [sflag:s18], $0x4000  }
0x123: {  	[sflag:s18] =	ssyncset.done $0x0  }
0x124: {  	[sflag:s18] =	ssyncadd.s32 $0xFFFFC000  }
0x125: {  	_ =	swait.ge [sflag:s19], $0x80  }
0x126: {  	[sflag:s19] =	ssyncset.done $0x0  }
0x127: {  	s1 =	rddreg [dreg:$0x13];
	[sflag:s19] =	ssyncadd.s32 $0xFFFFFF80  }
0x128: {  	[tilespmem:s14], [sflag:$0x1] =	stream.linear.gather [hbm4b:s1+s4], $0x4000, $0x38;
	[tilespmem:$0x11810] =	vst v63  }
0x129: {  	_ =	swait.ge [sflag:s12], $0x4000  }
0x12a: {  	[sflag:s12] =	ssyncset.done $0x0  }
0x12b: {  	[sflag:s12] =	ssyncadd.s32 $0xFFFFC000  }
0x12c: {  	[spmem:s2] =	stream.indirect.scatter.add.f32 [tilespmem:s11], [sflag:$0x3], $0x80, s26, s13, $0xb8;
	[tilespmem:$0x11810] =	vst v63  }
0x12d: {  	_ = 	snop  }
0x12e: {  	[spmem:s3] =	stream.indirect.scatter.add.f32 [tilespmem:s8], [sflag:$0x4], $0x1, s26, s13, $0xb8;
	[tilespmem:$0x11810] =	vst v63  }
0x12f: {  	_ =	swait.ge [sflag:s18], $0x4000  }
0x130: {  	[sflag:s18] =	ssyncset.done $0x0  }
0x131: {  	[sflag:s18] =	ssyncadd.s32 $0xFFFFC000  }
0x132: {  	_ =	swait.ge [sflag:s19], $0x80  }
0x133: {  	[sflag:s19] =	ssyncset.done $0x0  }
0x134: {  	s15 =	rddreg [dreg:$0x14];
	[sflag:s19] =	ssyncadd.s32 $0xFFFFFF80  }
0x135: {  	[tilespmem:s16], [sflag:$0x1] =	stream.linear.gather [hbm4b:s15+s4], $0x4000, $0x38;
	[tilespmem:$0x11810] =	vst v63  }
0x136: {  	_ =	swait.ge [sflag:s12], $0x4000  }
0x137: {  	[sflag:s12] =	ssyncset.done $0x0  }
0x138: {  	[sflag:s12] =	ssyncadd.s32 $0xFFFFC000  }
0x139: {  	[spmem:s2] =	stream.indirect.scatter.add.f32 [tilespmem:s14], [sflag:$0x3], $0x80, s28, s13, $0xb8;
	[tilespmem:$0x11810] =	vst v63  }
0x13a: {  	_ = 	snop  }
0x13b: {  	[spmem:s3] =	stream.indirect.scatter.add.f32 [tilespmem:s8], [sflag:$0x4], $0x1, s28, s13, $0xb8;
	[tilespmem:$0x11810] =	vst v63  }
0x13c: {  	_ =	swait.ge [sflag:s18], $0x4000  }
0x13d: {  	[sflag:s18] =	ssyncset.done $0x0  }
0x13e: {  	[sflag:s18] =	ssyncadd.s32 $0xFFFFC000  }
0x13f: {  	_ =	swait.ge [sflag:s19], $0x80  }
0x140: {  	[sflag:s19] =	ssyncset.done $0x0  }
0x141: {  	s17 =	rddreg [dreg:$0x15];
	[sflag:s19] =	ssyncadd.s32 $0xFFFFFF80  }
0x142: {  	[tilespmem:s4], [sflag:$0x1] =	stream.linear.gather [hbm4b:s17+s4], $0x4000, $0x38;
	[tilespmem:$0x11810] =	vst v63  }
0x143: {  	_ =	swait.ge [sflag:s12], $0x4000  }
0x144: {  	[sflag:s12] =	ssyncset.done $0x0  }
0x145: {  	[sflag:s12] =	ssyncadd.s32 $0xFFFFC000  }
0x146: {  	[spmem:s2] =	stream.indirect.scatter.add.f32 [tilespmem:s16], [sflag:$0x3], $0x80, s29, s13, $0xb8;
	[tilespmem:$0x11810] =	vst v63  }
0x147: {  	_ = 	snop  }
0x148: {  	[spmem:s3] =	stream.indirect.scatter.add.f32 [tilespmem:s8], [sflag:$0x4], $0x1, s29, s13, $0xb8;
	[tilespmem:$0x11810] =	vst v63  }
0x149: {  	_ =	swait.ge [sflag:s18], $0x4000  }
0x14a: {  	[sflag:s18] =	ssyncset.done $0x0  }
0x14b: {  	[sflag:s18] =	ssyncadd.s32 $0xFFFFC000  }
0x14c: {  	_ =	swait.ge [sflag:s19], $0x80  }
0x14d: {  	[sflag:s19] =	ssyncset.done $0x0  }
0x14e: {  	[sflag:s19] =	ssyncadd.s32 $0xFFFFFF80  }
0x14f: {  	_ =	swait.ge [sflag:s12], $0x4000  }
0x150: {  	[sflag:s12] =	ssyncset.done $0x0  }
0x151: {  	[sflag:s12] =	ssyncadd.s32 $0xFFFFC000  }
0x152: {  	[spmem:s2] =	stream.indirect.scatter.add.f32 [tilespmem:s4], [sflag:$0x3], $0x80, s30, s13, $0xb8;
	[tilespmem:$0x11810] =	vst v63  }
0x153: {  	_ = 	snop  }
0x154: {  	[spmem:s3] =	stream.indirect.scatter.add.f32 [tilespmem:s8], [sflag:$0x4], $0x1, s30, s13, $0xb8;
	[tilespmem:$0x11810] =	vst v63  }
0x155: {  	_ =	swait.ge [sflag:s18], $0x4000  }
0x156: {  	[sflag:s18] =	ssyncset.done $0x0  }
0x157: {  	[sflag:s18] =	ssyncadd.s32 $0xFFFFC000  }
0x158: {  	_ =	swait.ge [sflag:s19], $0x80  }
0x159: {  	[sflag:s19] =	ssyncset.done $0x0  }
0x15a: {  	[sflag:s19] =	ssyncadd.s32 $0xFFFFFF80  }
0x15b: {  	_ =	swait.ge [sflag:s18], $0x4000  }
0x15c: {  	[sflag:s18] =	ssyncset.done $0x0  }
0x15d: {  	[sflag:s18] =	ssyncadd.s32 $0xFFFFC000  }
0x15e: {  	_ =	swait.ge [sflag:s19], $0x80  }
0x15f: {  	[sflag:s19] =	ssyncset.done $0x0  }
0x160: {  	[sflag:s19] =	ssyncadd.s32 $0xFFFFFF80  }
0x161: {  	_ =	swait.ge [sflag:s18], $0x4000  }
0x162: {  	[sflag:s18] =	ssyncset.done $0x0  }
0x163: {  	[sflag:s18] =	ssyncadd.s32 $0xFFFFC000  }
0x164: {  	_ =	swait.ge [sflag:s19], $0x80  }
0x165: {  	[sflag:s19] =	ssyncset.done $0x0  }
0x166: {  	s6 =	sadd.s32 $0xFFFFFFFF, s6;
	s21 =	stileid.u32;
	[sflag:s19] =	ssyncadd.s32 $0xFFFFFF80  }
0x167: {  	p1 =	sne.s32 s6, $0x0;
	s1 =	sshll.u32 s21, $0x6;
	[bflag:$0x0] =	sbarrier.arrive $0xFFFF  }
0x168: {  	s1 =	sor.u32 $0x1C05, s1;
	s15 =	sshrl.u32 s5, $0x3;
	s20 =	rddreg [dreg:$0x16]  }
0x169: {  	[hbm:s20], [sflag:s1] =	dma.local [spmem:s15], $0x100  }
0x16a: {  	s21 =	simm.s32 @!p0 $0x10;
	s17 =	simm.s32 @!p0 $0x1;
	_ =	swait.ge [sflag:s9], $0x100  }
0x16b: {  	s15 =	sshrl.u32 @!p0 s3, $0x3;
	s20 =	simm.s32 @!p0 $0x20;
	[sflag:s9] =	ssyncset.done $0x0  }
.Ltmp0:
0x16c: {  	s0 =	rddreg [dreg:$0x17];
	[sflag:s9] =	ssyncadd.s32 $0xFFFFFF00;
	(pc) =	sbr.rel @p1 .LBB2_1-.Ltmp0, $4  }
0x16d: {  	[hbm:s0@s20], [sflag:s1] =	dma.strided @!p0 [spmem:s15@s21], $0x20, s17, $0x10   }
0x16e: {  	_ =	swait.ge @!p0 [sflag:s31], $0x20  }
0x16f: {  	[sflag:s31] =	ssyncset.done @!p0 $0x0  }
0x170: {  	[sflag:s31] =	ssyncadd.s32 @!p0 $0xFFFFFFE0  }
0x171: {  	_ =	sfence.sel $0x180000  }
0x172: {  	[bflag:$0x0] =	sbarrier.arrive $0xFFFF  }
0x173: {  	_ =	strace $0x90000047  }
0x174: {  	[bflag:$0x2] =	sbarrier.arrive $0xFFFF  }
0x175: {  	s0 =	rddreg [dreg:$0x5]  }
0x176: {  	s0 =	sadd.s32 @!p0 $0x100000, s0  }
0x177: {  	[sflag:s0] =	ssyncadd.tile.s32 @!p0 $0x1;
	_ =	shalt  }
.Lfunc_end2:
_tile_overlayer_lowered:
.L_overlay_start_2:
0x178: {  	(tag) =	ssettag $0x2  }
0x179: {  	s0 =	rddreg [dreg:$0x0];
	s2 =	stileid.u32  }
0x17a: {  	s1 =	rddreg [dreg:$0x1];
	p0 =	sne.s32 s2, $0x0  }
0x17b: {  	s3 =	rddreg [dreg:$0x2];
	[bflag:$0x3] =	sbarrier.arrive $0xFFFF;
	s2 =	simm.s32 @!p0 $0x1C05  }
0x17c: {  	[timem:s3], [sflag:s2] =	dma.local @!p0 [hbm:s0], s1  }
0x17d: {  	s0 =	simm.s32 @!p0 $0x5  }
0x17e: {  	_ =	swait.ge @!p0 [sflag:s0], s1  }
0x17f: {  	s1 =	ssub.s32 @!p0 $0x0, s1;
	[sflag:s0] =	ssyncset.done @!p0 $0x0  }
0x180: {  	[sflag:s0] =	ssyncadd.s32 @!p0 s1  }
0x181: {  	[bflag:$0x3] =	sbarrier.arrive $0xFFFF  }
0x182: {  	_ =	shalt  }

</sc_bundles>
